<compile_context>
chip_gen: v7x
topology: tpu7x:2x2x1
jax: 0.10.2.dev20260603
libtpu: 0.0.44.dev20260713+nightly
codegen_flags: <defaults>
</compile_context>

<pallas_src>
import functools

import jax
import jax.numpy as jnp
from jax import lax
from jax.experimental import pallas as pl
from jax.experimental.pallas import tpu as pltpu
from jax.experimental.pallas import tpu_sc as plsc

N_NODES = 10000
D = 128
NC = 2
NS = 16
CHUNK = 128
N_EDGES = 320000
TOT_CHUNKS = N_EDGES // CHUNK
WPT = 76
BIG_TILES = 17
N_PAD = 10240
ZERO_ROWS = N_PAD // NS


def _sc_scatter(x, e, zdeg):
    mesh = plsc.VectorSubcoreMesh(core_axis_name="c", subcore_axis_name="s")

    @functools.partial(
        pl.kernel,
        out_type=[
            jax.ShapeDtypeStruct((NC * N_PAD, D), jnp.float32),
            jax.ShapeDtypeStruct((NC * N_PAD,), jnp.float32),
        ],
        mesh=mesh,
        scratch_types=[
            pltpu.VMEM((2, CHUNK), jnp.int32),
            pltpu.VMEM((2, CHUNK), jnp.int32),
            pltpu.VMEM((2, CHUNK), jnp.int32),
            pltpu.VMEM((2, CHUNK), jnp.int32),
            pltpu.VMEM((CHUNK, D), jnp.float32),
            pltpu.VMEM((CHUNK, D), jnp.float32),
            pltpu.VMEM((CHUNK,), jnp.float32),
            pltpu.VMEM_SHARED((N_PAD, D), jnp.float32),
            pltpu.VMEM_SHARED((N_PAD,), jnp.float32),
            pltpu.SemaphoreType.DMA,
            pltpu.SemaphoreType.DMA,
            pltpu.SemaphoreType.DMA,
        ],
    )
    def k(x_hbm, e_hbm, zd_hbm, agg_out, deg_out,
          idx0, idx1, idx2, idx3, rows_a, rows_b, ones, agg_sh, deg_sh,
          gsem, isem, ssem):
        c = lax.axis_index("c")
        s = lax.axis_index("s")
        flat = c * NS + s
        n_my = WPT + jnp.where(flat < BIG_TILES, 4, 0)
        base = (flat * WPT + 4 * jnp.minimum(flat, BIG_TILES)) * CHUNK
        idxs = (idx0, idx1, idx2, idx3)
        rows = (rows_a, rows_b)

        def zrow(r, carry):
            for j in range(D // 16):
                rows_a[r, pl.ds(j * 16, 16)] = jnp.zeros((16,), jnp.float32)
            return carry

        lax.fori_loop(0, CHUNK, zrow, 0)
        for t in range(ZERO_ROWS // CHUNK):
            pltpu.sync_copy(rows_a,
                            agg_sh.at[pl.ds(s * ZERO_ROWS + t * CHUNK, CHUNK)])

        @pl.when(s == 0)
        def _():
            pltpu.sync_copy(zd_hbm, deg_sh)

        for j in range(CHUNK // 16):
            ones[pl.ds(j * 16, 16)] = jnp.ones((16,), jnp.float32)

        plsc.subcore_barrier()

        def idx_load(g, k_, sync=False):
            off = base + jnp.minimum(g, n_my - 1) * CHUNK
            if sync:
                pltpu.sync_copy(e_hbm.at[0, pl.ds(off, CHUNK)], idxs[k_].at[0])
                pltpu.sync_copy(e_hbm.at[1, pl.ds(off, CHUNK)], idxs[k_].at[1])
            else:
                pltpu.async_copy(e_hbm.at[0, pl.ds(off, CHUNK)],
                                 idxs[k_].at[0], isem)
                pltpu.async_copy(e_hbm.at[1, pl.ds(off, CHUNK)],
                                 idxs[k_].at[1], isem)

        def idx_wait(k_):
            pltpu.make_async_copy(e_hbm.at[0, pl.ds(0, CHUNK)],
                                  idxs[k_].at[0], isem).wait()
            pltpu.make_async_copy(e_hbm.at[1, pl.ds(0, CHUNK)],
                                  idxs[k_].at[1], isem).wait()

        def gather(k_, j_):
            pltpu.async_copy(x_hbm.at[idxs[k_].at[0]], rows[j_], gsem)

        def gather_wait(k_, j_):
            pltpu.make_async_copy(x_hbm.at[idxs[k_].at[0]], rows[j_],
                                  gsem).wait()

        def scatters(k_, j_):
            pltpu.async_copy(rows[j_], agg_sh.at[idxs[k_].at[1]], ssem,
                             add=True)
            pltpu.async_copy(ones, deg_sh.at[idxs[k_].at[1]], ssem, add=True)

        def scatters_wait(k_, j_):
            pltpu.make_async_copy(rows[j_], agg_sh.at[idxs[k_].at[1]],
                                  ssem).wait()
            pltpu.make_async_copy(ones, deg_sh.at[idxs[k_].at[1]],
                                  ssem).wait()

        idx_load(0, 0, sync=True)
        idx_load(1, 1)
        idx_load(2, 2)
        gather(0, 0)

        def quad(q, carry):
            for j in range(4):
                g = 4 * q + j
                gather_wait(j, j % 2)

                @pl.when(g >= 1)
                def _():
                    scatters_wait((j - 1) % 4, (j - 1) % 2)

                @pl.when(g + 1 < n_my)
                def _():
                    idx_wait((j + 1) % 4)
                    gather((j + 1) % 4, (j + 1) % 2)

                scatters(j, j % 2)
                idx_load(g + 3, (j + 3) % 4)
            return carry

        lax.fori_loop(0, n_my // 4, quad, 0)

        scatters_wait(3, 1)
        for _ in range(3):
            idx_wait(0)

        plsc.subcore_barrier()

        pltpu.sync_copy(agg_sh.at[pl.ds(s * ZERO_ROWS, ZERO_ROWS)],
                        agg_out.at[pl.ds(c * N_PAD + s * ZERO_ROWS, ZERO_ROWS)])

        @pl.when(s == 0)
        def _():
            pltpu.sync_copy(deg_sh, deg_out.at[pl.ds(c * N_PAD, N_PAD)])

    return k(x, e, zdeg)


def _tc_finish(agg, deg, W, b):
    blk = 1024
    grid = (N_PAD // blk,)

    def body(a_ref, d_ref, w_ref, b_ref, o_ref):
        a = a_ref[0] + a_ref[1]
        dg = d_ref[0] + d_ref[1]
        o_ref[...] = (jnp.dot(a, w_ref[...], preferred_element_type=jnp.float32)
                      + dg[:, None] * b_ref[...])

    return pl.pallas_call(
        body,
        grid=grid,
        in_specs=[
            pl.BlockSpec((NC, blk, D), lambda i: (0, i, 0)),
            pl.BlockSpec((NC, blk), lambda i: (0, i)),
            pl.BlockSpec((D, D), lambda i: (0, 0)),
            pl.BlockSpec((1, D), lambda i: (0, 0)),
        ],
        out_specs=pl.BlockSpec((blk, D), lambda i: (i, 0)),
        out_shape=jax.ShapeDtypeStruct((N_PAD, D), jnp.float32),
    )(agg, deg, W, b.reshape(1, D))


def kernel(x, edge_index, W, b):
    e = edge_index.astype(jnp.int32)
    zdeg = jnp.zeros((N_PAD,), jnp.float32)
    agg, deg = _sc_scatter(x, e, zdeg)
    out = _tc_finish(agg.reshape(NC, N_PAD, D), deg.reshape(NC, N_PAD), W, b)
    return out[:N_NODES]

# --- scband reference (transcript-rebuilt; emitter-appended) ---
"""Pipeline reference for scband-network-45268955300191 (READ-ONLY COPY).

The authoritative reference and input builder live on the scoring server;
editing this copy changes nothing except your own understanding.
"""

import jax, jax.numpy as jnp
import numpy as np

N_NODES = 10000
N_EDGES = 320000
D_IN = 128
D_OUT = 128


def setup_inputs(seed: int = 0) -> dict:
    key = jax.random.key(seed)
    k1, k2, k3, k4 = jax.random.split(key, 4)
    x = jax.random.normal(k1, (N_NODES, D_IN), dtype=jnp.float32)
    edge_index = jax.random.randint(k2, (2, N_EDGES), 0, N_NODES, dtype=jnp.int64)
    W = jax.random.normal(k3, (D_IN, D_OUT), dtype=jnp.float32) * (1.0 / np.sqrt(D_IN))
    b = jax.random.normal(k4, (D_OUT,), dtype=jnp.float32) * 0.01
    return {"x": x, "edge_index": edge_index, "W": W, "b": b}


def scatter_add(src, index, dim_size):
    # faithful jax translation of:
    #   out = src.new_zeros(dim_size, src.shape[1])
    #   index = index.reshape(-1, 1).expand_as(src)
    #   out.scatter_add_(0, index, src)
    out = jnp.zeros((dim_size, src.shape[1]), dtype=src.dtype)
    return out.at[index].add(src)


def reference(x, edge_index, W, b):
    src = edge_index[0]
    dst = edge_index[1]
    # message: gather source node features, linear transform
    msg = x[src] @ W + b
    # aggregate: scatter-add messages to destination nodes
    out = scatter_add(msg, dst, x.shape[0])
    return out

if __name__ == "__main__":
    import jax
    _d = setup_inputs()
    print(jax.jit(kernel)(*tuple(_d.values())))

</pallas_src>

<mosaic_0001>
#map = affine_map<(d0, d1) -> (0, 0)>
#map1 = affine_map<(d0, d1) -> (0)>
module attributes {stable_mosaic.version = 14 : i64} {
  func.func @k(%arg0: i32, %arg1: i32, %arg2: memref<10000x128xf32, #tpu.memory_space<hbm>>, %arg3: memref<2x320000xi32, #tpu.memory_space<hbm>>, %arg4: memref<10240xf32, #tpu.memory_space<hbm>>, %arg5: memref<20480x128xf32, #tpu.memory_space<hbm>>, %arg6: memref<20480xf32, #tpu.memory_space<hbm>>, %arg7: memref<2x128xi32, #tpu.memory_space<vmem>>, %arg8: memref<2x128xi32, #tpu.memory_space<vmem>>, %arg9: memref<2x128xi32, #tpu.memory_space<vmem>>, %arg10: memref<2x128xi32, #tpu.memory_space<vmem>>, %arg11: memref<128x128xf32, #tpu.memory_space<vmem>>, %arg12: memref<128x128xf32, #tpu.memory_space<vmem>>, %arg13: memref<128xf32, #tpu.memory_space<vmem>>, %arg14: memref<10240x128xf32, #tpu.memory_space<vmem_shared>>, %arg15: memref<10240xf32, #tpu.memory_space<vmem_shared>>, %arg16: memref<!tpu.dma_semaphore, #tpu.memory_space<semaphore_mem>>, %arg17: memref<!tpu.dma_semaphore, #tpu.memory_space<semaphore_mem>>, %arg18: memref<!tpu.dma_semaphore, #tpu.memory_space<semaphore_mem>>) attributes {dimension_semantics = [#tpu.dimension_semantics<core_parallel>, #tpu.dimension_semantics<subcore_parallel>], iteration_bounds = array<i64: 2, 16>, scalar_prefetch = 0 : i64, scratch_operands = 12 : i64, tpu.core_type = #tpu.core_type<sc_vector_subcore>, window_params = [{transform_indices = #map}, {transform_indices = #map}, {transform_indices = #map1}, {transform_indices = #map}, {transform_indices = #map1}]} {
    %mul3A = arith.constant 16 : i32
    %mul3A_0 = arith.muli %arg0, %mul3A : i32
    %add3A = arith.addi %mul3A_0, %arg1 : i32
    %lt3A = arith.constant 17 : i32
    %lt3A_1 = arith.cmpi slt, %add3A, %lt3A : i32
    %jit3A = arith.constant 4 : i32
    %jit3A_2 = arith.constant 0 : i32
    %select_n3A = arith.select %lt3A_1, %jit3A, %jit3A_2 : i32
    %add3A_3 = arith.constant 76 : i32
    %add3A_4 = arith.addi %add3A_3, %select_n3A : i32
    %mul3A_5 = arith.constant 76 : i32
    %mul3A_6 = arith.muli %add3A, %mul3A_5 : i32
    %min3A = arith.constant 17 : i32
    %min3A_7 = arith.minsi %add3A, %min3A : i32
    %mul3A_8 = arith.constant 4 : i32
    %mul3A_9 = arith.muli %mul3A_8, %min3A_7 : i32
    %add3A_10 = arith.addi %mul3A_6, %mul3A_9 : i32
    %mul3A_11 = arith.constant 128 : i32
    %mul3A_12 = arith.muli %add3A_10, %mul3A_11 : i32
    %scan3A = arith.constant 0 : i32
    %scan3A_13 = arith.constant 0 : i32
    %scan3A_14 = arith.constant 128 : i32
    %scan3A_15 = arith.addi %scan3A_13, %scan3A_14 : i32
    %scan3A_16 = arith.constant 1 : i32
    scf.for %scan3A_300 = %scan3A_13 to %scan3A_15 step %scan3A_16  : i32 {
      %broadcast_in_dim3A_301 = arith.constant 0.000000e+00 : f32
      %broadcast_in_dim3A_302 = vector.broadcast %broadcast_in_dim3A_301 : f32 to vector<16xf32>
      %swap3A_303 = arith.index_cast %scan3A_300 : i32 to index
      %swap3A_304 = arith.constant 0 : index
      %swap3A_305 = tpu.vector_load %arg11[%swap3A_303, %swap3A_304] {strides = array<i32>} : memref<128x128xf32, #tpu.memory_space<vmem>>, vector<1x16xf32>,
      %swap3A_306 = vector.shape_cast %swap3A_305 : vector<1x16xf32> to vector<16xf32>
      %swap3A_307 = vector.shape_cast %broadcast_in_dim3A_302 : vector<16xf32> to vector<1x16xf32>
      tpu.vector_store %arg11[%swap3A_303, %swap3A_304], %swap3A_307 {strides = array<i32>} : memref<128x128xf32, #tpu.memory_space<vmem>>, vector<1x16xf32>,
      %broadcast_in_dim3A_308 = arith.constant 0.000000e+00 : f32
      %broadcast_in_dim3A_309 = vector.broadcast %broadcast_in_dim3A_308 : f32 to vector<16xf32>
      %swap3A_310 = arith.index_cast %scan3A_300 : i32 to index
      %swap3A_311 = arith.constant 16 : index
      %swap3A_312 = tpu.vector_load %arg11[%swap3A_310, %swap3A_311] {strides = array<i32>} : memref<128x128xf32, #tpu.memory_space<vmem>>, vector<1x16xf32>,
      %swap3A_313 = vector.shape_cast %swap3A_312 : vector<1x16xf32> to vector<16xf32>
      %swap3A_314 = vector.shape_cast %broadcast_in_dim3A_309 : vector<16xf32> to vector<1x16xf32>
      tpu.vector_store %arg11[%swap3A_310, %swap3A_311], %swap3A_314 {strides = array<i32>} : memref<128x128xf32, #tpu.memory_space<vmem>>, vector<1x16xf32>,
      %broadcast_in_dim3A_315 = arith.constant 0.000000e+00 : f32
      %broadcast_in_dim3A_316 = vector.broadcast %broadcast_in_dim3A_315 : f32 to vector<16xf32>
      %swap3A_317 = arith.index_cast %scan3A_300 : i32 to index
      %swap3A_318 = arith.constant 32 : index
      %swap3A_319 = tpu.vector_load %arg11[%swap3A_317, %swap3A_318] {strides = array<i32>} : memref<128x128xf32, #tpu.memory_space<vmem>>, vector<1x16xf32>,
      %swap3A_320 = vector.shape_cast %swap3A_319 : vector<1x16xf32> to vector<16xf32>
      %swap3A_321 = vector.shape_cast %broadcast_in_dim3A_316 : vector<16xf32> to vector<1x16xf32>
      tpu.vector_store %arg11[%swap3A_317, %swap3A_318], %swap3A_321 {strides = array<i32>} : memref<128x128xf32, #tpu.memory_space<vmem>>, vector<1x16xf32>,
      %broadcast_in_dim3A_322 = arith.constant 0.000000e+00 : f32
      %broadcast_in_dim3A_323 = vector.broadcast %broadcast_in_dim3A_322 : f32 to vector<16xf32>
      %swap3A_324 = arith.index_cast %scan3A_300 : i32 to index
      %swap3A_325 = arith.constant 48 : index
      %swap3A_326 = tpu.vector_load %arg11[%swap3A_324, %swap3A_325] {strides = array<i32>} : memref<128x128xf32, #tpu.memory_space<vmem>>, vector<1x16xf32>,
      %swap3A_327 = vector.shape_cast %swap3A_326 : vector<1x16xf32> to vector<16xf32>
      %swap3A_328 = vector.shape_cast %broadcast_in_dim3A_323 : vector<16xf32> to vector<1x16xf32>
      tpu.vector_store %arg11[%swap3A_324, %swap3A_325], %swap3A_328 {strides = array<i32>} : memref<128x128xf32, #tpu.memory_space<vmem>>, vector<1x16xf32>,
      %broadcast_in_dim3A_329 = arith.constant 0.000000e+00 : f32
      %broadcast_in_dim3A_330 = vector.broadcast %broadcast_in_dim3A_329 : f32 to vector<16xf32>
      %swap3A_331 = arith.index_cast %scan3A_300 : i32 to index
      %swap3A_332 = arith.constant 64 : index
      %swap3A_333 = tpu.vector_load %arg11[%swap3A_331, %swap3A_332] {strides = array<i32>} : memref<128x128xf32, #tpu.memory_space<vmem>>, vector<1x16xf32>,
      %swap3A_334 = vector.shape_cast %swap3A_333 : vector<1x16xf32> to vector<16xf32>
      %swap3A_335 = vector.shape_cast %broadcast_in_dim3A_330 : vector<16xf32> to vector<1x16xf32>
      tpu.vector_store %arg11[%swap3A_331, %swap3A_332], %swap3A_335 {strides = array<i32>} : memref<128x128xf32, #tpu.memory_space<vmem>>, vector<1x16xf32>,
      %broadcast_in_dim3A_336 = arith.constant 0.000000e+00 : f32
      %broadcast_in_dim3A_337 = vector.broadcast %broadcast_in_dim3A_336 : f32 to vector<16xf32>
      %swap3A_338 = arith.index_cast %scan3A_300 : i32 to index
      %swap3A_339 = arith.constant 80 : index
      %swap3A_340 = tpu.vector_load %arg11[%swap3A_338, %swap3A_339] {strides = array<i32>} : memref<128x128xf32, #tpu.memory_space<vmem>>, vector<1x16xf32>,
      %swap3A_341 = vector.shape_cast %swap3A_340 : vector<1x16xf32> to vector<16xf32>
      %swap3A_342 = vector.shape_cast %broadcast_in_dim3A_337 : vector<16xf32> to vector<1x16xf32>
      tpu.vector_store %arg11[%swap3A_338, %swap3A_339], %swap3A_342 {strides = array<i32>} : memref<128x128xf32, #tpu.memory_space<vmem>>, vector<1x16xf32>,
      %broadcast_in_dim3A_343 = arith.constant 0.000000e+00 : f32
      %broadcast_in_dim3A_344 = vector.broadcast %broadcast_in_dim3A_343 : f32 to vector<16xf32>
      %swap3A_345 = arith.index_cast %scan3A_300 : i32 to index
      %swap3A_346 = arith.constant 96 : index
      %swap3A_347 = tpu.vector_load %arg11[%swap3A_345, %swap3A_346] {strides = array<i32>} : memref<128x128xf32, #tpu.memory_space<vmem>>, vector<1x16xf32>,
      %swap3A_348 = vector.shape_cast %swap3A_347 : vector<1x16xf32> to vector<16xf32>
      %swap3A_349 = vector.shape_cast %broadcast_in_dim3A_344 : vector<16xf32> to vector<1x16xf32>
      tpu.vector_store %arg11[%swap3A_345, %swap3A_346], %swap3A_349 {strides = array<i32>} : memref<128x128xf32, #tpu.memory_space<vmem>>, vector<1x16xf32>,
      %broadcast_in_dim3A_350 = arith.constant 0.000000e+00 : f32
      %broadcast_in_dim3A_351 = vector.broadcast %broadcast_in_dim3A_350 : f32 to vector<16xf32>
      %swap3A_352 = arith.index_cast %scan3A_300 : i32 to index
      %swap3A_353 = arith.constant 112 : index
      %swap3A_354 = tpu.vector_load %arg11[%swap3A_352, %swap3A_353] {strides = array<i32>} : memref<128x128xf32, #tpu.memory_space<vmem>>, vector<1x16xf32>,
      %swap3A_355 = vector.shape_cast %swap3A_354 : vector<1x16xf32> to vector<16xf32>
      %swap3A_356 = vector.shape_cast %broadcast_in_dim3A_351 : vector<16xf32> to vector<1x16xf32>
      tpu.vector_store %arg11[%swap3A_352, %swap3A_353], %swap3A_356 {strides = array<i32>} : memref<128x128xf32, #tpu.memory_space<vmem>>, vector<1x16xf32>,
    }
    %scan3A_17 = arith.constant 128 : i32
    %mul3A_18 = arith.constant 640 : i32
    %mul3A_19 = arith.muli %arg1, %mul3A_18 : i32
    %add3A_20 = arith.constant 0 : i32
    %add3A_21 = arith.addi %mul3A_19, %add3A_20 : i32
    "tpu.region"() ({
      %run_scoped3A_300 = tpu.sem_alloc : memref<!tpu.dma_semaphore, #tpu.memory_space<semaphore_mem>>
      %dma_start3A_301 = arith.constant 0 : i32
      %dma_start3A_302 = tpu.memref_slice %arg14[%add3A_21, %dma_start3A_301] : memref<10240x128xf32, #tpu.memory_space<vmem_shared>> -> memref<128x128xf32, #tpu.memory_space<vmem_shared>>
      %dma_start3A_303 = arith.constant 0 : i32
      %dma_start3A_304 = tpu.memref_slice %arg14[%add3A_21, %dma_start3A_303] : memref<10240x128xf32, #tpu.memory_space<vmem_shared>> -> memref<128x128xf32, #tpu.memory_space<vmem_shared>>
      tpu.enqueue_dma source(%arg11 : memref<128x128xf32, #tpu.memory_space<vmem>>) target(%dma_start3A_304 : memref<128x128xf32, #tpu.memory_space<vmem_shared>>) target_semaphore(%run_scoped3A_300 : memref<!tpu.dma_semaphore, #tpu.memory_space<semaphore_mem>>)
      %dma_wait3A_305 = arith.constant 0 : i32
      %dma_wait3A_306 = tpu.memref_slice %arg14[%add3A_21, %dma_wait3A_305] : memref<10240x128xf32, #tpu.memory_space<vmem_shared>> -> memref<128x128xf32, #tpu.memory_space<vmem_shared>>
      %dma_wait3A_307 = arith.constant 0 : i32
      %dma_wait3A_308 = tpu.memref_slice %arg14[%add3A_21, %dma_wait3A_307] : memref<10240x128xf32, #tpu.memory_space<vmem_shared>> -> memref<128x128xf32, #tpu.memory_space<vmem_shared>>
      tpu.wait_dma2 semaphore(%run_scoped3A_300 : memref<!tpu.dma_semaphore, #tpu.memory_space<semaphore_mem>>) src(%arg11 : memref<128x128xf32, #tpu.memory_space<vmem>>) dst(%dma_wait3A_308 : memref<128x128xf32, #tpu.memory_space<vmem_shared>>)
      tpu.yield
    }) : () -> ()
    %mul3A_22 = arith.constant 640 : i32
    %mul3A_23 = arith.muli %arg1, %mul3A_22 : i32
    %add3A_24 = arith.constant 128 : i32
    %add3A_25 = arith.addi %mul3A_23, %add3A_24 : i32
    "tpu.region"() ({
      %run_scoped3A_300 = tpu.sem_alloc : memref<!tpu.dma_semaphore, #tpu.memory_space<semaphore_mem>>
      %dma_start3A_301 = arith.constant 0 : i32
      %dma_start3A_302 = tpu.memref_slice %arg14[%add3A_25, %dma_start3A_301] : memref<10240x128xf32, #tpu.memory_space<vmem_shared>> -> memref<128x128xf32, #tpu.memory_space<vmem_shared>>
      %dma_start3A_303 = arith.constant 0 : i32
      %dma_start3A_304 = tpu.memref_slice %arg14[%add3A_25, %dma_start3A_303] : memref<10240x128xf32, #tpu.memory_space<vmem_shared>> -> memref<128x128xf32, #tpu.memory_space<vmem_shared>>
      tpu.enqueue_dma source(%arg11 : memref<128x128xf32, #tpu.memory_space<vmem>>) target(%dma_start3A_304 : memref<128x128xf32, #tpu.memory_space<vmem_shared>>) target_semaphore(%run_scoped3A_300 : memref<!tpu.dma_semaphore, #tpu.memory_space<semaphore_mem>>)
      %dma_wait3A_305 = arith.constant 0 : i32
      %dma_wait3A_306 = tpu.memref_slice %arg14[%add3A_25, %dma_wait3A_305] : memref<10240x128xf32, #tpu.memory_space<vmem_shared>> -> memref<128x128xf32, #tpu.memory_space<vmem_shared>>
      %dma_wait3A_307 = arith.constant 0 : i32
      %dma_wait3A_308 = tpu.memref_slice %arg14[%add3A_25, %dma_wait3A_307] : memref<10240x128xf32, #tpu.memory_space<vmem_shared>> -> memref<128x128xf32, #tpu.memory_space<vmem_shared>>
      tpu.wait_dma2 semaphore(%run_scoped3A_300 : memref<!tpu.dma_semaphore, #tpu.memory_space<semaphore_mem>>) src(%arg11 : memref<128x128xf32, #tpu.memory_space<vmem>>) dst(%dma_wait3A_308 : memref<128x128xf32, #tpu.memory_space<vmem_shared>>)
      tpu.yield
    }) : () -> ()
    %mul3A_26 = arith.constant 640 : i32
    %mul3A_27 = arith.muli %arg1, %mul3A_26 : i32
    %add3A_28 = arith.constant 256 : i32
    %add3A_29 = arith.addi %mul3A_27, %add3A_28 : i32
    "tpu.region"() ({
      %run_scoped3A_300 = tpu.sem_alloc : memref<!tpu.dma_semaphore, #tpu.memory_space<semaphore_mem>>
      %dma_start3A_301 = arith.constant 0 : i32
      %dma_start3A_302 = tpu.memref_slice %arg14[%add3A_29, %dma_start3A_301] : memref<10240x128xf32, #tpu.memory_space<vmem_shared>> -> memref<128x128xf32, #tpu.memory_space<vmem_shared>>
      %dma_start3A_303 = arith.constant 0 : i32
      %dma_start3A_304 = tpu.memref_slice %arg14[%add3A_29, %dma_start3A_303] : memref<10240x128xf32, #tpu.memory_space<vmem_shared>> -> memref<128x128xf32, #tpu.memory_space<vmem_shared>>
      tpu.enqueue_dma source(%arg11 : memref<128x128xf32, #tpu.memory_space<vmem>>) target(%dma_start3A_304 : memref<128x128xf32, #tpu.memory_space<vmem_shared>>) target_semaphore(%run_scoped3A_300 : memref<!tpu.dma_semaphore, #tpu.memory_space<semaphore_mem>>)
      %dma_wait3A_305 = arith.constant 0 : i32
      %dma_wait3A_306 = tpu.memref_slice %arg14[%add3A_29, %dma_wait3A_305] : memref<10240x128xf32, #tpu.memory_space<vmem_shared>> -> memref<128x128xf32, #tpu.memory_space<vmem_shared>>
      %dma_wait3A_307 = arith.constant 0 : i32
      %dma_wait3A_308 = tpu.memref_slice %arg14[%add3A_29, %dma_wait3A_307] : memref<10240x128xf32, #tpu.memory_space<vmem_shared>> -> memref<128x128xf32, #tpu.memory_space<vmem_shared>>
      tpu.wait_dma2 semaphore(%run_scoped3A_300 : memref<!tpu.dma_semaphore, #tpu.memory_space<semaphore_mem>>) src(%arg11 : memref<128x128xf32, #tpu.memory_space<vmem>>) dst(%dma_wait3A_308 : memref<128x128xf32, #tpu.memory_space<vmem_shared>>)
      tpu.yield
    }) : () -> ()
    %mul3A_30 = arith.constant 640 : i32
    %mul3A_31 = arith.muli %arg1, %mul3A_30 : i32
    %add3A_32 = arith.constant 384 : i32
    %add3A_33 = arith.addi %mul3A_31, %add3A_32 : i32
    "tpu.region"() ({
      %run_scoped3A_300 = tpu.sem_alloc : memref<!tpu.dma_semaphore, #tpu.memory_space<semaphore_mem>>
      %dma_start3A_301 = arith.constant 0 : i32
      %dma_start3A_302 = tpu.memref_slice %arg14[%add3A_33, %dma_start3A_301] : memref<10240x128xf32, #tpu.memory_space<vmem_shared>> -> memref<128x128xf32, #tpu.memory_space<vmem_shared>>
      %dma_start3A_303 = arith.constant 0 : i32
      %dma_start3A_304 = tpu.memref_slice %arg14[%add3A_33, %dma_start3A_303] : memref<10240x128xf32, #tpu.memory_space<vmem_shared>> -> memref<128x128xf32, #tpu.memory_space<vmem_shared>>
      tpu.enqueue_dma source(%arg11 : memref<128x128xf32, #tpu.memory_space<vmem>>) target(%dma_start3A_304 : memref<128x128xf32, #tpu.memory_space<vmem_shared>>) target_semaphore(%run_scoped3A_300 : memref<!tpu.dma_semaphore, #tpu.memory_space<semaphore_mem>>)
      %dma_wait3A_305 = arith.constant 0 : i32
      %dma_wait3A_306 = tpu.memref_slice %arg14[%add3A_33, %dma_wait3A_305] : memref<10240x128xf32, #tpu.memory_space<vmem_shared>> -> memref<128x128xf32, #tpu.memory_space<vmem_shared>>
      %dma_wait3A_307 = arith.constant 0 : i32
      %dma_wait3A_308 = tpu.memref_slice %arg14[%add3A_33, %dma_wait3A_307] : memref<10240x128xf32, #tpu.memory_space<vmem_shared>> -> memref<128x128xf32, #tpu.memory_space<vmem_shared>>
      tpu.wait_dma2 semaphore(%run_scoped3A_300 : memref<!tpu.dma_semaphore, #tpu.memory_space<semaphore_mem>>) src(%arg11 : memref<128x128xf32, #tpu.memory_space<vmem>>) dst(%dma_wait3A_308 : memref<128x128xf32, #tpu.memory_space<vmem_shared>>)
      tpu.yield
    }) : () -> ()
    %mul3A_34 = arith.constant 640 : i32
    %mul3A_35 = arith.muli %arg1, %mul3A_34 : i32
    %add3A_36 = arith.constant 512 : i32
    %add3A_37 = arith.addi %mul3A_35, %add3A_36 : i32
    "tpu.region"() ({
      %run_scoped3A_300 = tpu.sem_alloc : memref<!tpu.dma_semaphore, #tpu.memory_space<semaphore_mem>>
      %dma_start3A_301 = arith.constant 0 : i32
      %dma_start3A_302 = tpu.memref_slice %arg14[%add3A_37, %dma_start3A_301] : memref<10240x128xf32, #tpu.memory_space<vmem_shared>> -> memref<128x128xf32, #tpu.memory_space<vmem_shared>>
      %dma_start3A_303 = arith.constant 0 : i32
      %dma_start3A_304 = tpu.memref_slice %arg14[%add3A_37, %dma_start3A_303] : memref<10240x128xf32, #tpu.memory_space<vmem_shared>> -> memref<128x128xf32, #tpu.memory_space<vmem_shared>>
      tpu.enqueue_dma source(%arg11 : memref<128x128xf32, #tpu.memory_space<vmem>>) target(%dma_start3A_304 : memref<128x128xf32, #tpu.memory_space<vmem_shared>>) target_semaphore(%run_scoped3A_300 : memref<!tpu.dma_semaphore, #tpu.memory_space<semaphore_mem>>)
      %dma_wait3A_305 = arith.constant 0 : i32
      %dma_wait3A_306 = tpu.memref_slice %arg14[%add3A_37, %dma_wait3A_305] : memref<10240x128xf32, #tpu.memory_space<vmem_shared>> -> memref<128x128xf32, #tpu.memory_space<vmem_shared>>
      %dma_wait3A_307 = arith.constant 0 : i32
      %dma_wait3A_308 = tpu.memref_slice %arg14[%add3A_37, %dma_wait3A_307] : memref<10240x128xf32, #tpu.memory_space<vmem_shared>> -> memref<128x128xf32, #tpu.memory_space<vmem_shared>>
      tpu.wait_dma2 semaphore(%run_scoped3A_300 : memref<!tpu.dma_semaphore, #tpu.memory_space<semaphore_mem>>) src(%arg11 : memref<128x128xf32, #tpu.memory_space<vmem>>) dst(%dma_wait3A_308 : memref<128x128xf32, #tpu.memory_space<vmem_shared>>)
      tpu.yield
    }) : () -> ()
    %eq3A = arith.constant 0 : i32
    %eq3A_38 = arith.cmpi eq, %arg1, %eq3A : i32
    %convert_element_type3A = arith.extui %eq3A_38 : i1 to i32
    %cond3A = arith.constant 0 : i32
    %cond3A_39 = arith.cmpi ne, %convert_element_type3A, %cond3A : i32
    scf.if %cond3A_39 {
      "tpu.region"() ({
        %run_scoped3A_300 = tpu.sem_alloc : memref<!tpu.dma_semaphore, #tpu.memory_space<semaphore_mem>>
        tpu.enqueue_dma source(%arg4 : memref<10240xf32, #tpu.memory_space<hbm>>) target(%arg15 : memref<10240xf32, #tpu.memory_space<vmem_shared>>) target_semaphore(%run_scoped3A_300 : memref<!tpu.dma_semaphore, #tpu.memory_space<semaphore_mem>>)
        tpu.wait_dma2 semaphore(%run_scoped3A_300 : memref<!tpu.dma_semaphore, #tpu.memory_space<semaphore_mem>>) src(%arg4 : memref<10240xf32, #tpu.memory_space<hbm>>) dst(%arg15 : memref<10240xf32, #tpu.memory_space<vmem_shared>>)
        tpu.yield
      }) : () -> ()
    } else {
    }
    %broadcast_in_dim3A = arith.constant 1.000000e+00 : f32
    %broadcast_in_dim3A_40 = vector.broadcast %broadcast_in_dim3A : f32 to vector<16xf32>
    %swap3A = arith.constant 0 : index
    %swap3A_41 = tpu.vector_load %arg13[%swap3A] {strides = array<i32>} : memref<128xf32, #tpu.memory_space<vmem>>, vector<16xf32>,
    %swap3A_42 = vector.shape_cast %swap3A_41 : vector<16xf32> to vector<16xf32>
    %swap3A_43 = vector.shape_cast %broadcast_in_dim3A_40 : vector<16xf32> to vector<16xf32>
    tpu.vector_store %arg13[%swap3A], %swap3A_43 {strides = array<i32>} : memref<128xf32, #tpu.memory_space<vmem>>, vector<16xf32>,
    %broadcast_in_dim3A_44 = arith.constant 1.000000e+00 : f32
    %broadcast_in_dim3A_45 = vector.broadcast %broadcast_in_dim3A_44 : f32 to vector<16xf32>
    %swap3A_46 = arith.constant 16 : index
    %swap3A_47 = tpu.vector_load %arg13[%swap3A_46] {strides = array<i32>} : memref<128xf32, #tpu.memory_space<vmem>>, vector<16xf32>,
    %swap3A_48 = vector.shape_cast %swap3A_47 : vector<16xf32> to vector<16xf32>
    %swap3A_49 = vector.shape_cast %broadcast_in_dim3A_45 : vector<16xf32> to vector<16xf32>
    tpu.vector_store %arg13[%swap3A_46], %swap3A_49 {strides = array<i32>} : memref<128xf32, #tpu.memory_space<vmem>>, vector<16xf32>,
    %broadcast_in_dim3A_50 = arith.constant 1.000000e+00 : f32
    %broadcast_in_dim3A_51 = vector.broadcast %broadcast_in_dim3A_50 : f32 to vector<16xf32>
    %swap3A_52 = arith.constant 32 : index
    %swap3A_53 = tpu.vector_load %arg13[%swap3A_52] {strides = array<i32>} : memref<128xf32, #tpu.memory_space<vmem>>, vector<16xf32>,
    %swap3A_54 = vector.shape_cast %swap3A_53 : vector<16xf32> to vector<16xf32>
    %swap3A_55 = vector.shape_cast %broadcast_in_dim3A_51 : vector<16xf32> to vector<16xf32>
    tpu.vector_store %arg13[%swap3A_52], %swap3A_55 {strides = array<i32>} : memref<128xf32, #tpu.memory_space<vmem>>, vector<16xf32>,
    %broadcast_in_dim3A_56 = arith.constant 1.000000e+00 : f32
    %broadcast_in_dim3A_57 = vector.broadcast %broadcast_in_dim3A_56 : f32 to vector<16xf32>
    %swap3A_58 = arith.constant 48 : index
    %swap3A_59 = tpu.vector_load %arg13[%swap3A_58] {strides = array<i32>} : memref<128xf32, #tpu.memory_space<vmem>>, vector<16xf32>,
    %swap3A_60 = vector.shape_cast %swap3A_59 : vector<16xf32> to vector<16xf32>
    %swap3A_61 = vector.shape_cast %broadcast_in_dim3A_57 : vector<16xf32> to vector<16xf32>
    tpu.vector_store %arg13[%swap3A_58], %swap3A_61 {strides = array<i32>} : memref<128xf32, #tpu.memory_space<vmem>>, vector<16xf32>,
    %broadcast_in_dim3A_62 = arith.constant 1.000000e+00 : f32
    %broadcast_in_dim3A_63 = vector.broadcast %broadcast_in_dim3A_62 : f32 to vector<16xf32>
    %swap3A_64 = arith.constant 64 : index
    %swap3A_65 = tpu.vector_load %arg13[%swap3A_64] {strides = array<i32>} : memref<128xf32, #tpu.memory_space<vmem>>, vector<16xf32>,
    %swap3A_66 = vector.shape_cast %swap3A_65 : vector<16xf32> to vector<16xf32>
    %swap3A_67 = vector.shape_cast %broadcast_in_dim3A_63 : vector<16xf32> to vector<16xf32>
    tpu.vector_store %arg13[%swap3A_64], %swap3A_67 {strides = array<i32>} : memref<128xf32, #tpu.memory_space<vmem>>, vector<16xf32>,
    %broadcast_in_dim3A_68 = arith.constant 1.000000e+00 : f32
    %broadcast_in_dim3A_69 = vector.broadcast %broadcast_in_dim3A_68 : f32 to vector<16xf32>
    %swap3A_70 = arith.constant 80 : index
    %swap3A_71 = tpu.vector_load %arg13[%swap3A_70] {strides = array<i32>} : memref<128xf32, #tpu.memory_space<vmem>>, vector<16xf32>,
    %swap3A_72 = vector.shape_cast %swap3A_71 : vector<16xf32> to vector<16xf32>
    %swap3A_73 = vector.shape_cast %broadcast_in_dim3A_69 : vector<16xf32> to vector<16xf32>
    tpu.vector_store %arg13[%swap3A_70], %swap3A_73 {strides = array<i32>} : memref<128xf32, #tpu.memory_space<vmem>>, vector<16xf32>,
    %broadcast_in_dim3A_74 = arith.constant 1.000000e+00 : f32
    %broadcast_in_dim3A_75 = vector.broadcast %broadcast_in_dim3A_74 : f32 to vector<16xf32>
    %swap3A_76 = arith.constant 96 : index
    %swap3A_77 = tpu.vector_load %arg13[%swap3A_76] {strides = array<i32>} : memref<128xf32, #tpu.memory_space<vmem>>, vector<16xf32>,
    %swap3A_78 = vector.shape_cast %swap3A_77 : vector<16xf32> to vector<16xf32>
    %swap3A_79 = vector.shape_cast %broadcast_in_dim3A_75 : vector<16xf32> to vector<16xf32>
    tpu.vector_store %arg13[%swap3A_76], %swap3A_79 {strides = array<i32>} : memref<128xf32, #tpu.memory_space<vmem>>, vector<16xf32>,
    %broadcast_in_dim3A_80 = arith.constant 1.000000e+00 : f32
    %broadcast_in_dim3A_81 = vector.broadcast %broadcast_in_dim3A_80 : f32 to vector<16xf32>
    %swap3A_82 = arith.constant 112 : index
    %swap3A_83 = tpu.vector_load %arg13[%swap3A_82] {strides = array<i32>} : memref<128xf32, #tpu.memory_space<vmem>>, vector<16xf32>,
    %swap3A_84 = vector.shape_cast %swap3A_83 : vector<16xf32> to vector<16xf32>
    %swap3A_85 = vector.shape_cast %broadcast_in_dim3A_81 : vector<16xf32> to vector<16xf32>
    tpu.vector_store %arg13[%swap3A_82], %swap3A_85 {strides = array<i32>} : memref<128xf32, #tpu.memory_space<vmem>>, vector<16xf32>,
    %barrier3A = arith.constant 0 : index
    tpu.barrier barrier_id(%barrier3A)
    %sub3A = arith.constant 1 : i32
    %sub3A_86 = arith.subi %add3A_4, %sub3A : i32
    %min3A_87 = arith.constant 0 : i32
    %min3A_88 = arith.minsi %min3A_87, %sub3A_86 : i32
    %mul3A_89 = arith.constant 128 : i32
    %mul3A_90 = arith.muli %min3A_88, %mul3A_89 : i32
    %add3A_91 = arith.addi %mul3A_12, %mul3A_90 : i32
    %run_scoped3A = arith.constant 0 : i32
    %run_scoped3A_92 = arith.constant 0 : i32
    "tpu.region"() ({
      %run_scoped3A_300 = tpu.sem_alloc : memref<!tpu.dma_semaphore, #tpu.memory_space<semaphore_mem>>
      %dma_start3A_301 = arith.constant 0 : i32
      %dma_start3A_302 = tpu.memref_slice %arg7[%run_scoped3A_92, %dma_start3A_301] : memref<2x128xi32, #tpu.memory_space<vmem>> -> memref<1x128xi32, #tpu.memory_space<vmem>>
      %dma_start3A_303 = tpu.memref_squeeze %dma_start3A_302 : memref<1x128xi32, #tpu.memory_space<vmem>> -> memref<128xi32, #tpu.memory_space<vmem>>
      %dma_start3A_304 = tpu.memref_slice %arg3[%run_scoped3A, %add3A_91] : memref<2x320000xi32, #tpu.memory_space<hbm>> -> memref<1x128xi32, #tpu.memory_space<hbm>>
      %dma_start3A_305 = tpu.memref_squeeze %dma_start3A_304 : memref<1x128xi32, #tpu.memory_space<hbm>> -> memref<128xi32, #tpu.memory_space<hbm>>
      %dma_start3A_306 = arith.constant 0 : i32
      %dma_start3A_307 = tpu.memref_slice %arg7[%run_scoped3A_92, %dma_start3A_306] : memref<2x128xi32, #tpu.memory_space<vmem>> -> memref<1x128xi32, #tpu.memory_space<vmem>>
      %dma_start3A_308 = tpu.memref_squeeze %dma_start3A_307 : memref<1x128xi32, #tpu.memory_space<vmem>> -> memref<128xi32, #tpu.memory_space<vmem>>
      %dma_start3A_309 = tpu.memref_slice %arg3[%run_scoped3A, %add3A_91] : memref<2x320000xi32, #tpu.memory_space<hbm>> -> memref<1x128xi32, #tpu.memory_space<hbm>>
      %dma_start3A_310 = tpu.memref_squeeze %dma_start3A_309 : memref<1x128xi32, #tpu.memory_space<hbm>> -> memref<128xi32, #tpu.memory_space<hbm>>
      tpu.enqueue_dma source(%dma_start3A_310 : memref<128xi32, #tpu.memory_space<hbm>>) target(%dma_start3A_308 : memref<128xi32, #tpu.memory_space<vmem>>) target_semaphore(%run_scoped3A_300 : memref<!tpu.dma_semaphore, #tpu.memory_space<semaphore_mem>>)
      %dma_wait3A_311 = arith.constant 0 : i32
      %dma_wait3A_312 = tpu.memref_slice %arg7[%run_scoped3A_92, %dma_wait3A_311] : memref<2x128xi32, #tpu.memory_space<vmem>> -> memref<1x128xi32, #tpu.memory_space<vmem>>
      %dma_wait3A_313 = tpu.memref_squeeze %dma_wait3A_312 : memref<1x128xi32, #tpu.memory_space<vmem>> -> memref<128xi32, #tpu.memory_space<vmem>>
      %dma_wait3A_314 = tpu.memref_slice %arg3[%run_scoped3A, %add3A_91] : memref<2x320000xi32, #tpu.memory_space<hbm>> -> memref<1x128xi32, #tpu.memory_space<hbm>>
      %dma_wait3A_315 = tpu.memref_squeeze %dma_wait3A_314 : memref<1x128xi32, #tpu.memory_space<hbm>> -> memref<128xi32, #tpu.memory_space<hbm>>
      %dma_wait3A_316 = arith.constant 0 : i32
      %dma_wait3A_317 = tpu.memref_slice %arg7[%run_scoped3A_92, %dma_wait3A_316] : memref<2x128xi32, #tpu.memory_space<vmem>> -> memref<1x128xi32, #tpu.memory_space<vmem>>
      %dma_wait3A_318 = tpu.memref_squeeze %dma_wait3A_317 : memref<1x128xi32, #tpu.memory_space<vmem>> -> memref<128xi32, #tpu.memory_space<vmem>>
      %dma_wait3A_319 = tpu.memref_slice %arg3[%run_scoped3A, %add3A_91] : memref<2x320000xi32, #tpu.memory_space<hbm>> -> memref<1x128xi32, #tpu.memory_space<hbm>>
      %dma_wait3A_320 = tpu.memref_squeeze %dma_wait3A_319 : memref<1x128xi32, #tpu.memory_space<hbm>> -> memref<128xi32, #tpu.memory_space<hbm>>
      tpu.wait_dma2 semaphore(%run_scoped3A_300 : memref<!tpu.dma_semaphore, #tpu.memory_space<semaphore_mem>>) src(%dma_wait3A_320 : memref<128xi32, #tpu.memory_space<hbm>>) dst(%dma_wait3A_318 : memref<128xi32, #tpu.memory_space<vmem>>)
      tpu.yield
    }) : () -> ()
    %run_scoped3A_93 = arith.constant 1 : i32
    %run_scoped3A_94 = arith.constant 1 : i32
    "tpu.region"() ({
      %run_scoped3A_300 = tpu.sem_alloc : memref<!tpu.dma_semaphore, #tpu.memory_space<semaphore_mem>>
      %dma_start3A_301 = arith.constant 0 : i32
      %dma_start3A_302 = tpu.memref_slice %arg7[%run_scoped3A_94, %dma_start3A_301] : memref<2x128xi32, #tpu.memory_space<vmem>> -> memref<1x128xi32, #tpu.memory_space<vmem>>
      %dma_start3A_303 = tpu.memref_squeeze %dma_start3A_302 : memref<1x128xi32, #tpu.memory_space<vmem>> -> memref<128xi32, #tpu.memory_space<vmem>>
      %dma_start3A_304 = tpu.memref_slice %arg3[%run_scoped3A_93, %add3A_91] : memref<2x320000xi32, #tpu.memory_space<hbm>> -> memref<1x128xi32, #tpu.memory_space<hbm>>
      %dma_start3A_305 = tpu.memref_squeeze %dma_start3A_304 : memref<1x128xi32, #tpu.memory_space<hbm>> -> memref<128xi32, #tpu.memory_space<hbm>>
      %dma_start3A_306 = arith.constant 0 : i32
      %dma_start3A_307 = tpu.memref_slice %arg7[%run_scoped3A_94, %dma_start3A_306] : memref<2x128xi32, #tpu.memory_space<vmem>> -> memref<1x128xi32, #tpu.memory_space<vmem>>
      %dma_start3A_308 = tpu.memref_squeeze %dma_start3A_307 : memref<1x128xi32, #tpu.memory_space<vmem>> -> memref<128xi32, #tpu.memory_space<vmem>>
      %dma_start3A_309 = tpu.memref_slice %arg3[%run_scoped3A_93, %add3A_91] : memref<2x320000xi32, #tpu.memory_space<hbm>> -> memref<1x128xi32, #tpu.memory_space<hbm>>
      %dma_start3A_310 = tpu.memref_squeeze %dma_start3A_309 : memref<1x128xi32, #tpu.memory_space<hbm>> -> memref<128xi32, #tpu.memory_space<hbm>>
      tpu.enqueue_dma source(%dma_start3A_310 : memref<128xi32, #tpu.memory_space<hbm>>) target(%dma_start3A_308 : memref<128xi32, #tpu.memory_space<vmem>>) target_semaphore(%run_scoped3A_300 : memref<!tpu.dma_semaphore, #tpu.memory_space<semaphore_mem>>)
      %dma_wait3A_311 = arith.constant 0 : i32
      %dma_wait3A_312 = tpu.memref_slice %arg7[%run_scoped3A_94, %dma_wait3A_311] : memref<2x128xi32, #tpu.memory_space<vmem>> -> memref<1x128xi32, #tpu.memory_space<vmem>>
      %dma_wait3A_313 = tpu.memref_squeeze %dma_wait3A_312 : memref<1x128xi32, #tpu.memory_space<vmem>> -> memref<128xi32, #tpu.memory_space<vmem>>
      %dma_wait3A_314 = tpu.memref_slice %arg3[%run_scoped3A_93, %add3A_91] : memref<2x320000xi32, #tpu.memory_space<hbm>> -> memref<1x128xi32, #tpu.memory_space<hbm>>
      %dma_wait3A_315 = tpu.memref_squeeze %dma_wait3A_314 : memref<1x128xi32, #tpu.memory_space<hbm>> -> memref<128xi32, #tpu.memory_space<hbm>>
      %dma_wait3A_316 = arith.constant 0 : i32
      %dma_wait3A_317 = tpu.memref_slice %arg7[%run_scoped3A_94, %dma_wait3A_316] : memref<2x128xi32, #tpu.memory_space<vmem>> -> memref<1x128xi32, #tpu.memory_space<vmem>>
      %dma_wait3A_318 = tpu.memref_squeeze %dma_wait3A_317 : memref<1x128xi32, #tpu.memory_space<vmem>> -> memref<128xi32, #tpu.memory_space<vmem>>
      %dma_wait3A_319 = tpu.memref_slice %arg3[%run_scoped3A_93, %add3A_91] : memref<2x320000xi32, #tpu.memory_space<hbm>> -> memref<1x128xi32, #tpu.memory_space<hbm>>
      %dma_wait3A_320 = tpu.memref_squeeze %dma_wait3A_319 : memref<1x128xi32, #tpu.memory_space<hbm>> -> memref<128xi32, #tpu.memory_space<hbm>>
      tpu.wait_dma2 semaphore(%run_scoped3A_300 : memref<!tpu.dma_semaphore, #tpu.memory_space<semaphore_mem>>) src(%dma_wait3A_320 : memref<128xi32, #tpu.memory_space<hbm>>) dst(%dma_wait3A_318 : memref<128xi32, #tpu.memory_space<vmem>>)
      tpu.yield
    }) : () -> ()
    %sub3A_95 = arith.constant 1 : i32
    %sub3A_96 = arith.subi %add3A_4, %sub3A_95 : i32
    %min3A_97 = arith.constant 1 : i32
    %min3A_98 = arith.minsi %min3A_97, %sub3A_96 : i32
    %mul3A_99 = arith.constant 128 : i32
    %mul3A_100 = arith.muli %min3A_98, %mul3A_99 : i32
    %add3A_101 = arith.addi %mul3A_12, %mul3A_100 : i32
    %dma_start3A = arith.constant 0 : i32
    %dma_start3A_102 = arith.constant 0 : i32
    %dma_start3A_103 = arith.constant 0 : i32
    %dma_start3A_104 = tpu.memref_slice %arg8[%dma_start3A_102, %dma_start3A_103] : memref<2x128xi32, #tpu.memory_space<vmem>> -> memref<1x128xi32, #tpu.memory_space<vmem>>
    %dma_start3A_105 = tpu.memref_squeeze %dma_start3A_104 : memref<1x128xi32, #tpu.memory_space<vmem>> -> memref<128xi32, #tpu.memory_space<vmem>>
    %dma_start3A_106 = tpu.memref_slice %arg3[%dma_start3A, %add3A_101] : memref<2x320000xi32, #tpu.memory_space<hbm>> -> memref<1x128xi32, #tpu.memory_space<hbm>>
    %dma_start3A_107 = tpu.memref_squeeze %dma_start3A_106 : memref<1x128xi32, #tpu.memory_space<hbm>> -> memref<128xi32, #tpu.memory_space<hbm>>
    %dma_start3A_108 = arith.constant 0 : i32
    %dma_start3A_109 = tpu.memref_slice %arg8[%dma_start3A_102, %dma_start3A_108] : memref<2x128xi32, #tpu.memory_space<vmem>> -> memref<1x128xi32, #tpu.memory_space<vmem>>
    %dma_start3A_110 = tpu.memref_squeeze %dma_start3A_109 : memref<1x128xi32, #tpu.memory_space<vmem>> -> memref<128xi32, #tpu.memory_space<vmem>>
    %dma_start3A_111 = tpu.memref_slice %arg3[%dma_start3A, %add3A_101] : memref<2x320000xi32, #tpu.memory_space<hbm>> -> memref<1x128xi32, #tpu.memory_space<hbm>>
    %dma_start3A_112 = tpu.memref_squeeze %dma_start3A_111 : memref<1x128xi32, #tpu.memory_space<hbm>> -> memref<128xi32, #tpu.memory_space<hbm>>
    tpu.enqueue_dma source(%dma_start3A_112 : memref<128xi32, #tpu.memory_space<hbm>>) target(%dma_start3A_110 : memref<128xi32, #tpu.memory_space<vmem>>) target_semaphore(%arg17 : memref<!tpu.dma_semaphore, #tpu.memory_space<semaphore_mem>>)
    %dma_start3A_113 = arith.constant 1 : i32
    %dma_start3A_114 = arith.constant 1 : i32
    %dma_start3A_115 = arith.constant 0 : i32
    %dma_start3A_116 = tpu.memref_slice %arg8[%dma_start3A_114, %dma_start3A_115] : memref<2x128xi32, #tpu.memory_space<vmem>> -> memref<1x128xi32, #tpu.memory_space<vmem>>
    %dma_start3A_117 = tpu.memref_squeeze %dma_start3A_116 : memref<1x128xi32, #tpu.memory_space<vmem>> -> memref<128xi32, #tpu.memory_space<vmem>>
    %dma_start3A_118 = tpu.memref_slice %arg3[%dma_start3A_113, %add3A_101] : memref<2x320000xi32, #tpu.memory_space<hbm>> -> memref<1x128xi32, #tpu.memory_space<hbm>>
    %dma_start3A_119 = tpu.memref_squeeze %dma_start3A_118 : memref<1x128xi32, #tpu.memory_space<hbm>> -> memref<128xi32, #tpu.memory_space<hbm>>
    %dma_start3A_120 = arith.constant 0 : i32
    %dma_start3A_121 = tpu.memref_slice %arg8[%dma_start3A_114, %dma_start3A_120] : memref<2x128xi32, #tpu.memory_space<vmem>> -> memref<1x128xi32, #tpu.memory_space<vmem>>
    %dma_start3A_122 = tpu.memref_squeeze %dma_start3A_121 : memref<1x128xi32, #tpu.memory_space<vmem>> -> memref<128xi32, #tpu.memory_space<vmem>>
    %dma_start3A_123 = tpu.memref_slice %arg3[%dma_start3A_113, %add3A_101] : memref<2x320000xi32, #tpu.memory_space<hbm>> -> memref<1x128xi32, #tpu.memory_space<hbm>>
    %dma_start3A_124 = tpu.memref_squeeze %dma_start3A_123 : memref<1x128xi32, #tpu.memory_space<hbm>> -> memref<128xi32, #tpu.memory_space<hbm>>
    tpu.enqueue_dma source(%dma_start3A_124 : memref<128xi32, #tpu.memory_space<hbm>>) target(%dma_start3A_122 : memref<128xi32, #tpu.memory_space<vmem>>) target_semaphore(%arg17 : memref<!tpu.dma_semaphore, #tpu.memory_space<semaphore_mem>>)
    %sub3A_125 = arith.constant 1 : i32
    %sub3A_126 = arith.subi %add3A_4, %sub3A_125 : i32
    %min3A_127 = arith.constant 2 : i32
    %min3A_128 = arith.minsi %min3A_127, %sub3A_126 : i32
    %mul3A_129 = arith.constant 128 : i32
    %mul3A_130 = arith.muli %min3A_128, %mul3A_129 : i32
    %add3A_131 = arith.addi %mul3A_12, %mul3A_130 : i32
    %dma_start3A_132 = arith.constant 0 : i32
    %dma_start3A_133 = arith.constant 0 : i32
    %dma_start3A_134 = arith.constant 0 : i32
    %dma_start3A_135 = tpu.memref_slice %arg9[%dma_start3A_133, %dma_start3A_134] : memref<2x128xi32, #tpu.memory_space<vmem>> -> memref<1x128xi32, #tpu.memory_space<vmem>>
    %dma_start3A_136 = tpu.memref_squeeze %dma_start3A_135 : memref<1x128xi32, #tpu.memory_space<vmem>> -> memref<128xi32, #tpu.memory_space<vmem>>
    %dma_start3A_137 = tpu.memref_slice %arg3[%dma_start3A_132, %add3A_131] : memref<2x320000xi32, #tpu.memory_space<hbm>> -> memref<1x128xi32, #tpu.memory_space<hbm>>
    %dma_start3A_138 = tpu.memref_squeeze %dma_start3A_137 : memref<1x128xi32, #tpu.memory_space<hbm>> -> memref<128xi32, #tpu.memory_space<hbm>>
    %dma_start3A_139 = arith.constant 0 : i32
    %dma_start3A_140 = tpu.memref_slice %arg9[%dma_start3A_133, %dma_start3A_139] : memref<2x128xi32, #tpu.memory_space<vmem>> -> memref<1x128xi32, #tpu.memory_space<vmem>>
    %dma_start3A_141 = tpu.memref_squeeze %dma_start3A_140 : memref<1x128xi32, #tpu.memory_space<vmem>> -> memref<128xi32, #tpu.memory_space<vmem>>
    %dma_start3A_142 = tpu.memref_slice %arg3[%dma_start3A_132, %add3A_131] : memref<2x320000xi32, #tpu.memory_space<hbm>> -> memref<1x128xi32, #tpu.memory_space<hbm>>
    %dma_start3A_143 = tpu.memref_squeeze %dma_start3A_142 : memref<1x128xi32, #tpu.memory_space<hbm>> -> memref<128xi32, #tpu.memory_space<hbm>>
    tpu.enqueue_dma source(%dma_start3A_143 : memref<128xi32, #tpu.memory_space<hbm>>) target(%dma_start3A_141 : memref<128xi32, #tpu.memory_space<vmem>>) target_semaphore(%arg17 : memref<!tpu.dma_semaphore, #tpu.memory_space<semaphore_mem>>)
    %dma_start3A_144 = arith.constant 1 : i32
    %dma_start3A_145 = arith.constant 1 : i32
    %dma_start3A_146 = arith.constant 0 : i32
    %dma_start3A_147 = tpu.memref_slice %arg9[%dma_start3A_145, %dma_start3A_146] : memref<2x128xi32, #tpu.memory_space<vmem>> -> memref<1x128xi32, #tpu.memory_space<vmem>>
    %dma_start3A_148 = tpu.memref_squeeze %dma_start3A_147 : memref<1x128xi32, #tpu.memory_space<vmem>> -> memref<128xi32, #tpu.memory_space<vmem>>
    %dma_start3A_149 = tpu.memref_slice %arg3[%dma_start3A_144, %add3A_131] : memref<2x320000xi32, #tpu.memory_space<hbm>> -> memref<1x128xi32, #tpu.memory_space<hbm>>
    %dma_start3A_150 = tpu.memref_squeeze %dma_start3A_149 : memref<1x128xi32, #tpu.memory_space<hbm>> -> memref<128xi32, #tpu.memory_space<hbm>>
    %dma_start3A_151 = arith.constant 0 : i32
    %dma_start3A_152 = tpu.memref_slice %arg9[%dma_start3A_145, %dma_start3A_151] : memref<2x128xi32, #tpu.memory_space<vmem>> -> memref<1x128xi32, #tpu.memory_space<vmem>>
    %dma_start3A_153 = tpu.memref_squeeze %dma_start3A_152 : memref<1x128xi32, #tpu.memory_space<vmem>> -> memref<128xi32, #tpu.memory_space<vmem>>
    %dma_start3A_154 = tpu.memref_slice %arg3[%dma_start3A_144, %add3A_131] : memref<2x320000xi32, #tpu.memory_space<hbm>> -> memref<1x128xi32, #tpu.memory_space<hbm>>
    %dma_start3A_155 = tpu.memref_squeeze %dma_start3A_154 : memref<1x128xi32, #tpu.memory_space<hbm>> -> memref<128xi32, #tpu.memory_space<hbm>>
    tpu.enqueue_dma source(%dma_start3A_155 : memref<128xi32, #tpu.memory_space<hbm>>) target(%dma_start3A_153 : memref<128xi32, #tpu.memory_space<vmem>>) target_semaphore(%arg17 : memref<!tpu.dma_semaphore, #tpu.memory_space<semaphore_mem>>)
    %dma_start3A_156 = arith.constant 0 : i32
    %dma_start3A_157 = arith.constant 0 : i32
    %dma_start3A_158 = tpu.memref_slice %arg7[%dma_start3A_156, %dma_start3A_157] : memref<2x128xi32, #tpu.memory_space<vmem>> -> memref<1x128xi32, #tpu.memory_space<vmem>>
    %dma_start3A_159 = tpu.memref_squeeze %dma_start3A_158 : memref<1x128xi32, #tpu.memory_space<vmem>> -> memref<128xi32, #tpu.memory_space<vmem>>
    %dma_start3A_160 = arith.constant 0 : i32
    %dma_start3A_161 = arith.constant 0 : i32
    %dma_start3A_162 = tpu.memref_slice %arg2[%dma_start3A_160, %dma_start3A_161] : memref<10000x128xf32, #tpu.memory_space<hbm>> -> memref<10000x128xf32, #tpu.memory_space<hbm>>
    tpu.enqueue_indirect_dma source(%dma_start3A_162 : memref<10000x128xf32, #tpu.memory_space<hbm>>) target(%arg11 : memref<128x128xf32, #tpu.memory_space<vmem>>) offsets(%dma_start3A_159 : memref<128xi32, #tpu.memory_space<vmem>>) semaphore(%arg16 : memref<!tpu.dma_semaphore, #tpu.memory_space<semaphore_mem>>)
    %jit3A_163 = arith.constant 4 : i32
    %div3A = arith.divsi %add3A_4, %jit3A_163 : i32
    %sign3A = arith.constant 0 : i32
    %sign3A_164 = arith.cmpi sgt, %add3A_4, %sign3A : i32
    %sign3A_165 = arith.extui %sign3A_164 : i1 to i32
    %sign3A_166 = arith.constant 0 : i32
    %sign3A_167 = arith.cmpi slt, %add3A_4, %sign3A_166 : i32
    %sign3A_168 = arith.extui %sign3A_167 : i1 to i32
    %sign3A_169 = arith.subi %sign3A_165, %sign3A_168 : i32
    %sign3A_170 = arith.constant 0 : i32
    %sign3A_171 = arith.cmpi sgt, %jit3A_163, %sign3A_170 : i32
    %sign3A_172 = arith.extui %sign3A_171 : i1 to i32
    %sign3A_173 = arith.constant 0 : i32
    %sign3A_174 = arith.cmpi slt, %jit3A_163, %sign3A_173 : i32
    %sign3A_175 = arith.extui %sign3A_174 : i1 to i32
    %sign3A_176 = arith.subi %sign3A_172, %sign3A_175 : i32
    %ne3A = arith.cmpi ne, %sign3A_169, %sign3A_176 : i32
    %rem3A = arith.remsi %add3A_4, %jit3A_163 : i32
    %ne3A_177 = arith.constant 0 : i32
    %ne3A_178 = arith.cmpi ne, %rem3A, %ne3A_177 : i32
    %and3A = arith.andi %ne3A, %ne3A_178 : i1
    %sub3A_179 = arith.constant 1 : i32
    %sub3A_180 = arith.subi %div3A, %sub3A_179 : i32
    %select_n3A_181 = arith.select %and3A, %sub3A_180, %div3A : i32
    %while3A = arith.constant 0 : i32
    %while3A_182 = arith.constant 0 : i32
    %while3A_183 = arith.subi %select_n3A_181, %while3A_182 : i32
    %while3A_184 = arith.addi %while3A_182, %while3A_183 : i32
    %while3A_185 = arith.constant 1 : i32
    %while3A_186 = arith.divsi %while3A_183, %while3A_185 : i32
    %while3A_187 = arith.muli %while3A_186, %while3A_185 : i32
    %while3A_188 = arith.addi %while3A_182, %while3A_187 : i32
    %while3A_189 = arith.constant 1 : i32
    scf.for %while3A_300 = %while3A_182 to %while3A_188 step %while3A_189  : i32 {
      %mul3A_301 = arith.constant 4 : i32
      %mul3A_302 = arith.muli %mul3A_301, %while3A_300 : i32
      %add3A_303 = arith.constant 0 : i32
      %add3A_304 = arith.addi %mul3A_302, %add3A_303 : i32
      %dma_wait3A_305 = arith.constant 0 : i32
      %dma_wait3A_306 = arith.constant 0 : i32
      %dma_wait3A_307 = tpu.memref_slice %arg7[%dma_wait3A_305, %dma_wait3A_306] : memref<2x128xi32, #tpu.memory_space<vmem>> -> memref<1x128xi32, #tpu.memory_space<vmem>>
      %dma_wait3A_308 = tpu.memref_squeeze %dma_wait3A_307 : memref<1x128xi32, #tpu.memory_space<vmem>> -> memref<128xi32, #tpu.memory_space<vmem>>
      %dma_wait3A_309 = arith.constant 0 : i32
      %dma_wait3A_310 = arith.constant 0 : i32
      %dma_wait3A_311 = tpu.memref_slice %arg2[%dma_wait3A_309, %dma_wait3A_310] : memref<10000x128xf32, #tpu.memory_space<hbm>> -> memref<10000x128xf32, #tpu.memory_space<hbm>>
      tpu.wait_indirect_dma semaphore(%arg16 : memref<!tpu.dma_semaphore, #tpu.memory_space<semaphore_mem>>) src(%dma_wait3A_311 : memref<10000x128xf32, #tpu.memory_space<hbm>>) dst(%arg11 : memref<128x128xf32, #tpu.memory_space<vmem>>)
      %ge3A = arith.constant 1 : i32
      %ge3A_312 = arith.cmpi sge, %add3A_304, %ge3A : i32
      %convert_element_type3A_313 = arith.extui %ge3A_312 : i1 to i32
      %cond3A_314 = arith.constant 0 : i32
      %cond3A_315 = arith.cmpi ne, %convert_element_type3A_313, %cond3A_314 : i32
      scf.if %cond3A_315 {
        %dma_wait3A_568 = arith.constant 1 : i32
        %dma_wait3A_569 = arith.constant 0 : i32
        %dma_wait3A_570 = tpu.memref_slice %arg10[%dma_wait3A_568, %dma_wait3A_569] : memref<2x128xi32, #tpu.memory_space<vmem>> -> memref<1x128xi32, #tpu.memory_space<vmem>>
        %dma_wait3A_571 = tpu.memref_squeeze %dma_wait3A_570 : memref<1x128xi32, #tpu.memory_space<vmem>> -> memref<128xi32, #tpu.memory_space<vmem>>
        %dma_wait3A_572 = arith.constant 0 : i32
        %dma_wait3A_573 = arith.constant 0 : i32
        %dma_wait3A_574 = tpu.memref_slice %arg14[%dma_wait3A_572, %dma_wait3A_573] : memref<10240x128xf32, #tpu.memory_space<vmem_shared>> -> memref<10240x128xf32, #tpu.memory_space<vmem_shared>>
        tpu.wait_indirect_dma semaphore(%arg18 : memref<!tpu.dma_semaphore, #tpu.memory_space<semaphore_mem>>) src(%arg12 : memref<128x128xf32, #tpu.memory_space<vmem>>) dst(%dma_wait3A_574 : memref<10240x128xf32, #tpu.memory_space<vmem_shared>>)
        %dma_wait3A_575 = arith.constant 1 : i32
        %dma_wait3A_576 = arith.constant 0 : i32
        %dma_wait3A_577 = tpu.memref_slice %arg10[%dma_wait3A_575, %dma_wait3A_576] : memref<2x128xi32, #tpu.memory_space<vmem>> -> memref<1x128xi32, #tpu.memory_space<vmem>>
        %dma_wait3A_578 = tpu.memref_squeeze %dma_wait3A_577 : memref<1x128xi32, #tpu.memory_space<vmem>> -> memref<128xi32, #tpu.memory_space<vmem>>
        %dma_wait3A_579 = arith.constant 0 : i32
        %dma_wait3A_580 = tpu.memref_slice %arg15[%dma_wait3A_579] : memref<10240xf32, #tpu.memory_space<vmem_shared>> -> memref<10240xf32, #tpu.memory_space<vmem_shared>>
        tpu.wait_indirect_dma semaphore(%arg18 : memref<!tpu.dma_semaphore, #tpu.memory_space<semaphore_mem>>) src(%arg13 : memref<128xf32, #tpu.memory_space<vmem>>) dst(%dma_wait3A_580 : memref<10240xf32, #tpu.memory_space<vmem_shared>>)
      } else {
      }
      %add3A_316 = arith.constant 1 : i32
      %add3A_317 = arith.addi %add3A_304, %add3A_316 : i32
      %lt3A_318 = arith.cmpi slt, %add3A_317, %add3A_4 : i32
      %convert_element_type3A_319 = arith.extui %lt3A_318 : i1 to i32
      %cond3A_320 = arith.constant 0 : i32
      %cond3A_321 = arith.cmpi ne, %convert_element_type3A_319, %cond3A_320 : i32
      scf.if %cond3A_321 {
        %dma_wait3A_568 = arith.constant 0 : i32
        %dma_wait3A_569 = arith.constant 0 : i32
        %dma_wait3A_570 = arith.constant 0 : i32
        %dma_wait3A_571 = tpu.memref_slice %arg8[%dma_wait3A_569, %dma_wait3A_570] : memref<2x128xi32, #tpu.memory_space<vmem>> -> memref<1x128xi32, #tpu.memory_space<vmem>>
        %dma_wait3A_572 = tpu.memref_squeeze %dma_wait3A_571 : memref<1x128xi32, #tpu.memory_space<vmem>> -> memref<128xi32, #tpu.memory_space<vmem>>
        %dma_wait3A_573 = arith.constant 0 : i32
        %dma_wait3A_574 = tpu.memref_slice %arg3[%dma_wait3A_568, %dma_wait3A_573] : memref<2x320000xi32, #tpu.memory_space<hbm>> -> memref<1x128xi32, #tpu.memory_space<hbm>>
        %dma_wait3A_575 = tpu.memref_squeeze %dma_wait3A_574 : memref<1x128xi32, #tpu.memory_space<hbm>> -> memref<128xi32, #tpu.memory_space<hbm>>
        %dma_wait3A_576 = arith.constant 0 : i32
        %dma_wait3A_577 = tpu.memref_slice %arg8[%dma_wait3A_569, %dma_wait3A_576] : memref<2x128xi32, #tpu.memory_space<vmem>> -> memref<1x128xi32, #tpu.memory_space<vmem>>
        %dma_wait3A_578 = tpu.memref_squeeze %dma_wait3A_577 : memref<1x128xi32, #tpu.memory_space<vmem>> -> memref<128xi32, #tpu.memory_space<vmem>>
        %dma_wait3A_579 = arith.constant 0 : i32
        %dma_wait3A_580 = tpu.memref_slice %arg3[%dma_wait3A_568, %dma_wait3A_579] : memref<2x320000xi32, #tpu.memory_space<hbm>> -> memref<1x128xi32, #tpu.memory_space<hbm>>
        %dma_wait3A_581 = tpu.memref_squeeze %dma_wait3A_580 : memref<1x128xi32, #tpu.memory_space<hbm>> -> memref<128xi32, #tpu.memory_space<hbm>>
        tpu.wait_dma2 semaphore(%arg17 : memref<!tpu.dma_semaphore, #tpu.memory_space<semaphore_mem>>) src(%dma_wait3A_581 : memref<128xi32, #tpu.memory_space<hbm>>) dst(%dma_wait3A_578 : memref<128xi32, #tpu.memory_space<vmem>>)
        %dma_wait3A_582 = arith.constant 1 : i32
        %dma_wait3A_583 = arith.constant 1 : i32
        %dma_wait3A_584 = arith.constant 0 : i32
        %dma_wait3A_585 = tpu.memref_slice %arg8[%dma_wait3A_583, %dma_wait3A_584] : memref<2x128xi32, #tpu.memory_space<vmem>> -> memref<1x128xi32, #tpu.memory_space<vmem>>
        %dma_wait3A_586 = tpu.memref_squeeze %dma_wait3A_585 : memref<1x128xi32, #tpu.memory_space<vmem>> -> memref<128xi32, #tpu.memory_space<vmem>>
        %dma_wait3A_587 = arith.constant 0 : i32
        %dma_wait3A_588 = tpu.memref_slice %arg3[%dma_wait3A_582, %dma_wait3A_587] : memref<2x320000xi32, #tpu.memory_space<hbm>> -> memref<1x128xi32, #tpu.memory_space<hbm>>
        %dma_wait3A_589 = tpu.memref_squeeze %dma_wait3A_588 : memref<1x128xi32, #tpu.memory_space<hbm>> -> memref<128xi32, #tpu.memory_space<hbm>>
        %dma_wait3A_590 = arith.constant 0 : i32
        %dma_wait3A_591 = tpu.memref_slice %arg8[%dma_wait3A_583, %dma_wait3A_590] : memref<2x128xi32, #tpu.memory_space<vmem>> -> memref<1x128xi32, #tpu.memory_space<vmem>>
        %dma_wait3A_592 = tpu.memref_squeeze %dma_wait3A_591 : memref<1x128xi32, #tpu.memory_space<vmem>> -> memref<128xi32, #tpu.memory_space<vmem>>
        %dma_wait3A_593 = arith.constant 0 : i32
        %dma_wait3A_594 = tpu.memref_slice %arg3[%dma_wait3A_582, %dma_wait3A_593] : memref<2x320000xi32, #tpu.memory_space<hbm>> -> memref<1x128xi32, #tpu.memory_space<hbm>>
        %dma_wait3A_595 = tpu.memref_squeeze %dma_wait3A_594 : memref<1x128xi32, #tpu.memory_space<hbm>> -> memref<128xi32, #tpu.memory_space<hbm>>
        tpu.wait_dma2 semaphore(%arg17 : memref<!tpu.dma_semaphore, #tpu.memory_space<semaphore_mem>>) src(%dma_wait3A_595 : memref<128xi32, #tpu.memory_space<hbm>>) dst(%dma_wait3A_592 : memref<128xi32, #tpu.memory_space<vmem>>)
        %dma_start3A_596 = arith.constant 0 : i32
        %dma_start3A_597 = arith.constant 0 : i32
        %dma_start3A_598 = tpu.memref_slice %arg8[%dma_start3A_596, %dma_start3A_597] : memref<2x128xi32, #tpu.memory_space<vmem>> -> memref<1x128xi32, #tpu.memory_space<vmem>>
        %dma_start3A_599 = tpu.memref_squeeze %dma_start3A_598 : memref<1x128xi32, #tpu.memory_space<vmem>> -> memref<128xi32, #tpu.memory_space<vmem>>
        %dma_start3A_600 = arith.constant 0 : i32
        %dma_start3A_601 = arith.constant 0 : i32
        %dma_start3A_602 = tpu.memref_slice %arg2[%dma_start3A_600, %dma_start3A_601] : memref<10000x128xf32, #tpu.memory_space<hbm>> -> memref<10000x128xf32, #tpu.memory_space<hbm>>
        tpu.enqueue_indirect_dma source(%dma_start3A_602 : memref<10000x128xf32, #tpu.memory_space<hbm>>) target(%arg12 : memref<128x128xf32, #tpu.memory_space<vmem>>) offsets(%dma_start3A_599 : memref<128xi32, #tpu.memory_space<vmem>>) semaphore(%arg16 : memref<!tpu.dma_semaphore, #tpu.memory_space<semaphore_mem>>)
      } else {
      }
      %dma_start3A_322 = arith.constant 1 : i32
      %dma_start3A_323 = arith.constant 0 : i32
      %dma_start3A_324 = tpu.memref_slice %arg7[%dma_start3A_322, %dma_start3A_323] : memref<2x128xi32, #tpu.memory_space<vmem>> -> memref<1x128xi32, #tpu.memory_space<vmem>>
      %dma_start3A_325 = tpu.memref_squeeze %dma_start3A_324 : memref<1x128xi32, #tpu.memory_space<vmem>> -> memref<128xi32, #tpu.memory_space<vmem>>
      %dma_start3A_326 = arith.constant 0 : i32
      %dma_start3A_327 = arith.constant 0 : i32
      %dma_start3A_328 = tpu.memref_slice %arg14[%dma_start3A_326, %dma_start3A_327] : memref<10240x128xf32, #tpu.memory_space<vmem_shared>> -> memref<10240x128xf32, #tpu.memory_space<vmem_shared>>
      tpu.enqueue_indirect_dma source(%arg11 : memref<128x128xf32, #tpu.memory_space<vmem>>) target(%dma_start3A_328 : memref<10240x128xf32, #tpu.memory_space<vmem_shared>>) offsets(%dma_start3A_325 : memref<128xi32, #tpu.memory_space<vmem>>) semaphore(%arg18 : memref<!tpu.dma_semaphore, #tpu.memory_space<semaphore_mem>>) {add = true}
      %dma_start3A_329 = arith.constant 1 : i32
      %dma_start3A_330 = arith.constant 0 : i32
      %dma_start3A_331 = tpu.memref_slice %arg7[%dma_start3A_329, %dma_start3A_330] : memref<2x128xi32, #tpu.memory_space<vmem>> -> memref<1x128xi32, #tpu.memory_space<vmem>>
      %dma_start3A_332 = tpu.memref_squeeze %dma_start3A_331 : memref<1x128xi32, #tpu.memory_space<vmem>> -> memref<128xi32, #tpu.memory_space<vmem>>
      %dma_start3A_333 = arith.constant 0 : i32
      %dma_start3A_334 = tpu.memref_slice %arg15[%dma_start3A_333] : memref<10240xf32, #tpu.memory_space<vmem_shared>> -> memref<10240xf32, #tpu.memory_space<vmem_shared>>
      tpu.enqueue_indirect_dma source(%arg13 : memref<128xf32, #tpu.memory_space<vmem>>) target(%dma_start3A_334 : memref<10240xf32, #tpu.memory_space<vmem_shared>>) offsets(%dma_start3A_332 : memref<128xi32, #tpu.memory_space<vmem>>) semaphore(%arg18 : memref<!tpu.dma_semaphore, #tpu.memory_space<semaphore_mem>>) {add = true}
      %add3A_335 = arith.constant 3 : i32
      %add3A_336 = arith.addi %add3A_304, %add3A_335 : i32
      %sub3A_337 = arith.constant 1 : i32
      %sub3A_338 = arith.subi %add3A_4, %sub3A_337 : i32
      %min3A_339 = arith.minsi %add3A_336, %sub3A_338 : i32
      %mul3A_340 = arith.constant 128 : i32
      %mul3A_341 = arith.muli %min3A_339, %mul3A_340 : i32
      %add3A_342 = arith.addi %mul3A_12, %mul3A_341 : i32
      %dma_start3A_343 = arith.constant 0 : i32
      %dma_start3A_344 = arith.constant 0 : i32
      %dma_start3A_345 = arith.constant 0 : i32
      %dma_start3A_346 = tpu.memref_slice %arg10[%dma_start3A_344, %dma_start3A_345] : memref<2x128xi32, #tpu.memory_space<vmem>> -> memref<1x128xi32, #tpu.memory_space<vmem>>
      %dma_start3A_347 = tpu.memref_squeeze %dma_start3A_346 : memref<1x128xi32, #tpu.memory_space<vmem>> -> memref<128xi32, #tpu.memory_space<vmem>>
      %dma_start3A_348 = tpu.memref_slice %arg3[%dma_start3A_343, %add3A_342] : memref<2x320000xi32, #tpu.memory_space<hbm>> -> memref<1x128xi32, #tpu.memory_space<hbm>>
      %dma_start3A_349 = tpu.memref_squeeze %dma_start3A_348 : memref<1x128xi32, #tpu.memory_space<hbm>> -> memref<128xi32, #tpu.memory_space<hbm>>
      %dma_start3A_350 = arith.constant 0 : i32
      %dma_start3A_351 = tpu.memref_slice %arg10[%dma_start3A_344, %dma_start3A_350] : memref<2x128xi32, #tpu.memory_space<vmem>> -> memref<1x128xi32, #tpu.memory_space<vmem>>
      %dma_start3A_352 = tpu.memref_squeeze %dma_start3A_351 : memref<1x128xi32, #tpu.memory_space<vmem>> -> memref<128xi32, #tpu.memory_space<vmem>>
      %dma_start3A_353 = tpu.memref_slice %arg3[%dma_start3A_343, %add3A_342] : memref<2x320000xi32, #tpu.memory_space<hbm>> -> memref<1x128xi32, #tpu.memory_space<hbm>>
      %dma_start3A_354 = tpu.memref_squeeze %dma_start3A_353 : memref<1x128xi32, #tpu.memory_space<hbm>> -> memref<128xi32, #tpu.memory_space<hbm>>
      tpu.enqueue_dma source(%dma_start3A_354 : memref<128xi32, #tpu.memory_space<hbm>>) target(%dma_start3A_352 : memref<128xi32, #tpu.memory_space<vmem>>) target_semaphore(%arg17 : memref<!tpu.dma_semaphore, #tpu.memory_space<semaphore_mem>>)
      %dma_start3A_355 = arith.constant 1 : i32
      %dma_start3A_356 = arith.constant 1 : i32
      %dma_start3A_357 = arith.constant 0 : i32
      %dma_start3A_358 = tpu.memref_slice %arg10[%dma_start3A_356, %dma_start3A_357] : memref<2x128xi32, #tpu.memory_space<vmem>> -> memref<1x128xi32, #tpu.memory_space<vmem>>
      %dma_start3A_359 = tpu.memref_squeeze %dma_start3A_358 : memref<1x128xi32, #tpu.memory_space<vmem>> -> memref<128xi32, #tpu.memory_space<vmem>>
      %dma_start3A_360 = tpu.memref_slice %arg3[%dma_start3A_355, %add3A_342] : memref<2x320000xi32, #tpu.memory_space<hbm>> -> memref<1x128xi32, #tpu.memory_space<hbm>>
      %dma_start3A_361 = tpu.memref_squeeze %dma_start3A_360 : memref<1x128xi32, #tpu.memory_space<hbm>> -> memref<128xi32, #tpu.memory_space<hbm>>
      %dma_start3A_362 = arith.constant 0 : i32
      %dma_start3A_363 = tpu.memref_slice %arg10[%dma_start3A_356, %dma_start3A_362] : memref<2x128xi32, #tpu.memory_space<vmem>> -> memref<1x128xi32, #tpu.memory_space<vmem>>
      %dma_start3A_364 = tpu.memref_squeeze %dma_start3A_363 : memref<1x128xi32, #tpu.memory_space<vmem>> -> memref<128xi32, #tpu.memory_space<vmem>>
      %dma_start3A_365 = tpu.memref_slice %arg3[%dma_start3A_355, %add3A_342] : memref<2x320000xi32, #tpu.memory_space<hbm>> -> memref<1x128xi32, #tpu.memory_space<hbm>>
      %dma_start3A_366 = tpu.memref_squeeze %dma_start3A_365 : memref<1x128xi32, #tpu.memory_space<hbm>> -> memref<128xi32, #tpu.memory_space<hbm>>
      tpu.enqueue_dma source(%dma_start3A_366 : memref<128xi32, #tpu.memory_space<hbm>>) target(%dma_start3A_364 : memref<128xi32, #tpu.memory_space<vmem>>) target_semaphore(%arg17 : memref<!tpu.dma_semaphore, #tpu.memory_space<semaphore_mem>>)
      %mul3A_367 = arith.constant 4 : i32
      %mul3A_368 = arith.muli %mul3A_367, %while3A_300 : i32
      %add3A_369 = arith.constant 1 : i32
      %add3A_370 = arith.addi %mul3A_368, %add3A_369 : i32
      %dma_wait3A_371 = arith.constant 0 : i32
      %dma_wait3A_372 = arith.constant 0 : i32
      %dma_wait3A_373 = tpu.memref_slice %arg8[%dma_wait3A_371, %dma_wait3A_372] : memref<2x128xi32, #tpu.memory_space<vmem>> -> memref<1x128xi32, #tpu.memory_space<vmem>>
      %dma_wait3A_374 = tpu.memref_squeeze %dma_wait3A_373 : memref<1x128xi32, #tpu.memory_space<vmem>> -> memref<128xi32, #tpu.memory_space<vmem>>
      %dma_wait3A_375 = arith.constant 0 : i32
      %dma_wait3A_376 = arith.constant 0 : i32
      %dma_wait3A_377 = tpu.memref_slice %arg2[%dma_wait3A_375, %dma_wait3A_376] : memref<10000x128xf32, #tpu.memory_space<hbm>> -> memref<10000x128xf32, #tpu.memory_space<hbm>>
      tpu.wait_indirect_dma semaphore(%arg16 : memref<!tpu.dma_semaphore, #tpu.memory_space<semaphore_mem>>) src(%dma_wait3A_377 : memref<10000x128xf32, #tpu.memory_space<hbm>>) dst(%arg12 : memref<128x128xf32, #tpu.memory_space<vmem>>)
      %ge3A_378 = arith.constant 1 : i32
      %ge3A_379 = arith.cmpi sge, %add3A_370, %ge3A_378 : i32
      %convert_element_type3A_380 = arith.extui %ge3A_379 : i1 to i32
      %cond3A_381 = arith.constant 0 : i32
      %cond3A_382 = arith.cmpi ne, %convert_element_type3A_380, %cond3A_381 : i32
      scf.if %cond3A_382 {
        %dma_wait3A_568 = arith.constant 1 : i32
        %dma_wait3A_569 = arith.constant 0 : i32
        %dma_wait3A_570 = tpu.memref_slice %arg7[%dma_wait3A_568, %dma_wait3A_569] : memref<2x128xi32, #tpu.memory_space<vmem>> -> memref<1x128xi32, #tpu.memory_space<vmem>>
        %dma_wait3A_571 = tpu.memref_squeeze %dma_wait3A_570 : memref<1x128xi32, #tpu.memory_space<vmem>> -> memref<128xi32, #tpu.memory_space<vmem>>
        %dma_wait3A_572 = arith.constant 0 : i32
        %dma_wait3A_573 = arith.constant 0 : i32
        %dma_wait3A_574 = tpu.memref_slice %arg14[%dma_wait3A_572, %dma_wait3A_573] : memref<10240x128xf32, #tpu.memory_space<vmem_shared>> -> memref<10240x128xf32, #tpu.memory_space<vmem_shared>>
        tpu.wait_indirect_dma semaphore(%arg18 : memref<!tpu.dma_semaphore, #tpu.memory_space<semaphore_mem>>) src(%arg11 : memref<128x128xf32, #tpu.memory_space<vmem>>) dst(%dma_wait3A_574 : memref<10240x128xf32, #tpu.memory_space<vmem_shared>>)
        %dma_wait3A_575 = arith.constant 1 : i32
        %dma_wait3A_576 = arith.constant 0 : i32
        %dma_wait3A_577 = tpu.memref_slice %arg7[%dma_wait3A_575, %dma_wait3A_576] : memref<2x128xi32, #tpu.memory_space<vmem>> -> memref<1x128xi32, #tpu.memory_space<vmem>>
        %dma_wait3A_578 = tpu.memref_squeeze %dma_wait3A_577 : memref<1x128xi32, #tpu.memory_space<vmem>> -> memref<128xi32, #tpu.memory_space<vmem>>
        %dma_wait3A_579 = arith.constant 0 : i32
        %dma_wait3A_580 = tpu.memref_slice %arg15[%dma_wait3A_579] : memref<10240xf32, #tpu.memory_space<vmem_shared>> -> memref<10240xf32, #tpu.memory_space<vmem_shared>>
        tpu.wait_indirect_dma semaphore(%arg18 : memref<!tpu.dma_semaphore, #tpu.memory_space<semaphore_mem>>) src(%arg13 : memref<128xf32, #tpu.memory_space<vmem>>) dst(%dma_wait3A_580 : memref<10240xf32, #tpu.memory_space<vmem_shared>>)
      } else {
      }
      %add3A_383 = arith.constant 1 : i32
      %add3A_384 = arith.addi %add3A_370, %add3A_383 : i32
      %lt3A_385 = arith.cmpi slt, %add3A_384, %add3A_4 : i32
      %convert_element_type3A_386 = arith.extui %lt3A_385 : i1 to i32
      %cond3A_387 = arith.constant 0 : i32
      %cond3A_388 = arith.cmpi ne, %convert_element_type3A_386, %cond3A_387 : i32
      scf.if %cond3A_388 {
        %dma_wait3A_568 = arith.constant 0 : i32
        %dma_wait3A_569 = arith.constant 0 : i32
        %dma_wait3A_570 = arith.constant 0 : i32
        %dma_wait3A_571 = tpu.memref_slice %arg9[%dma_wait3A_569, %dma_wait3A_570] : memref<2x128xi32, #tpu.memory_space<vmem>> -> memref<1x128xi32, #tpu.memory_space<vmem>>
        %dma_wait3A_572 = tpu.memref_squeeze %dma_wait3A_571 : memref<1x128xi32, #tpu.memory_space<vmem>> -> memref<128xi32, #tpu.memory_space<vmem>>
        %dma_wait3A_573 = arith.constant 0 : i32
        %dma_wait3A_574 = tpu.memref_slice %arg3[%dma_wait3A_568, %dma_wait3A_573] : memref<2x320000xi32, #tpu.memory_space<hbm>> -> memref<1x128xi32, #tpu.memory_space<hbm>>
        %dma_wait3A_575 = tpu.memref_squeeze %dma_wait3A_574 : memref<1x128xi32, #tpu.memory_space<hbm>> -> memref<128xi32, #tpu.memory_space<hbm>>
        %dma_wait3A_576 = arith.constant 0 : i32
        %dma_wait3A_577 = tpu.memref_slice %arg9[%dma_wait3A_569, %dma_wait3A_576] : memref<2x128xi32, #tpu.memory_space<vmem>> -> memref<1x128xi32, #tpu.memory_space<vmem>>
        %dma_wait3A_578 = tpu.memref_squeeze %dma_wait3A_577 : memref<1x128xi32, #tpu.memory_space<vmem>> -> memref<128xi32, #tpu.memory_space<vmem>>
        %dma_wait3A_579 = arith.constant 0 : i32
        %dma_wait3A_580 = tpu.memref_slice %arg3[%dma_wait3A_568, %dma_wait3A_579] : memref<2x320000xi32, #tpu.memory_space<hbm>> -> memref<1x128xi32, #tpu.memory_space<hbm>>
        %dma_wait3A_581 = tpu.memref_squeeze %dma_wait3A_580 : memref<1x128xi32, #tpu.memory_space<hbm>> -> memref<128xi32, #tpu.memory_space<hbm>>
        tpu.wait_dma2 semaphore(%arg17 : memref<!tpu.dma_semaphore, #tpu.memory_space<semaphore_mem>>) src(%dma_wait3A_581 : memref<128xi32, #tpu.memory_space<hbm>>) dst(%dma_wait3A_578 : memref<128xi32, #tpu.memory_space<vmem>>)
        %dma_wait3A_582 = arith.constant 1 : i32
        %dma_wait3A_583 = arith.constant 1 : i32
        %dma_wait3A_584 = arith.constant 0 : i32
        %dma_wait3A_585 = tpu.memref_slice %arg9[%dma_wait3A_583, %dma_wait3A_584] : memref<2x128xi32, #tpu.memory_space<vmem>> -> memref<1x128xi32, #tpu.memory_space<vmem>>
        %dma_wait3A_586 = tpu.memref_squeeze %dma_wait3A_585 : memref<1x128xi32, #tpu.memory_space<vmem>> -> memref<128xi32, #tpu.memory_space<vmem>>
        %dma_wait3A_587 = arith.constant 0 : i32
        %dma_wait3A_588 = tpu.memref_slice %arg3[%dma_wait3A_582, %dma_wait3A_587] : memref<2x320000xi32, #tpu.memory_space<hbm>> -> memref<1x128xi32, #tpu.memory_space<hbm>>
        %dma_wait3A_589 = tpu.memref_squeeze %dma_wait3A_588 : memref<1x128xi32, #tpu.memory_space<hbm>> -> memref<128xi32, #tpu.memory_space<hbm>>
        %dma_wait3A_590 = arith.constant 0 : i32
        %dma_wait3A_591 = tpu.memref_slice %arg9[%dma_wait3A_583, %dma_wait3A_590] : memref<2x128xi32, #tpu.memory_space<vmem>> -> memref<1x128xi32, #tpu.memory_space<vmem>>
        %dma_wait3A_592 = tpu.memref_squeeze %dma_wait3A_591 : memref<1x128xi32, #tpu.memory_space<vmem>> -> memref<128xi32, #tpu.memory_space<vmem>>
        %dma_wait3A_593 = arith.constant 0 : i32
        %dma_wait3A_594 = tpu.memref_slice %arg3[%dma_wait3A_582, %dma_wait3A_593] : memref<2x320000xi32, #tpu.memory_space<hbm>> -> memref<1x128xi32, #tpu.memory_space<hbm>>
        %dma_wait3A_595 = tpu.memref_squeeze %dma_wait3A_594 : memref<1x128xi32, #tpu.memory_space<hbm>> -> memref<128xi32, #tpu.memory_space<hbm>>
        tpu.wait_dma2 semaphore(%arg17 : memref<!tpu.dma_semaphore, #tpu.memory_space<semaphore_mem>>) src(%dma_wait3A_595 : memref<128xi32, #tpu.memory_space<hbm>>) dst(%dma_wait3A_592 : memref<128xi32, #tpu.memory_space<vmem>>)
        %dma_start3A_596 = arith.constant 0 : i32
        %dma_start3A_597 = arith.constant 0 : i32
        %dma_start3A_598 = tpu.memref_slice %arg9[%dma_start3A_596, %dma_start3A_597] : memref<2x128xi32, #tpu.memory_space<vmem>> -> memref<1x128xi32, #tpu.memory_space<vmem>>
        %dma_start3A_599 = tpu.memref_squeeze %dma_start3A_598 : memref<1x128xi32, #tpu.memory_space<vmem>> -> memref<128xi32, #tpu.memory_space<vmem>>
        %dma_start3A_600 = arith.constant 0 : i32
        %dma_start3A_601 = arith.constant 0 : i32
        %dma_start3A_602 = tpu.memref_slice %arg2[%dma_start3A_600, %dma_start3A_601] : memref<10000x128xf32, #tpu.memory_space<hbm>> -> memref<10000x128xf32, #tpu.memory_space<hbm>>
        tpu.enqueue_indirect_dma source(%dma_start3A_602 : memref<10000x128xf32, #tpu.memory_space<hbm>>) target(%arg11 : memref<128x128xf32, #tpu.memory_space<vmem>>) offsets(%dma_start3A_599 : memref<128xi32, #tpu.memory_space<vmem>>) semaphore(%arg16 : memref<!tpu.dma_semaphore, #tpu.memory_space<semaphore_mem>>)
      } else {
      }
      %dma_start3A_389 = arith.constant 1 : i32
      %dma_start3A_390 = arith.constant 0 : i32
      %dma_start3A_391 = tpu.memref_slice %arg8[%dma_start3A_389, %dma_start3A_390] : memref<2x128xi32, #tpu.memory_space<vmem>> -> memref<1x128xi32, #tpu.memory_space<vmem>>
      %dma_start3A_392 = tpu.memref_squeeze %dma_start3A_391 : memref<1x128xi32, #tpu.memory_space<vmem>> -> memref<128xi32, #tpu.memory_space<vmem>>
      %dma_start3A_393 = arith.constant 0 : i32
      %dma_start3A_394 = arith.constant 0 : i32
      %dma_start3A_395 = tpu.memref_slice %arg14[%dma_start3A_393, %dma_start3A_394] : memref<10240x128xf32, #tpu.memory_space<vmem_shared>> -> memref<10240x128xf32, #tpu.memory_space<vmem_shared>>
      tpu.enqueue_indirect_dma source(%arg12 : memref<128x128xf32, #tpu.memory_space<vmem>>) target(%dma_start3A_395 : memref<10240x128xf32, #tpu.memory_space<vmem_shared>>) offsets(%dma_start3A_392 : memref<128xi32, #tpu.memory_space<vmem>>) semaphore(%arg18 : memref<!tpu.dma_semaphore, #tpu.memory_space<semaphore_mem>>) {add = true}
      %dma_start3A_396 = arith.constant 1 : i32
      %dma_start3A_397 = arith.constant 0 : i32
      %dma_start3A_398 = tpu.memref_slice %arg8[%dma_start3A_396, %dma_start3A_397] : memref<2x128xi32, #tpu.memory_space<vmem>> -> memref<1x128xi32, #tpu.memory_space<vmem>>
      %dma_start3A_399 = tpu.memref_squeeze %dma_start3A_398 : memref<1x128xi32, #tpu.memory_space<vmem>> -> memref<128xi32, #tpu.memory_space<vmem>>
      %dma_start3A_400 = arith.constant 0 : i32
      %dma_start3A_401 = tpu.memref_slice %arg15[%dma_start3A_400] : memref<10240xf32, #tpu.memory_space<vmem_shared>> -> memref<10240xf32, #tpu.memory_space<vmem_shared>>
      tpu.enqueue_indirect_dma source(%arg13 : memref<128xf32, #tpu.memory_space<vmem>>) target(%dma_start3A_401 : memref<10240xf32, #tpu.memory_space<vmem_shared>>) offsets(%dma_start3A_399 : memref<128xi32, #tpu.memory_space<vmem>>) semaphore(%arg18 : memref<!tpu.dma_semaphore, #tpu.memory_space<semaphore_mem>>) {add = true}
      %add3A_402 = arith.constant 3 : i32
      %add3A_403 = arith.addi %add3A_370, %add3A_402 : i32
      %sub3A_404 = arith.constant 1 : i32
      %sub3A_405 = arith.subi %add3A_4, %sub3A_404 : i32
      %min3A_406 = arith.minsi %add3A_403, %sub3A_405 : i32
      %mul3A_407 = arith.constant 128 : i32
      %mul3A_408 = arith.muli %min3A_406, %mul3A_407 : i32
      %add3A_409 = arith.addi %mul3A_12, %mul3A_408 : i32
      %dma_start3A_410 = arith.constant 0 : i32
      %dma_start3A_411 = arith.constant 0 : i32
      %dma_start3A_412 = arith.constant 0 : i32
      %dma_start3A_413 = tpu.memref_slice %arg7[%dma_start3A_411, %dma_start3A_412] : memref<2x128xi32, #tpu.memory_space<vmem>> -> memref<1x128xi32, #tpu.memory_space<vmem>>
      %dma_start3A_414 = tpu.memref_squeeze %dma_start3A_413 : memref<1x128xi32, #tpu.memory_space<vmem>> -> memref<128xi32, #tpu.memory_space<vmem>>
      %dma_start3A_415 = tpu.memref_slice %arg3[%dma_start3A_410, %add3A_409] : memref<2x320000xi32, #tpu.memory_space<hbm>> -> memref<1x128xi32, #tpu.memory_space<hbm>>
      %dma_start3A_416 = tpu.memref_squeeze %dma_start3A_415 : memref<1x128xi32, #tpu.memory_space<hbm>> -> memref<128xi32, #tpu.memory_space<hbm>>
      %dma_start3A_417 = arith.constant 0 : i32
      %dma_start3A_418 = tpu.memref_slice %arg7[%dma_start3A_411, %dma_start3A_417] : memref<2x128xi32, #tpu.memory_space<vmem>> -> memref<1x128xi32, #tpu.memory_space<vmem>>
      %dma_start3A_419 = tpu.memref_squeeze %dma_start3A_418 : memref<1x128xi32, #tpu.memory_space<vmem>> -> memref<128xi32, #tpu.memory_space<vmem>>
      %dma_start3A_420 = tpu.memref_slice %arg3[%dma_start3A_410, %add3A_409] : memref<2x320000xi32, #tpu.memory_space<hbm>> -> memref<1x128xi32, #tpu.memory_space<hbm>>
      %dma_start3A_421 = tpu.memref_squeeze %dma_start3A_420 : memref<1x128xi32, #tpu.memory_space<hbm>> -> memref<128xi32, #tpu.memory_space<hbm>>
      tpu.enqueue_dma source(%dma_start3A_421 : memref<128xi32, #tpu.memory_space<hbm>>) target(%dma_start3A_419 : memref<128xi32, #tpu.memory_space<vmem>>) target_semaphore(%arg17 : memref<!tpu.dma_semaphore, #tpu.memory_space<semaphore_mem>>)
      %dma_start3A_422 = arith.constant 1 : i32
      %dma_start3A_423 = arith.constant 1 : i32
      %dma_start3A_424 = arith.constant 0 : i32
      %dma_start3A_425 = tpu.memref_slice %arg7[%dma_start3A_423, %dma_start3A_424] : memref<2x128xi32, #tpu.memory_space<vmem>> -> memref<1x128xi32, #tpu.memory_space<vmem>>
      %dma_start3A_426 = tpu.memref_squeeze %dma_start3A_425 : memref<1x128xi32, #tpu.memory_space<vmem>> -> memref<128xi32, #tpu.memory_space<vmem>>
      %dma_start3A_427 = tpu.memref_slice %arg3[%dma_start3A_422, %add3A_409] : memref<2x320000xi32, #tpu.memory_space<hbm>> -> memref<1x128xi32, #tpu.memory_space<hbm>>
      %dma_start3A_428 = tpu.memref_squeeze %dma_start3A_427 : memref<1x128xi32, #tpu.memory_space<hbm>> -> memref<128xi32, #tpu.memory_space<hbm>>
      %dma_start3A_429 = arith.constant 0 : i32
      %dma_start3A_430 = tpu.memref_slice %arg7[%dma_start3A_423, %dma_start3A_429] : memref<2x128xi32, #tpu.memory_space<vmem>> -> memref<1x128xi32, #tpu.memory_space<vmem>>
      %dma_start3A_431 = tpu.memref_squeeze %dma_start3A_430 : memref<1x128xi32, #tpu.memory_space<vmem>> -> memref<128xi32, #tpu.memory_space<vmem>>
      %dma_start3A_432 = tpu.memref_slice %arg3[%dma_start3A_422, %add3A_409] : memref<2x320000xi32, #tpu.memory_space<hbm>> -> memref<1x128xi32, #tpu.memory_space<hbm>>
      %dma_start3A_433 = tpu.memref_squeeze %dma_start3A_432 : memref<1x128xi32, #tpu.memory_space<hbm>> -> memref<128xi32, #tpu.memory_space<hbm>>
      tpu.enqueue_dma source(%dma_start3A_433 : memref<128xi32, #tpu.memory_space<hbm>>) target(%dma_start3A_431 : memref<128xi32, #tpu.memory_space<vmem>>) target_semaphore(%arg17 : memref<!tpu.dma_semaphore, #tpu.memory_space<semaphore_mem>>)
      %mul3A_434 = arith.constant 4 : i32
      %mul3A_435 = arith.muli %mul3A_434, %while3A_300 : i32
      %add3A_436 = arith.constant 2 : i32
      %add3A_437 = arith.addi %mul3A_435, %add3A_436 : i32
      %dma_wait3A_438 = arith.constant 0 : i32
      %dma_wait3A_439 = arith.constant 0 : i32
      %dma_wait3A_440 = tpu.memref_slice %arg9[%dma_wait3A_438, %dma_wait3A_439] : memref<2x128xi32, #tpu.memory_space<vmem>> -> memref<1x128xi32, #tpu.memory_space<vmem>>
      %dma_wait3A_441 = tpu.memref_squeeze %dma_wait3A_440 : memref<1x128xi32, #tpu.memory_space<vmem>> -> memref<128xi32, #tpu.memory_space<vmem>>
      %dma_wait3A_442 = arith.constant 0 : i32
      %dma_wait3A_443 = arith.constant 0 : i32
      %dma_wait3A_444 = tpu.memref_slice %arg2[%dma_wait3A_442, %dma_wait3A_443] : memref<10000x128xf32, #tpu.memory_space<hbm>> -> memref<10000x128xf32, #tpu.memory_space<hbm>>
      tpu.wait_indirect_dma semaphore(%arg16 : memref<!tpu.dma_semaphore, #tpu.memory_space<semaphore_mem>>) src(%dma_wait3A_444 : memref<10000x128xf32, #tpu.memory_space<hbm>>) dst(%arg11 : memref<128x128xf32, #tpu.memory_space<vmem>>)
      %ge3A_445 = arith.constant 1 : i32
      %ge3A_446 = arith.cmpi sge, %add3A_437, %ge3A_445 : i32
      %convert_element_type3A_447 = arith.extui %ge3A_446 : i1 to i32
      %cond3A_448 = arith.constant 0 : i32
      %cond3A_449 = arith.cmpi ne, %convert_element_type3A_447, %cond3A_448 : i32
      scf.if %cond3A_449 {
        %dma_wait3A_568 = arith.constant 1 : i32
        %dma_wait3A_569 = arith.constant 0 : i32
        %dma_wait3A_570 = tpu.memref_slice %arg8[%dma_wait3A_568, %dma_wait3A_569] : memref<2x128xi32, #tpu.memory_space<vmem>> -> memref<1x128xi32, #tpu.memory_space<vmem>>
        %dma_wait3A_571 = tpu.memref_squeeze %dma_wait3A_570 : memref<1x128xi32, #tpu.memory_space<vmem>> -> memref<128xi32, #tpu.memory_space<vmem>>
        %dma_wait3A_572 = arith.constant 0 : i32
        %dma_wait3A_573 = arith.constant 0 : i32
        %dma_wait3A_574 = tpu.memref_slice %arg14[%dma_wait3A_572, %dma_wait3A_573] : memref<10240x128xf32, #tpu.memory_space<vmem_shared>> -> memref<10240x128xf32, #tpu.memory_space<vmem_shared>>
        tpu.wait_indirect_dma semaphore(%arg18 : memref<!tpu.dma_semaphore, #tpu.memory_space<semaphore_mem>>) src(%arg12 : memref<128x128xf32, #tpu.memory_space<vmem>>) dst(%dma_wait3A_574 : memref<10240x128xf32, #tpu.memory_space<vmem_shared>>)
        %dma_wait3A_575 = arith.constant 1 : i32
        %dma_wait3A_576 = arith.constant 0 : i32
        %dma_wait3A_577 = tpu.memref_slice %arg8[%dma_wait3A_575, %dma_wait3A_576] : memref<2x128xi32, #tpu.memory_space<vmem>> -> memref<1x128xi32, #tpu.memory_space<vmem>>
        %dma_wait3A_578 = tpu.memref_squeeze %dma_wait3A_577 : memref<1x128xi32, #tpu.memory_space<vmem>> -> memref<128xi32, #tpu.memory_space<vmem>>
        %dma_wait3A_579 = arith.constant 0 : i32
        %dma_wait3A_580 = tpu.memref_slice %arg15[%dma_wait3A_579] : memref<10240xf32, #tpu.memory_space<vmem_shared>> -> memref<10240xf32, #tpu.memory_space<vmem_shared>>
        tpu.wait_indirect_dma semaphore(%arg18 : memref<!tpu.dma_semaphore, #tpu.memory_space<semaphore_mem>>) src(%arg13 : memref<128xf32, #tpu.memory_space<vmem>>) dst(%dma_wait3A_580 : memref<10240xf32, #tpu.memory_space<vmem_shared>>)
      } else {
      }
      %add3A_450 = arith.constant 1 : i32
      %add3A_451 = arith.addi %add3A_437, %add3A_450 : i32
      %lt3A_452 = arith.cmpi slt, %add3A_451, %add3A_4 : i32
      %convert_element_type3A_453 = arith.extui %lt3A_452 : i1 to i32
      %cond3A_454 = arith.constant 0 : i32
      %cond3A_455 = arith.cmpi ne, %convert_element_type3A_453, %cond3A_454 : i32
      scf.if %cond3A_455 {
        %dma_wait3A_568 = arith.constant 0 : i32
        %dma_wait3A_569 = arith.constant 0 : i32
        %dma_wait3A_570 = arith.constant 0 : i32
        %dma_wait3A_571 = tpu.memref_slice %arg10[%dma_wait3A_569, %dma_wait3A_570] : memref<2x128xi32, #tpu.memory_space<vmem>> -> memref<1x128xi32, #tpu.memory_space<vmem>>
        %dma_wait3A_572 = tpu.memref_squeeze %dma_wait3A_571 : memref<1x128xi32, #tpu.memory_space<vmem>> -> memref<128xi32, #tpu.memory_space<vmem>>
        %dma_wait3A_573 = arith.constant 0 : i32
        %dma_wait3A_574 = tpu.memref_slice %arg3[%dma_wait3A_568, %dma_wait3A_573] : memref<2x320000xi32, #tpu.memory_space<hbm>> -> memref<1x128xi32, #tpu.memory_space<hbm>>
        %dma_wait3A_575 = tpu.memref_squeeze %dma_wait3A_574 : memref<1x128xi32, #tpu.memory_space<hbm>> -> memref<128xi32, #tpu.memory_space<hbm>>
        %dma_wait3A_576 = arith.constant 0 : i32
        %dma_wait3A_577 = tpu.memref_slice %arg10[%dma_wait3A_569, %dma_wait3A_576] : memref<2x128xi32, #tpu.memory_space<vmem>> -> memref<1x128xi32, #tpu.memory_space<vmem>>
        %dma_wait3A_578 = tpu.memref_squeeze %dma_wait3A_577 : memref<1x128xi32, #tpu.memory_space<vmem>> -> memref<128xi32, #tpu.memory_space<vmem>>
        %dma_wait3A_579 = arith.constant 0 : i32
        %dma_wait3A_580 = tpu.memref_slice %arg3[%dma_wait3A_568, %dma_wait3A_579] : memref<2x320000xi32, #tpu.memory_space<hbm>> -> memref<1x128xi32, #tpu.memory_space<hbm>>
        %dma_wait3A_581 = tpu.memref_squeeze %dma_wait3A_580 : memref<1x128xi32, #tpu.memory_space<hbm>> -> memref<128xi32, #tpu.memory_space<hbm>>
        tpu.wait_dma2 semaphore(%arg17 : memref<!tpu.dma_semaphore, #tpu.memory_space<semaphore_mem>>) src(%dma_wait3A_581 : memref<128xi32, #tpu.memory_space<hbm>>) dst(%dma_wait3A_578 : memref<128xi32, #tpu.memory_space<vmem>>)
        %dma_wait3A_582 = arith.constant 1 : i32
        %dma_wait3A_583 = arith.constant 1 : i32
        %dma_wait3A_584 = arith.constant 0 : i32
        %dma_wait3A_585 = tpu.memref_slice %arg10[%dma_wait3A_583, %dma_wait3A_584] : memref<2x128xi32, #tpu.memory_space<vmem>> -> memref<1x128xi32, #tpu.memory_space<vmem>>
        %dma_wait3A_586 = tpu.memref_squeeze %dma_wait3A_585 : memref<1x128xi32, #tpu.memory_space<vmem>> -> memref<128xi32, #tpu.memory_space<vmem>>
        %dma_wait3A_587 = arith.constant 0 : i32
        %dma_wait3A_588 = tpu.memref_slice %arg3[%dma_wait3A_582, %dma_wait3A_587] : memref<2x320000xi32, #tpu.memory_space<hbm>> -> memref<1x128xi32, #tpu.memory_space<hbm>>
        %dma_wait3A_589 = tpu.memref_squeeze %dma_wait3A_588 : memref<1x128xi32, #tpu.memory_space<hbm>> -> memref<128xi32, #tpu.memory_space<hbm>>
        %dma_wait3A_590 = arith.constant 0 : i32
        %dma_wait3A_591 = tpu.memref_slice %arg10[%dma_wait3A_583, %dma_wait3A_590] : memref<2x128xi32, #tpu.memory_space<vmem>> -> memref<1x128xi32, #tpu.memory_space<vmem>>
        %dma_wait3A_592 = tpu.memref_squeeze %dma_wait3A_591 : memref<1x128xi32, #tpu.memory_space<vmem>> -> memref<128xi32, #tpu.memory_space<vmem>>
        %dma_wait3A_593 = arith.constant 0 : i32
        %dma_wait3A_594 = tpu.memref_slice %arg3[%dma_wait3A_582, %dma_wait3A_593] : memref<2x320000xi32, #tpu.memory_space<hbm>> -> memref<1x128xi32, #tpu.memory_space<hbm>>
        %dma_wait3A_595 = tpu.memref_squeeze %dma_wait3A_594 : memref<1x128xi32, #tpu.memory_space<hbm>> -> memref<128xi32, #tpu.memory_space<hbm>>
        tpu.wait_dma2 semaphore(%arg17 : memref<!tpu.dma_semaphore, #tpu.memory_space<semaphore_mem>>) src(%dma_wait3A_595 : memref<128xi32, #tpu.memory_space<hbm>>) dst(%dma_wait3A_592 : memref<128xi32, #tpu.memory_space<vmem>>)
        %dma_start3A_596 = arith.constant 0 : i32
        %dma_start3A_597 = arith.constant 0 : i32
        %dma_start3A_598 = tpu.memref_slice %arg10[%dma_start3A_596, %dma_start3A_597] : memref<2x128xi32, #tpu.memory_space<vmem>> -> memref<1x128xi32, #tpu.memory_space<vmem>>
        %dma_start3A_599 = tpu.memref_squeeze %dma_start3A_598 : memref<1x128xi32, #tpu.memory_space<vmem>> -> memref<128xi32, #tpu.memory_space<vmem>>
        %dma_start3A_600 = arith.constant 0 : i32
        %dma_start3A_601 = arith.constant 0 : i32
        %dma_start3A_602 = tpu.memref_slice %arg2[%dma_start3A_600, %dma_start3A_601] : memref<10000x128xf32, #tpu.memory_space<hbm>> -> memref<10000x128xf32, #tpu.memory_space<hbm>>
        tpu.enqueue_indirect_dma source(%dma_start3A_602 : memref<10000x128xf32, #tpu.memory_space<hbm>>) target(%arg12 : memref<128x128xf32, #tpu.memory_space<vmem>>) offsets(%dma_start3A_599 : memref<128xi32, #tpu.memory_space<vmem>>) semaphore(%arg16 : memref<!tpu.dma_semaphore, #tpu.memory_space<semaphore_mem>>)
      } else {
      }
      %dma_start3A_456 = arith.constant 1 : i32
      %dma_start3A_457 = arith.constant 0 : i32
      %dma_start3A_458 = tpu.memref_slice %arg9[%dma_start3A_456, %dma_start3A_457] : memref<2x128xi32, #tpu.memory_space<vmem>> -> memref<1x128xi32, #tpu.memory_space<vmem>>
      %dma_start3A_459 = tpu.memref_squeeze %dma_start3A_458 : memref<1x128xi32, #tpu.memory_space<vmem>> -> memref<128xi32, #tpu.memory_space<vmem>>
      %dma_start3A_460 = arith.constant 0 : i32
      %dma_start3A_461 = arith.constant 0 : i32
      %dma_start3A_462 = tpu.memref_slice %arg14[%dma_start3A_460, %dma_start3A_461] : memref<10240x128xf32, #tpu.memory_space<vmem_shared>> -> memref<10240x128xf32, #tpu.memory_space<vmem_shared>>
      tpu.enqueue_indirect_dma source(%arg11 : memref<128x128xf32, #tpu.memory_space<vmem>>) target(%dma_start3A_462 : memref<10240x128xf32, #tpu.memory_space<vmem_shared>>) offsets(%dma_start3A_459 : memref<128xi32, #tpu.memory_space<vmem>>) semaphore(%arg18 : memref<!tpu.dma_semaphore, #tpu.memory_space<semaphore_mem>>) {add = true}
      %dma_start3A_463 = arith.constant 1 : i32
      %dma_start3A_464 = arith.constant 0 : i32
      %dma_start3A_465 = tpu.memref_slice %arg9[%dma_start3A_463, %dma_start3A_464] : memref<2x128xi32, #tpu.memory_space<vmem>> -> memref<1x128xi32, #tpu.memory_space<vmem>>
      %dma_start3A_466 = tpu.memref_squeeze %dma_start3A_465 : memref<1x128xi32, #tpu.memory_space<vmem>> -> memref<128xi32, #tpu.memory_space<vmem>>
      %dma_start3A_467 = arith.constant 0 : i32
      %dma_start3A_468 = tpu.memref_slice %arg15[%dma_start3A_467] : memref<10240xf32, #tpu.memory_space<vmem_shared>> -> memref<10240xf32, #tpu.memory_space<vmem_shared>>
      tpu.enqueue_indirect_dma source(%arg13 : memref<128xf32, #tpu.memory_space<vmem>>) target(%dma_start3A_468 : memref<10240xf32, #tpu.memory_space<vmem_shared>>) offsets(%dma_start3A_466 : memref<128xi32, #tpu.memory_space<vmem>>) semaphore(%arg18 : memref<!tpu.dma_semaphore, #tpu.memory_space<semaphore_mem>>) {add = true}
      %add3A_469 = arith.constant 3 : i32
      %add3A_470 = arith.addi %add3A_437, %add3A_469 : i32
      %sub3A_471 = arith.constant 1 : i32
      %sub3A_472 = arith.subi %add3A_4, %sub3A_471 : i32
      %min3A_473 = arith.minsi %add3A_470, %sub3A_472 : i32
      %mul3A_474 = arith.constant 128 : i32
      %mul3A_475 = arith.muli %min3A_473, %mul3A_474 : i32
      %add3A_476 = arith.addi %mul3A_12, %mul3A_475 : i32
      %dma_start3A_477 = arith.constant 0 : i32
      %dma_start3A_478 = arith.constant 0 : i32
      %dma_start3A_479 = arith.constant 0 : i32
      %dma_start3A_480 = tpu.memref_slice %arg8[%dma_start3A_478, %dma_start3A_479] : memref<2x128xi32, #tpu.memory_space<vmem>> -> memref<1x128xi32, #tpu.memory_space<vmem>>
      %dma_start3A_481 = tpu.memref_squeeze %dma_start3A_480 : memref<1x128xi32, #tpu.memory_space<vmem>> -> memref<128xi32, #tpu.memory_space<vmem>>
      %dma_start3A_482 = tpu.memref_slice %arg3[%dma_start3A_477, %add3A_476] : memref<2x320000xi32, #tpu.memory_space<hbm>> -> memref<1x128xi32, #tpu.memory_space<hbm>>
      %dma_start3A_483 = tpu.memref_squeeze %dma_start3A_482 : memref<1x128xi32, #tpu.memory_space<hbm>> -> memref<128xi32, #tpu.memory_space<hbm>>
      %dma_start3A_484 = arith.constant 0 : i32
      %dma_start3A_485 = tpu.memref_slice %arg8[%dma_start3A_478, %dma_start3A_484] : memref<2x128xi32, #tpu.memory_space<vmem>> -> memref<1x128xi32, #tpu.memory_space<vmem>>
      %dma_start3A_486 = tpu.memref_squeeze %dma_start3A_485 : memref<1x128xi32, #tpu.memory_space<vmem>> -> memref<128xi32, #tpu.memory_space<vmem>>
      %dma_start3A_487 = tpu.memref_slice %arg3[%dma_start3A_477, %add3A_476] : memref<2x320000xi32, #tpu.memory_space<hbm>> -> memref<1x128xi32, #tpu.memory_space<hbm>>
      %dma_start3A_488 = tpu.memref_squeeze %dma_start3A_487 : memref<1x128xi32, #tpu.memory_space<hbm>> -> memref<128xi32, #tpu.memory_space<hbm>>
      tpu.enqueue_dma source(%dma_start3A_488 : memref<128xi32, #tpu.memory_space<hbm>>) target(%dma_start3A_486 : memref<128xi32, #tpu.memory_space<vmem>>) target_semaphore(%arg17 : memref<!tpu.dma_semaphore, #tpu.memory_space<semaphore_mem>>)
      %dma_start3A_489 = arith.constant 1 : i32
      %dma_start3A_490 = arith.constant 1 : i32
      %dma_start3A_491 = arith.constant 0 : i32
      %dma_start3A_492 = tpu.memref_slice %arg8[%dma_start3A_490, %dma_start3A_491] : memref<2x128xi32, #tpu.memory_space<vmem>> -> memref<1x128xi32, #tpu.memory_space<vmem>>
      %dma_start3A_493 = tpu.memref_squeeze %dma_start3A_492 : memref<1x128xi32, #tpu.memory_space<vmem>> -> memref<128xi32, #tpu.memory_space<vmem>>
      %dma_start3A_494 = tpu.memref_slice %arg3[%dma_start3A_489, %add3A_476] : memref<2x320000xi32, #tpu.memory_space<hbm>> -> memref<1x128xi32, #tpu.memory_space<hbm>>
      %dma_start3A_495 = tpu.memref_squeeze %dma_start3A_494 : memref<1x128xi32, #tpu.memory_space<hbm>> -> memref<128xi32, #tpu.memory_space<hbm>>
      %dma_start3A_496 = arith.constant 0 : i32
      %dma_start3A_497 = tpu.memref_slice %arg8[%dma_start3A_490, %dma_start3A_496] : memref<2x128xi32, #tpu.memory_space<vmem>> -> memref<1x128xi32, #tpu.memory_space<vmem>>
      %dma_start3A_498 = tpu.memref_squeeze %dma_start3A_497 : memref<1x128xi32, #tpu.memory_space<vmem>> -> memref<128xi32, #tpu.memory_space<vmem>>
      %dma_start3A_499 = tpu.memref_slice %arg3[%dma_start3A_489, %add3A_476] : memref<2x320000xi32, #tpu.memory_space<hbm>> -> memref<1x128xi32, #tpu.memory_space<hbm>>
      %dma_start3A_500 = tpu.memref_squeeze %dma_start3A_499 : memref<1x128xi32, #tpu.memory_space<hbm>> -> memref<128xi32, #tpu.memory_space<hbm>>
      tpu.enqueue_dma source(%dma_start3A_500 : memref<128xi32, #tpu.memory_space<hbm>>) target(%dma_start3A_498 : memref<128xi32, #tpu.memory_space<vmem>>) target_semaphore(%arg17 : memref<!tpu.dma_semaphore, #tpu.memory_space<semaphore_mem>>)
      %mul3A_501 = arith.constant 4 : i32
      %mul3A_502 = arith.muli %mul3A_501, %while3A_300 : i32
      %add3A_503 = arith.constant 3 : i32
      %add3A_504 = arith.addi %mul3A_502, %add3A_503 : i32
      %dma_wait3A_505 = arith.constant 0 : i32
      %dma_wait3A_506 = arith.constant 0 : i32
      %dma_wait3A_507 = tpu.memref_slice %arg10[%dma_wait3A_505, %dma_wait3A_506] : memref<2x128xi32, #tpu.memory_space<vmem>> -> memref<1x128xi32, #tpu.memory_space<vmem>>
      %dma_wait3A_508 = tpu.memref_squeeze %dma_wait3A_507 : memref<1x128xi32, #tpu.memory_space<vmem>> -> memref<128xi32, #tpu.memory_space<vmem>>
      %dma_wait3A_509 = arith.constant 0 : i32
      %dma_wait3A_510 = arith.constant 0 : i32
      %dma_wait3A_511 = tpu.memref_slice %arg2[%dma_wait3A_509, %dma_wait3A_510] : memref<10000x128xf32, #tpu.memory_space<hbm>> -> memref<10000x128xf32, #tpu.memory_space<hbm>>
      tpu.wait_indirect_dma semaphore(%arg16 : memref<!tpu.dma_semaphore, #tpu.memory_space<semaphore_mem>>) src(%dma_wait3A_511 : memref<10000x128xf32, #tpu.memory_space<hbm>>) dst(%arg12 : memref<128x128xf32, #tpu.memory_space<vmem>>)
      %ge3A_512 = arith.constant 1 : i32
      %ge3A_513 = arith.cmpi sge, %add3A_504, %ge3A_512 : i32
      %convert_element_type3A_514 = arith.extui %ge3A_513 : i1 to i32
      %cond3A_515 = arith.constant 0 : i32
      %cond3A_516 = arith.cmpi ne, %convert_element_type3A_514, %cond3A_515 : i32
      scf.if %cond3A_516 {
        %dma_wait3A_568 = arith.constant 1 : i32
        %dma_wait3A_569 = arith.constant 0 : i32
        %dma_wait3A_570 = tpu.memref_slice %arg9[%dma_wait3A_568, %dma_wait3A_569] : memref<2x128xi32, #tpu.memory_space<vmem>> -> memref<1x128xi32, #tpu.memory_space<vmem>>
        %dma_wait3A_571 = tpu.memref_squeeze %dma_wait3A_570 : memref<1x128xi32, #tpu.memory_space<vmem>> -> memref<128xi32, #tpu.memory_space<vmem>>
        %dma_wait3A_572 = arith.constant 0 : i32
        %dma_wait3A_573 = arith.constant 0 : i32
        %dma_wait3A_574 = tpu.memref_slice %arg14[%dma_wait3A_572, %dma_wait3A_573] : memref<10240x128xf32, #tpu.memory_space<vmem_shared>> -> memref<10240x128xf32, #tpu.memory_space<vmem_shared>>
        tpu.wait_indirect_dma semaphore(%arg18 : memref<!tpu.dma_semaphore, #tpu.memory_space<semaphore_mem>>) src(%arg11 : memref<128x128xf32, #tpu.memory_space<vmem>>) dst(%dma_wait3A_574 : memref<10240x128xf32, #tpu.memory_space<vmem_shared>>)
        %dma_wait3A_575 = arith.constant 1 : i32
        %dma_wait3A_576 = arith.constant 0 : i32
        %dma_wait3A_577 = tpu.memref_slice %arg9[%dma_wait3A_575, %dma_wait3A_576] : memref<2x128xi32, #tpu.memory_space<vmem>> -> memref<1x128xi32, #tpu.memory_space<vmem>>
        %dma_wait3A_578 = tpu.memref_squeeze %dma_wait3A_577 : memref<1x128xi32, #tpu.memory_space<vmem>> -> memref<128xi32, #tpu.memory_space<vmem>>
        %dma_wait3A_579 = arith.constant 0 : i32
        %dma_wait3A_580 = tpu.memref_slice %arg15[%dma_wait3A_579] : memref<10240xf32, #tpu.memory_space<vmem_shared>> -> memref<10240xf32, #tpu.memory_space<vmem_shared>>
        tpu.wait_indirect_dma semaphore(%arg18 : memref<!tpu.dma_semaphore, #tpu.memory_space<semaphore_mem>>) src(%arg13 : memref<128xf32, #tpu.memory_space<vmem>>) dst(%dma_wait3A_580 : memref<10240xf32, #tpu.memory_space<vmem_shared>>)
      } else {
      }
      %add3A_517 = arith.constant 1 : i32
      %add3A_518 = arith.addi %add3A_504, %add3A_517 : i32
      %lt3A_519 = arith.cmpi slt, %add3A_518, %add3A_4 : i32
      %convert_element_type3A_520 = arith.extui %lt3A_519 : i1 to i32
      %cond3A_521 = arith.constant 0 : i32
      %cond3A_522 = arith.cmpi ne, %convert_element_type3A_520, %cond3A_521 : i32
      scf.if %cond3A_522 {
        %dma_wait3A_568 = arith.constant 0 : i32
        %dma_wait3A_569 = arith.constant 0 : i32
        %dma_wait3A_570 = arith.constant 0 : i32
        %dma_wait3A_571 = tpu.memref_slice %arg7[%dma_wait3A_569, %dma_wait3A_570] : memref<2x128xi32, #tpu.memory_space<vmem>> -> memref<1x128xi32, #tpu.memory_space<vmem>>
        %dma_wait3A_572 = tpu.memref_squeeze %dma_wait3A_571 : memref<1x128xi32, #tpu.memory_space<vmem>> -> memref<128xi32, #tpu.memory_space<vmem>>
        %dma_wait3A_573 = arith.constant 0 : i32
        %dma_wait3A_574 = tpu.memref_slice %arg3[%dma_wait3A_568, %dma_wait3A_573] : memref<2x320000xi32, #tpu.memory_space<hbm>> -> memref<1x128xi32, #tpu.memory_space<hbm>>
        %dma_wait3A_575 = tpu.memref_squeeze %dma_wait3A_574 : memref<1x128xi32, #tpu.memory_space<hbm>> -> memref<128xi32, #tpu.memory_space<hbm>>
        %dma_wait3A_576 = arith.constant 0 : i32
        %dma_wait3A_577 = tpu.memref_slice %arg7[%dma_wait3A_569, %dma_wait3A_576] : memref<2x128xi32, #tpu.memory_space<vmem>> -> memref<1x128xi32, #tpu.memory_space<vmem>>
        %dma_wait3A_578 = tpu.memref_squeeze %dma_wait3A_577 : memref<1x128xi32, #tpu.memory_space<vmem>> -> memref<128xi32, #tpu.memory_space<vmem>>
        %dma_wait3A_579 = arith.constant 0 : i32
        %dma_wait3A_580 = tpu.memref_slice %arg3[%dma_wait3A_568, %dma_wait3A_579] : memref<2x320000xi32, #tpu.memory_space<hbm>> -> memref<1x128xi32, #tpu.memory_space<hbm>>
        %dma_wait3A_581 = tpu.memref_squeeze %dma_wait3A_580 : memref<1x128xi32, #tpu.memory_space<hbm>> -> memref<128xi32, #tpu.memory_space<hbm>>
        tpu.wait_dma2 semaphore(%arg17 : memref<!tpu.dma_semaphore, #tpu.memory_space<semaphore_mem>>) src(%dma_wait3A_581 : memref<128xi32, #tpu.memory_space<hbm>>) dst(%dma_wait3A_578 : memref<128xi32, #tpu.memory_space<vmem>>)
        %dma_wait3A_582 = arith.constant 1 : i32
        %dma_wait3A_583 = arith.constant 1 : i32
        %dma_wait3A_584 = arith.constant 0 : i32
        %dma_wait3A_585 = tpu.memref_slice %arg7[%dma_wait3A_583, %dma_wait3A_584] : memref<2x128xi32, #tpu.memory_space<vmem>> -> memref<1x128xi32, #tpu.memory_space<vmem>>
        %dma_wait3A_586 = tpu.memref_squeeze %dma_wait3A_585 : memref<1x128xi32, #tpu.memory_space<vmem>> -> memref<128xi32, #tpu.memory_space<vmem>>
        %dma_wait3A_587 = arith.constant 0 : i32
        %dma_wait3A_588 = tpu.memref_slice %arg3[%dma_wait3A_582, %dma_wait3A_587] : memref<2x320000xi32, #tpu.memory_space<hbm>> -> memref<1x128xi32, #tpu.memory_space<hbm>>
        %dma_wait3A_589 = tpu.memref_squeeze %dma_wait3A_588 : memref<1x128xi32, #tpu.memory_space<hbm>> -> memref<128xi32, #tpu.memory_space<hbm>>
        %dma_wait3A_590 = arith.constant 0 : i32
        %dma_wait3A_591 = tpu.memref_slice %arg7[%dma_wait3A_583, %dma_wait3A_590] : memref<2x128xi32, #tpu.memory_space<vmem>> -> memref<1x128xi32, #tpu.memory_space<vmem>>
        %dma_wait3A_592 = tpu.memref_squeeze %dma_wait3A_591 : memref<1x128xi32, #tpu.memory_space<vmem>> -> memref<128xi32, #tpu.memory_space<vmem>>
        %dma_wait3A_593 = arith.constant 0 : i32
        %dma_wait3A_594 = tpu.memref_slice %arg3[%dma_wait3A_582, %dma_wait3A_593] : memref<2x320000xi32, #tpu.memory_space<hbm>> -> memref<1x128xi32, #tpu.memory_space<hbm>>
        %dma_wait3A_595 = tpu.memref_squeeze %dma_wait3A_594 : memref<1x128xi32, #tpu.memory_space<hbm>> -> memref<128xi32, #tpu.memory_space<hbm>>
        tpu.wait_dma2 semaphore(%arg17 : memref<!tpu.dma_semaphore, #tpu.memory_space<semaphore_mem>>) src(%dma_wait3A_595 : memref<128xi32, #tpu.memory_space<hbm>>) dst(%dma_wait3A_592 : memref<128xi32, #tpu.memory_space<vmem>>)
        %dma_start3A_596 = arith.constant 0 : i32
        %dma_start3A_597 = arith.constant 0 : i32
        %dma_start3A_598 = tpu.memref_slice %arg7[%dma_start3A_596, %dma_start3A_597] : memref<2x128xi32, #tpu.memory_space<vmem>> -> memref<1x128xi32, #tpu.memory_space<vmem>>
        %dma_start3A_599 = tpu.memref_squeeze %dma_start3A_598 : memref<1x128xi32, #tpu.memory_space<vmem>> -> memref<128xi32, #tpu.memory_space<vmem>>
        %dma_start3A_600 = arith.constant 0 : i32
        %dma_start3A_601 = arith.constant 0 : i32
        %dma_start3A_602 = tpu.memref_slice %arg2[%dma_start3A_600, %dma_start3A_601] : memref<10000x128xf32, #tpu.memory_space<hbm>> -> memref<10000x128xf32, #tpu.memory_space<hbm>>
        tpu.enqueue_indirect_dma source(%dma_start3A_602 : memref<10000x128xf32, #tpu.memory_space<hbm>>) target(%arg11 : memref<128x128xf32, #tpu.memory_space<vmem>>) offsets(%dma_start3A_599 : memref<128xi32, #tpu.memory_space<vmem>>) semaphore(%arg16 : memref<!tpu.dma_semaphore, #tpu.memory_space<semaphore_mem>>)
      } else {
      }
      %dma_start3A_523 = arith.constant 1 : i32
      %dma_start3A_524 = arith.constant 0 : i32
      %dma_start3A_525 = tpu.memref_slice %arg10[%dma_start3A_523, %dma_start3A_524] : memref<2x128xi32, #tpu.memory_space<vmem>> -> memref<1x128xi32, #tpu.memory_space<vmem>>
      %dma_start3A_526 = tpu.memref_squeeze %dma_start3A_525 : memref<1x128xi32, #tpu.memory_space<vmem>> -> memref<128xi32, #tpu.memory_space<vmem>>
      %dma_start3A_527 = arith.constant 0 : i32
      %dma_start3A_528 = arith.constant 0 : i32
      %dma_start3A_529 = tpu.memref_slice %arg14[%dma_start3A_527, %dma_start3A_528] : memref<10240x128xf32, #tpu.memory_space<vmem_shared>> -> memref<10240x128xf32, #tpu.memory_space<vmem_shared>>
      tpu.enqueue_indirect_dma source(%arg12 : memref<128x128xf32, #tpu.memory_space<vmem>>) target(%dma_start3A_529 : memref<10240x128xf32, #tpu.memory_space<vmem_shared>>) offsets(%dma_start3A_526 : memref<128xi32, #tpu.memory_space<vmem>>) semaphore(%arg18 : memref<!tpu.dma_semaphore, #tpu.memory_space<semaphore_mem>>) {add = true}
      %dma_start3A_530 = arith.constant 1 : i32
      %dma_start3A_531 = arith.constant 0 : i32
      %dma_start3A_532 = tpu.memref_slice %arg10[%dma_start3A_530, %dma_start3A_531] : memref<2x128xi32, #tpu.memory_space<vmem>> -> memref<1x128xi32, #tpu.memory_space<vmem>>
      %dma_start3A_533 = tpu.memref_squeeze %dma_start3A_532 : memref<1x128xi32, #tpu.memory_space<vmem>> -> memref<128xi32, #tpu.memory_space<vmem>>
      %dma_start3A_534 = arith.constant 0 : i32
      %dma_start3A_535 = tpu.memref_slice %arg15[%dma_start3A_534] : memref<10240xf32, #tpu.memory_space<vmem_shared>> -> memref<10240xf32, #tpu.memory_space<vmem_shared>>
      tpu.enqueue_indirect_dma source(%arg13 : memref<128xf32, #tpu.memory_space<vmem>>) target(%dma_start3A_535 : memref<10240xf32, #tpu.memory_space<vmem_shared>>) offsets(%dma_start3A_533 : memref<128xi32, #tpu.memory_space<vmem>>) semaphore(%arg18 : memref<!tpu.dma_semaphore, #tpu.memory_space<semaphore_mem>>) {add = true}
      %add3A_536 = arith.constant 3 : i32
      %add3A_537 = arith.addi %add3A_504, %add3A_536 : i32
      %sub3A_538 = arith.constant 1 : i32
      %sub3A_539 = arith.subi %add3A_4, %sub3A_538 : i32
      %min3A_540 = arith.minsi %add3A_537, %sub3A_539 : i32
      %mul3A_541 = arith.constant 128 : i32
      %mul3A_542 = arith.muli %min3A_540, %mul3A_541 : i32
      %add3A_543 = arith.addi %mul3A_12, %mul3A_542 : i32
      %dma_start3A_544 = arith.constant 0 : i32
      %dma_start3A_545 = arith.constant 0 : i32
      %dma_start3A_546 = arith.constant 0 : i32
      %dma_start3A_547 = tpu.memref_slice %arg9[%dma_start3A_545, %dma_start3A_546] : memref<2x128xi32, #tpu.memory_space<vmem>> -> memref<1x128xi32, #tpu.memory_space<vmem>>
      %dma_start3A_548 = tpu.memref_squeeze %dma_start3A_547 : memref<1x128xi32, #tpu.memory_space<vmem>> -> memref<128xi32, #tpu.memory_space<vmem>>
      %dma_start3A_549 = tpu.memref_slice %arg3[%dma_start3A_544, %add3A_543] : memref<2x320000xi32, #tpu.memory_space<hbm>> -> memref<1x128xi32, #tpu.memory_space<hbm>>
      %dma_start3A_550 = tpu.memref_squeeze %dma_start3A_549 : memref<1x128xi32, #tpu.memory_space<hbm>> -> memref<128xi32, #tpu.memory_space<hbm>>
      %dma_start3A_551 = arith.constant 0 : i32
      %dma_start3A_552 = tpu.memref_slice %arg9[%dma_start3A_545, %dma_start3A_551] : memref<2x128xi32, #tpu.memory_space<vmem>> -> memref<1x128xi32, #tpu.memory_space<vmem>>
      %dma_start3A_553 = tpu.memref_squeeze %dma_start3A_552 : memref<1x128xi32, #tpu.memory_space<vmem>> -> memref<128xi32, #tpu.memory_space<vmem>>
      %dma_start3A_554 = tpu.memref_slice %arg3[%dma_start3A_544, %add3A_543] : memref<2x320000xi32, #tpu.memory_space<hbm>> -> memref<1x128xi32, #tpu.memory_space<hbm>>
      %dma_start3A_555 = tpu.memref_squeeze %dma_start3A_554 : memref<1x128xi32, #tpu.memory_space<hbm>> -> memref<128xi32, #tpu.memory_space<hbm>>
      tpu.enqueue_dma source(%dma_start3A_555 : memref<128xi32, #tpu.memory_space<hbm>>) target(%dma_start3A_553 : memref<128xi32, #tpu.memory_space<vmem>>) target_semaphore(%arg17 : memref<!tpu.dma_semaphore, #tpu.memory_space<semaphore_mem>>)
      %dma_start3A_556 = arith.constant 1 : i32
      %dma_start3A_557 = arith.constant 1 : i32
      %dma_start3A_558 = arith.constant 0 : i32
      %dma_start3A_559 = tpu.memref_slice %arg9[%dma_start3A_557, %dma_start3A_558] : memref<2x128xi32, #tpu.memory_space<vmem>> -> memref<1x128xi32, #tpu.memory_space<vmem>>
      %dma_start3A_560 = tpu.memref_squeeze %dma_start3A_559 : memref<1x128xi32, #tpu.memory_space<vmem>> -> memref<128xi32, #tpu.memory_space<vmem>>
      %dma_start3A_561 = tpu.memref_slice %arg3[%dma_start3A_556, %add3A_543] : memref<2x320000xi32, #tpu.memory_space<hbm>> -> memref<1x128xi32, #tpu.memory_space<hbm>>
      %dma_start3A_562 = tpu.memref_squeeze %dma_start3A_561 : memref<1x128xi32, #tpu.memory_space<hbm>> -> memref<128xi32, #tpu.memory_space<hbm>>
      %dma_start3A_563 = arith.constant 0 : i32
      %dma_start3A_564 = tpu.memref_slice %arg9[%dma_start3A_557, %dma_start3A_563] : memref<2x128xi32, #tpu.memory_space<vmem>> -> memref<1x128xi32, #tpu.memory_space<vmem>>
      %dma_start3A_565 = tpu.memref_squeeze %dma_start3A_564 : memref<1x128xi32, #tpu.memory_space<vmem>> -> memref<128xi32, #tpu.memory_space<vmem>>
      %dma_start3A_566 = tpu.memref_slice %arg3[%dma_start3A_556, %add3A_543] : memref<2x320000xi32, #tpu.memory_space<hbm>> -> memref<1x128xi32, #tpu.memory_space<hbm>>
      %dma_start3A_567 = tpu.memref_squeeze %dma_start3A_566 : memref<1x128xi32, #tpu.memory_space<hbm>> -> memref<128xi32, #tpu.memory_space<hbm>>
      tpu.enqueue_dma source(%dma_start3A_567 : memref<128xi32, #tpu.memory_space<hbm>>) target(%dma_start3A_565 : memref<128xi32, #tpu.memory_space<vmem>>) target_semaphore(%arg17 : memref<!tpu.dma_semaphore, #tpu.memory_space<semaphore_mem>>)
    }
    %while3A_190 = arith.constant 1 : i32
    scf.for %while3A_300 = %while3A_188 to %while3A_184 step %while3A_190  : i32 {
      %mul3A_301 = arith.constant 4 : i32
      %mul3A_302 = arith.muli %mul3A_301, %while3A_300 : i32
      %add3A_303 = arith.constant 0 : i32
      %add3A_304 = arith.addi %mul3A_302, %add3A_303 : i32
      %dma_wait3A_305 = arith.constant 0 : i32
      %dma_wait3A_306 = arith.constant 0 : i32
      %dma_wait3A_307 = tpu.memref_slice %arg7[%dma_wait3A_305, %dma_wait3A_306] : memref<2x128xi32, #tpu.memory_space<vmem>> -> memref<1x128xi32, #tpu.memory_space<vmem>>
      %dma_wait3A_308 = tpu.memref_squeeze %dma_wait3A_307 : memref<1x128xi32, #tpu.memory_space<vmem>> -> memref<128xi32, #tpu.memory_space<vmem>>
      %dma_wait3A_309 = arith.constant 0 : i32
      %dma_wait3A_310 = arith.constant 0 : i32
      %dma_wait3A_311 = tpu.memref_slice %arg2[%dma_wait3A_309, %dma_wait3A_310] : memref<10000x128xf32, #tpu.memory_space<hbm>> -> memref<10000x128xf32, #tpu.memory_space<hbm>>
      tpu.wait_indirect_dma semaphore(%arg16 : memref<!tpu.dma_semaphore, #tpu.memory_space<semaphore_mem>>) src(%dma_wait3A_311 : memref<10000x128xf32, #tpu.memory_space<hbm>>) dst(%arg11 : memref<128x128xf32, #tpu.memory_space<vmem>>)
      %ge3A = arith.constant 1 : i32
      %ge3A_312 = arith.cmpi sge, %add3A_304, %ge3A : i32
      %convert_element_type3A_313 = arith.extui %ge3A_312 : i1 to i32
      %cond3A_314 = arith.constant 0 : i32
      %cond3A_315 = arith.cmpi ne, %convert_element_type3A_313, %cond3A_314 : i32
      scf.if %cond3A_315 {
        %dma_wait3A_568 = arith.constant 1 : i32
        %dma_wait3A_569 = arith.constant 0 : i32
        %dma_wait3A_570 = tpu.memref_slice %arg10[%dma_wait3A_568, %dma_wait3A_569] : memref<2x128xi32, #tpu.memory_space<vmem>> -> memref<1x128xi32, #tpu.memory_space<vmem>>
        %dma_wait3A_571 = tpu.memref_squeeze %dma_wait3A_570 : memref<1x128xi32, #tpu.memory_space<vmem>> -> memref<128xi32, #tpu.memory_space<vmem>>
        %dma_wait3A_572 = arith.constant 0 : i32
        %dma_wait3A_573 = arith.constant 0 : i32
        %dma_wait3A_574 = tpu.memref_slice %arg14[%dma_wait3A_572, %dma_wait3A_573] : memref<10240x128xf32, #tpu.memory_space<vmem_shared>> -> memref<10240x128xf32, #tpu.memory_space<vmem_shared>>
        tpu.wait_indirect_dma semaphore(%arg18 : memref<!tpu.dma_semaphore, #tpu.memory_space<semaphore_mem>>) src(%arg12 : memref<128x128xf32, #tpu.memory_space<vmem>>) dst(%dma_wait3A_574 : memref<10240x128xf32, #tpu.memory_space<vmem_shared>>)
        %dma_wait3A_575 = arith.constant 1 : i32
        %dma_wait3A_576 = arith.constant 0 : i32
        %dma_wait3A_577 = tpu.memref_slice %arg10[%dma_wait3A_575, %dma_wait3A_576] : memref<2x128xi32, #tpu.memory_space<vmem>> -> memref<1x128xi32, #tpu.memory_space<vmem>>
        %dma_wait3A_578 = tpu.memref_squeeze %dma_wait3A_577 : memref<1x128xi32, #tpu.memory_space<vmem>> -> memref<128xi32, #tpu.memory_space<vmem>>
        %dma_wait3A_579 = arith.constant 0 : i32
        %dma_wait3A_580 = tpu.memref_slice %arg15[%dma_wait3A_579] : memref<10240xf32, #tpu.memory_space<vmem_shared>> -> memref<10240xf32, #tpu.memory_space<vmem_shared>>
        tpu.wait_indirect_dma semaphore(%arg18 : memref<!tpu.dma_semaphore, #tpu.memory_space<semaphore_mem>>) src(%arg13 : memref<128xf32, #tpu.memory_space<vmem>>) dst(%dma_wait3A_580 : memref<10240xf32, #tpu.memory_space<vmem_shared>>)
      } else {
      }
      %add3A_316 = arith.constant 1 : i32
      %add3A_317 = arith.addi %add3A_304, %add3A_316 : i32
      %lt3A_318 = arith.cmpi slt, %add3A_317, %add3A_4 : i32
      %convert_element_type3A_319 = arith.extui %lt3A_318 : i1 to i32
      %cond3A_320 = arith.constant 0 : i32
      %cond3A_321 = arith.cmpi ne, %convert_element_type3A_319, %cond3A_320 : i32
      scf.if %cond3A_321 {
        %dma_wait3A_568 = arith.constant 0 : i32
        %dma_wait3A_569 = arith.constant 0 : i32
        %dma_wait3A_570 = arith.constant 0 : i32
        %dma_wait3A_571 = tpu.memref_slice %arg8[%dma_wait3A_569, %dma_wait3A_570] : memref<2x128xi32, #tpu.memory_space<vmem>> -> memref<1x128xi32, #tpu.memory_space<vmem>>
        %dma_wait3A_572 = tpu.memref_squeeze %dma_wait3A_571 : memref<1x128xi32, #tpu.memory_space<vmem>> -> memref<128xi32, #tpu.memory_space<vmem>>
        %dma_wait3A_573 = arith.constant 0 : i32
        %dma_wait3A_574 = tpu.memref_slice %arg3[%dma_wait3A_568, %dma_wait3A_573] : memref<2x320000xi32, #tpu.memory_space<hbm>> -> memref<1x128xi32, #tpu.memory_space<hbm>>
        %dma_wait3A_575 = tpu.memref_squeeze %dma_wait3A_574 : memref<1x128xi32, #tpu.memory_space<hbm>> -> memref<128xi32, #tpu.memory_space<hbm>>
        %dma_wait3A_576 = arith.constant 0 : i32
        %dma_wait3A_577 = tpu.memref_slice %arg8[%dma_wait3A_569, %dma_wait3A_576] : memref<2x128xi32, #tpu.memory_space<vmem>> -> memref<1x128xi32, #tpu.memory_space<vmem>>
        %dma_wait3A_578 = tpu.memref_squeeze %dma_wait3A_577 : memref<1x128xi32, #tpu.memory_space<vmem>> -> memref<128xi32, #tpu.memory_space<vmem>>
        %dma_wait3A_579 = arith.constant 0 : i32
        %dma_wait3A_580 = tpu.memref_slice %arg3[%dma_wait3A_568, %dma_wait3A_579] : memref<2x320000xi32, #tpu.memory_space<hbm>> -> memref<1x128xi32, #tpu.memory_space<hbm>>
        %dma_wait3A_581 = tpu.memref_squeeze %dma_wait3A_580 : memref<1x128xi32, #tpu.memory_space<hbm>> -> memref<128xi32, #tpu.memory_space<hbm>>
        tpu.wait_dma2 semaphore(%arg17 : memref<!tpu.dma_semaphore, #tpu.memory_space<semaphore_mem>>) src(%dma_wait3A_581 : memref<128xi32, #tpu.memory_space<hbm>>) dst(%dma_wait3A_578 : memref<128xi32, #tpu.memory_space<vmem>>)
        %dma_wait3A_582 = arith.constant 1 : i32
        %dma_wait3A_583 = arith.constant 1 : i32
        %dma_wait3A_584 = arith.constant 0 : i32
        %dma_wait3A_585 = tpu.memref_slice %arg8[%dma_wait3A_583, %dma_wait3A_584] : memref<2x128xi32, #tpu.memory_space<vmem>> -> memref<1x128xi32, #tpu.memory_space<vmem>>
        %dma_wait3A_586 = tpu.memref_squeeze %dma_wait3A_585 : memref<1x128xi32, #tpu.memory_space<vmem>> -> memref<128xi32, #tpu.memory_space<vmem>>
        %dma_wait3A_587 = arith.constant 0 : i32
        %dma_wait3A_588 = tpu.memref_slice %arg3[%dma_wait3A_582, %dma_wait3A_587] : memref<2x320000xi32, #tpu.memory_space<hbm>> -> memref<1x128xi32, #tpu.memory_space<hbm>>
        %dma_wait3A_589 = tpu.memref_squeeze %dma_wait3A_588 : memref<1x128xi32, #tpu.memory_space<hbm>> -> memref<128xi32, #tpu.memory_space<hbm>>
        %dma_wait3A_590 = arith.constant 0 : i32
        %dma_wait3A_591 = tpu.memref_slice %arg8[%dma_wait3A_583, %dma_wait3A_590] : memref<2x128xi32, #tpu.memory_space<vmem>> -> memref<1x128xi32, #tpu.memory_space<vmem>>
        %dma_wait3A_592 = tpu.memref_squeeze %dma_wait3A_591 : memref<1x128xi32, #tpu.memory_space<vmem>> -> memref<128xi32, #tpu.memory_space<vmem>>
        %dma_wait3A_593 = arith.constant 0 : i32
        %dma_wait3A_594 = tpu.memref_slice %arg3[%dma_wait3A_582, %dma_wait3A_593] : memref<2x320000xi32, #tpu.memory_space<hbm>> -> memref<1x128xi32, #tpu.memory_space<hbm>>
        %dma_wait3A_595 = tpu.memref_squeeze %dma_wait3A_594 : memref<1x128xi32, #tpu.memory_space<hbm>> -> memref<128xi32, #tpu.memory_space<hbm>>
        tpu.wait_dma2 semaphore(%arg17 : memref<!tpu.dma_semaphore, #tpu.memory_space<semaphore_mem>>) src(%dma_wait3A_595 : memref<128xi32, #tpu.memory_space<hbm>>) dst(%dma_wait3A_592 : memref<128xi32, #tpu.memory_space<vmem>>)
        %dma_start3A_596 = arith.constant 0 : i32
        %dma_start3A_597 = arith.constant 0 : i32
        %dma_start3A_598 = tpu.memref_slice %arg8[%dma_start3A_596, %dma_start3A_597] : memref<2x128xi32, #tpu.memory_space<vmem>> -> memref<1x128xi32, #tpu.memory_space<vmem>>
        %dma_start3A_599 = tpu.memref_squeeze %dma_start3A_598 : memref<1x128xi32, #tpu.memory_space<vmem>> -> memref<128xi32, #tpu.memory_space<vmem>>
        %dma_start3A_600 = arith.constant 0 : i32
        %dma_start3A_601 = arith.constant 0 : i32
        %dma_start3A_602 = tpu.memref_slice %arg2[%dma_start3A_600, %dma_start3A_601] : memref<10000x128xf32, #tpu.memory_space<hbm>> -> memref<10000x128xf32, #tpu.memory_space<hbm>>
        tpu.enqueue_indirect_dma source(%dma_start3A_602 : memref<10000x128xf32, #tpu.memory_space<hbm>>) target(%arg12 : memref<128x128xf32, #tpu.memory_space<vmem>>) offsets(%dma_start3A_599 : memref<128xi32, #tpu.memory_space<vmem>>) semaphore(%arg16 : memref<!tpu.dma_semaphore, #tpu.memory_space<semaphore_mem>>)
      } else {
      }
      %dma_start3A_322 = arith.constant 1 : i32
      %dma_start3A_323 = arith.constant 0 : i32
      %dma_start3A_324 = tpu.memref_slice %arg7[%dma_start3A_322, %dma_start3A_323] : memref<2x128xi32, #tpu.memory_space<vmem>> -> memref<1x128xi32, #tpu.memory_space<vmem>>
      %dma_start3A_325 = tpu.memref_squeeze %dma_start3A_324 : memref<1x128xi32, #tpu.memory_space<vmem>> -> memref<128xi32, #tpu.memory_space<vmem>>
      %dma_start3A_326 = arith.constant 0 : i32
      %dma_start3A_327 = arith.constant 0 : i32
      %dma_start3A_328 = tpu.memref_slice %arg14[%dma_start3A_326, %dma_start3A_327] : memref<10240x128xf32, #tpu.memory_space<vmem_shared>> -> memref<10240x128xf32, #tpu.memory_space<vmem_shared>>
      tpu.enqueue_indirect_dma source(%arg11 : memref<128x128xf32, #tpu.memory_space<vmem>>) target(%dma_start3A_328 : memref<10240x128xf32, #tpu.memory_space<vmem_shared>>) offsets(%dma_start3A_325 : memref<128xi32, #tpu.memory_space<vmem>>) semaphore(%arg18 : memref<!tpu.dma_semaphore, #tpu.memory_space<semaphore_mem>>) {add = true}
      %dma_start3A_329 = arith.constant 1 : i32
      %dma_start3A_330 = arith.constant 0 : i32
      %dma_start3A_331 = tpu.memref_slice %arg7[%dma_start3A_329, %dma_start3A_330] : memref<2x128xi32, #tpu.memory_space<vmem>> -> memref<1x128xi32, #tpu.memory_space<vmem>>
      %dma_start3A_332 = tpu.memref_squeeze %dma_start3A_331 : memref<1x128xi32, #tpu.memory_space<vmem>> -> memref<128xi32, #tpu.memory_space<vmem>>
      %dma_start3A_333 = arith.constant 0 : i32
      %dma_start3A_334 = tpu.memref_slice %arg15[%dma_start3A_333] : memref<10240xf32, #tpu.memory_space<vmem_shared>> -> memref<10240xf32, #tpu.memory_space<vmem_shared>>
      tpu.enqueue_indirect_dma source(%arg13 : memref<128xf32, #tpu.memory_space<vmem>>) target(%dma_start3A_334 : memref<10240xf32, #tpu.memory_space<vmem_shared>>) offsets(%dma_start3A_332 : memref<128xi32, #tpu.memory_space<vmem>>) semaphore(%arg18 : memref<!tpu.dma_semaphore, #tpu.memory_space<semaphore_mem>>) {add = true}
      %add3A_335 = arith.constant 3 : i32
      %add3A_336 = arith.addi %add3A_304, %add3A_335 : i32
      %sub3A_337 = arith.constant 1 : i32
      %sub3A_338 = arith.subi %add3A_4, %sub3A_337 : i32
      %min3A_339 = arith.minsi %add3A_336, %sub3A_338 : i32
      %mul3A_340 = arith.constant 128 : i32
      %mul3A_341 = arith.muli %min3A_339, %mul3A_340 : i32
      %add3A_342 = arith.addi %mul3A_12, %mul3A_341 : i32
      %dma_start3A_343 = arith.constant 0 : i32
      %dma_start3A_344 = arith.constant 0 : i32
      %dma_start3A_345 = arith.constant 0 : i32
      %dma_start3A_346 = tpu.memref_slice %arg10[%dma_start3A_344, %dma_start3A_345] : memref<2x128xi32, #tpu.memory_space<vmem>> -> memref<1x128xi32, #tpu.memory_space<vmem>>
      %dma_start3A_347 = tpu.memref_squeeze %dma_start3A_346 : memref<1x128xi32, #tpu.memory_space<vmem>> -> memref<128xi32, #tpu.memory_space<vmem>>
      %dma_start3A_348 = tpu.memref_slice %arg3[%dma_start3A_343, %add3A_342] : memref<2x320000xi32, #tpu.memory_space<hbm>> -> memref<1x128xi32, #tpu.memory_space<hbm>>
      %dma_start3A_349 = tpu.memref_squeeze %dma_start3A_348 : memref<1x128xi32, #tpu.memory_space<hbm>> -> memref<128xi32, #tpu.memory_space<hbm>>
      %dma_start3A_350 = arith.constant 0 : i32
      %dma_start3A_351 = tpu.memref_slice %arg10[%dma_start3A_344, %dma_start3A_350] : memref<2x128xi32, #tpu.memory_space<vmem>> -> memref<1x128xi32, #tpu.memory_space<vmem>>
      %dma_start3A_352 = tpu.memref_squeeze %dma_start3A_351 : memref<1x128xi32, #tpu.memory_space<vmem>> -> memref<128xi32, #tpu.memory_space<vmem>>
      %dma_start3A_353 = tpu.memref_slice %arg3[%dma_start3A_343, %add3A_342] : memref<2x320000xi32, #tpu.memory_space<hbm>> -> memref<1x128xi32, #tpu.memory_space<hbm>>
      %dma_start3A_354 = tpu.memref_squeeze %dma_start3A_353 : memref<1x128xi32, #tpu.memory_space<hbm>> -> memref<128xi32, #tpu.memory_space<hbm>>
      tpu.enqueue_dma source(%dma_start3A_354 : memref<128xi32, #tpu.memory_space<hbm>>) target(%dma_start3A_352 : memref<128xi32, #tpu.memory_space<vmem>>) target_semaphore(%arg17 : memref<!tpu.dma_semaphore, #tpu.memory_space<semaphore_mem>>)
      %dma_start3A_355 = arith.constant 1 : i32
      %dma_start3A_356 = arith.constant 1 : i32
      %dma_start3A_357 = arith.constant 0 : i32
      %dma_start3A_358 = tpu.memref_slice %arg10[%dma_start3A_356, %dma_start3A_357] : memref<2x128xi32, #tpu.memory_space<vmem>> -> memref<1x128xi32, #tpu.memory_space<vmem>>
      %dma_start3A_359 = tpu.memref_squeeze %dma_start3A_358 : memref<1x128xi32, #tpu.memory_space<vmem>> -> memref<128xi32, #tpu.memory_space<vmem>>
      %dma_start3A_360 = tpu.memref_slice %arg3[%dma_start3A_355, %add3A_342] : memref<2x320000xi32, #tpu.memory_space<hbm>> -> memref<1x128xi32, #tpu.memory_space<hbm>>
      %dma_start3A_361 = tpu.memref_squeeze %dma_start3A_360 : memref<1x128xi32, #tpu.memory_space<hbm>> -> memref<128xi32, #tpu.memory_space<hbm>>
      %dma_start3A_362 = arith.constant 0 : i32
      %dma_start3A_363 = tpu.memref_slice %arg10[%dma_start3A_356, %dma_start3A_362] : memref<2x128xi32, #tpu.memory_space<vmem>> -> memref<1x128xi32, #tpu.memory_space<vmem>>
      %dma_start3A_364 = tpu.memref_squeeze %dma_start3A_363 : memref<1x128xi32, #tpu.memory_space<vmem>> -> memref<128xi32, #tpu.memory_space<vmem>>
      %dma_start3A_365 = tpu.memref_slice %arg3[%dma_start3A_355, %add3A_342] : memref<2x320000xi32, #tpu.memory_space<hbm>> -> memref<1x128xi32, #tpu.memory_space<hbm>>
      %dma_start3A_366 = tpu.memref_squeeze %dma_start3A_365 : memref<1x128xi32, #tpu.memory_space<hbm>> -> memref<128xi32, #tpu.memory_space<hbm>>
      tpu.enqueue_dma source(%dma_start3A_366 : memref<128xi32, #tpu.memory_space<hbm>>) target(%dma_start3A_364 : memref<128xi32, #tpu.memory_space<vmem>>) target_semaphore(%arg17 : memref<!tpu.dma_semaphore, #tpu.memory_space<semaphore_mem>>)
      %mul3A_367 = arith.constant 4 : i32
      %mul3A_368 = arith.muli %mul3A_367, %while3A_300 : i32
      %add3A_369 = arith.constant 1 : i32
      %add3A_370 = arith.addi %mul3A_368, %add3A_369 : i32
      %dma_wait3A_371 = arith.constant 0 : i32
      %dma_wait3A_372 = arith.constant 0 : i32
      %dma_wait3A_373 = tpu.memref_slice %arg8[%dma_wait3A_371, %dma_wait3A_372] : memref<2x128xi32, #tpu.memory_space<vmem>> -> memref<1x128xi32, #tpu.memory_space<vmem>>
      %dma_wait3A_374 = tpu.memref_squeeze %dma_wait3A_373 : memref<1x128xi32, #tpu.memory_space<vmem>> -> memref<128xi32, #tpu.memory_space<vmem>>
      %dma_wait3A_375 = arith.constant 0 : i32
      %dma_wait3A_376 = arith.constant 0 : i32
      %dma_wait3A_377 = tpu.memref_slice %arg2[%dma_wait3A_375, %dma_wait3A_376] : memref<10000x128xf32, #tpu.memory_space<hbm>> -> memref<10000x128xf32, #tpu.memory_space<hbm>>
      tpu.wait_indirect_dma semaphore(%arg16 : memref<!tpu.dma_semaphore, #tpu.memory_space<semaphore_mem>>) src(%dma_wait3A_377 : memref<10000x128xf32, #tpu.memory_space<hbm>>) dst(%arg12 : memref<128x128xf32, #tpu.memory_space<vmem>>)
      %ge3A_378 = arith.constant 1 : i32
      %ge3A_379 = arith.cmpi sge, %add3A_370, %ge3A_378 : i32
      %convert_element_type3A_380 = arith.extui %ge3A_379 : i1 to i32
      %cond3A_381 = arith.constant 0 : i32
      %cond3A_382 = arith.cmpi ne, %convert_element_type3A_380, %cond3A_381 : i32
      scf.if %cond3A_382 {
        %dma_wait3A_568 = arith.constant 1 : i32
        %dma_wait3A_569 = arith.constant 0 : i32
        %dma_wait3A_570 = tpu.memref_slice %arg7[%dma_wait3A_568, %dma_wait3A_569] : memref<2x128xi32, #tpu.memory_space<vmem>> -> memref<1x128xi32, #tpu.memory_space<vmem>>
        %dma_wait3A_571 = tpu.memref_squeeze %dma_wait3A_570 : memref<1x128xi32, #tpu.memory_space<vmem>> -> memref<128xi32, #tpu.memory_space<vmem>>
        %dma_wait3A_572 = arith.constant 0 : i32
        %dma_wait3A_573 = arith.constant 0 : i32
        %dma_wait3A_574 = tpu.memref_slice %arg14[%dma_wait3A_572, %dma_wait3A_573] : memref<10240x128xf32, #tpu.memory_space<vmem_shared>> -> memref<10240x128xf32, #tpu.memory_space<vmem_shared>>
        tpu.wait_indirect_dma semaphore(%arg18 : memref<!tpu.dma_semaphore, #tpu.memory_space<semaphore_mem>>) src(%arg11 : memref<128x128xf32, #tpu.memory_space<vmem>>) dst(%dma_wait3A_574 : memref<10240x128xf32, #tpu.memory_space<vmem_shared>>)
        %dma_wait3A_575 = arith.constant 1 : i32
        %dma_wait3A_576 = arith.constant 0 : i32
        %dma_wait3A_577 = tpu.memref_slice %arg7[%dma_wait3A_575, %dma_wait3A_576] : memref<2x128xi32, #tpu.memory_space<vmem>> -> memref<1x128xi32, #tpu.memory_space<vmem>>
        %dma_wait3A_578 = tpu.memref_squeeze %dma_wait3A_577 : memref<1x128xi32, #tpu.memory_space<vmem>> -> memref<128xi32, #tpu.memory_space<vmem>>
        %dma_wait3A_579 = arith.constant 0 : i32
        %dma_wait3A_580 = tpu.memref_slice %arg15[%dma_wait3A_579] : memref<10240xf32, #tpu.memory_space<vmem_shared>> -> memref<10240xf32, #tpu.memory_space<vmem_shared>>
        tpu.wait_indirect_dma semaphore(%arg18 : memref<!tpu.dma_semaphore, #tpu.memory_space<semaphore_mem>>) src(%arg13 : memref<128xf32, #tpu.memory_space<vmem>>) dst(%dma_wait3A_580 : memref<10240xf32, #tpu.memory_space<vmem_shared>>)
      } else {
      }
      %add3A_383 = arith.constant 1 : i32
      %add3A_384 = arith.addi %add3A_370, %add3A_383 : i32
      %lt3A_385 = arith.cmpi slt, %add3A_384, %add3A_4 : i32
      %convert_element_type3A_386 = arith.extui %lt3A_385 : i1 to i32
      %cond3A_387 = arith.constant 0 : i32
      %cond3A_388 = arith.cmpi ne, %convert_element_type3A_386, %cond3A_387 : i32
      scf.if %cond3A_388 {
        %dma_wait3A_568 = arith.constant 0 : i32
        %dma_wait3A_569 = arith.constant 0 : i32
        %dma_wait3A_570 = arith.constant 0 : i32
        %dma_wait3A_571 = tpu.memref_slice %arg9[%dma_wait3A_569, %dma_wait3A_570] : memref<2x128xi32, #tpu.memory_space<vmem>> -> memref<1x128xi32, #tpu.memory_space<vmem>>
        %dma_wait3A_572 = tpu.memref_squeeze %dma_wait3A_571 : memref<1x128xi32, #tpu.memory_space<vmem>> -> memref<128xi32, #tpu.memory_space<vmem>>
        %dma_wait3A_573 = arith.constant 0 : i32
        %dma_wait3A_574 = tpu.memref_slice %arg3[%dma_wait3A_568, %dma_wait3A_573] : memref<2x320000xi32, #tpu.memory_space<hbm>> -> memref<1x128xi32, #tpu.memory_space<hbm>>
        %dma_wait3A_575 = tpu.memref_squeeze %dma_wait3A_574 : memref<1x128xi32, #tpu.memory_space<hbm>> -> memref<128xi32, #tpu.memory_space<hbm>>
        %dma_wait3A_576 = arith.constant 0 : i32
        %dma_wait3A_577 = tpu.memref_slice %arg9[%dma_wait3A_569, %dma_wait3A_576] : memref<2x128xi32, #tpu.memory_space<vmem>> -> memref<1x128xi32, #tpu.memory_space<vmem>>
        %dma_wait3A_578 = tpu.memref_squeeze %dma_wait3A_577 : memref<1x128xi32, #tpu.memory_space<vmem>> -> memref<128xi32, #tpu.memory_space<vmem>>
        %dma_wait3A_579 = arith.constant 0 : i32
        %dma_wait3A_580 = tpu.memref_slice %arg3[%dma_wait3A_568, %dma_wait3A_579] : memref<2x320000xi32, #tpu.memory_space<hbm>> -> memref<1x128xi32, #tpu.memory_space<hbm>>
        %dma_wait3A_581 = tpu.memref_squeeze %dma_wait3A_580 : memref<1x128xi32, #tpu.memory_space<hbm>> -> memref<128xi32, #tpu.memory_space<hbm>>
        tpu.wait_dma2 semaphore(%arg17 : memref<!tpu.dma_semaphore, #tpu.memory_space<semaphore_mem>>) src(%dma_wait3A_581 : memref<128xi32, #tpu.memory_space<hbm>>) dst(%dma_wait3A_578 : memref<128xi32, #tpu.memory_space<vmem>>)
        %dma_wait3A_582 = arith.constant 1 : i32
        %dma_wait3A_583 = arith.constant 1 : i32
        %dma_wait3A_584 = arith.constant 0 : i32
        %dma_wait3A_585 = tpu.memref_slice %arg9[%dma_wait3A_583, %dma_wait3A_584] : memref<2x128xi32, #tpu.memory_space<vmem>> -> memref<1x128xi32, #tpu.memory_space<vmem>>
        %dma_wait3A_586 = tpu.memref_squeeze %dma_wait3A_585 : memref<1x128xi32, #tpu.memory_space<vmem>> -> memref<128xi32, #tpu.memory_space<vmem>>
        %dma_wait3A_587 = arith.constant 0 : i32
        %dma_wait3A_588 = tpu.memref_slice %arg3[%dma_wait3A_582, %dma_wait3A_587] : memref<2x320000xi32, #tpu.memory_space<hbm>> -> memref<1x128xi32, #tpu.memory_space<hbm>>
        %dma_wait3A_589 = tpu.memref_squeeze %dma_wait3A_588 : memref<1x128xi32, #tpu.memory_space<hbm>> -> memref<128xi32, #tpu.memory_space<hbm>>
        %dma_wait3A_590 = arith.constant 0 : i32
        %dma_wait3A_591 = tpu.memref_slice %arg9[%dma_wait3A_583, %dma_wait3A_590] : memref<2x128xi32, #tpu.memory_space<vmem>> -> memref<1x128xi32, #tpu.memory_space<vmem>>
        %dma_wait3A_592 = tpu.memref_squeeze %dma_wait3A_591 : memref<1x128xi32, #tpu.memory_space<vmem>> -> memref<128xi32, #tpu.memory_space<vmem>>
        %dma_wait3A_593 = arith.constant 0 : i32
        %dma_wait3A_594 = tpu.memref_slice %arg3[%dma_wait3A_582, %dma_wait3A_593] : memref<2x320000xi32, #tpu.memory_space<hbm>> -> memref<1x128xi32, #tpu.memory_space<hbm>>
        %dma_wait3A_595 = tpu.memref_squeeze %dma_wait3A_594 : memref<1x128xi32, #tpu.memory_space<hbm>> -> memref<128xi32, #tpu.memory_space<hbm>>
        tpu.wait_dma2 semaphore(%arg17 : memref<!tpu.dma_semaphore, #tpu.memory_space<semaphore_mem>>) src(%dma_wait3A_595 : memref<128xi32, #tpu.memory_space<hbm>>) dst(%dma_wait3A_592 : memref<128xi32, #tpu.memory_space<vmem>>)
        %dma_start3A_596 = arith.constant 0 : i32
        %dma_start3A_597 = arith.constant 0 : i32
        %dma_start3A_598 = tpu.memref_slice %arg9[%dma_start3A_596, %dma_start3A_597] : memref<2x128xi32, #tpu.memory_space<vmem>> -> memref<1x128xi32, #tpu.memory_space<vmem>>
        %dma_start3A_599 = tpu.memref_squeeze %dma_start3A_598 : memref<1x128xi32, #tpu.memory_space<vmem>> -> memref<128xi32, #tpu.memory_space<vmem>>
        %dma_start3A_600 = arith.constant 0 : i32
        %dma_start3A_601 = arith.constant 0 : i32
        %dma_start3A_602 = tpu.memref_slice %arg2[%dma_start3A_600, %dma_start3A_601] : memref<10000x128xf32, #tpu.memory_space<hbm>> -> memref<10000x128xf32, #tpu.memory_space<hbm>>
        tpu.enqueue_indirect_dma source(%dma_start3A_602 : memref<10000x128xf32, #tpu.memory_space<hbm>>) target(%arg11 : memref<128x128xf32, #tpu.memory_space<vmem>>) offsets(%dma_start3A_599 : memref<128xi32, #tpu.memory_space<vmem>>) semaphore(%arg16 : memref<!tpu.dma_semaphore, #tpu.memory_space<semaphore_mem>>)
      } else {
      }
      %dma_start3A_389 = arith.constant 1 : i32
      %dma_start3A_390 = arith.constant 0 : i32
      %dma_start3A_391 = tpu.memref_slice %arg8[%dma_start3A_389, %dma_start3A_390] : memref<2x128xi32, #tpu.memory_space<vmem>> -> memref<1x128xi32, #tpu.memory_space<vmem>>
      %dma_start3A_392 = tpu.memref_squeeze %dma_start3A_391 : memref<1x128xi32, #tpu.memory_space<vmem>> -> memref<128xi32, #tpu.memory_space<vmem>>
      %dma_start3A_393 = arith.constant 0 : i32
      %dma_start3A_394 = arith.constant 0 : i32
      %dma_start3A_395 = tpu.memref_slice %arg14[%dma_start3A_393, %dma_start3A_394] : memref<10240x128xf32, #tpu.memory_space<vmem_shared>> -> memref<10240x128xf32, #tpu.memory_space<vmem_shared>>
      tpu.enqueue_indirect_dma source(%arg12 : memref<128x128xf32, #tpu.memory_space<vmem>>) target(%dma_start3A_395 : memref<10240x128xf32, #tpu.memory_space<vmem_shared>>) offsets(%dma_start3A_392 : memref<128xi32, #tpu.memory_space<vmem>>) semaphore(%arg18 : memref<!tpu.dma_semaphore, #tpu.memory_space<semaphore_mem>>) {add = true}
      %dma_start3A_396 = arith.constant 1 : i32
      %dma_start3A_397 = arith.constant 0 : i32
      %dma_start3A_398 = tpu.memref_slice %arg8[%dma_start3A_396, %dma_start3A_397] : memref<2x128xi32, #tpu.memory_space<vmem>> -> memref<1x128xi32, #tpu.memory_space<vmem>>
      %dma_start3A_399 = tpu.memref_squeeze %dma_start3A_398 : memref<1x128xi32, #tpu.memory_space<vmem>> -> memref<128xi32, #tpu.memory_space<vmem>>
      %dma_start3A_400 = arith.constant 0 : i32
      %dma_start3A_401 = tpu.memref_slice %arg15[%dma_start3A_400] : memref<10240xf32, #tpu.memory_space<vmem_shared>> -> memref<10240xf32, #tpu.memory_space<vmem_shared>>
      tpu.enqueue_indirect_dma source(%arg13 : memref<128xf32, #tpu.memory_space<vmem>>) target(%dma_start3A_401 : memref<10240xf32, #tpu.memory_space<vmem_shared>>) offsets(%dma_start3A_399 : memref<128xi32, #tpu.memory_space<vmem>>) semaphore(%arg18 : memref<!tpu.dma_semaphore, #tpu.memory_space<semaphore_mem>>) {add = true}
      %add3A_402 = arith.constant 3 : i32
      %add3A_403 = arith.addi %add3A_370, %add3A_402 : i32
      %sub3A_404 = arith.constant 1 : i32
      %sub3A_405 = arith.subi %add3A_4, %sub3A_404 : i32
      %min3A_406 = arith.minsi %add3A_403, %sub3A_405 : i32
      %mul3A_407 = arith.constant 128 : i32
      %mul3A_408 = arith.muli %min3A_406, %mul3A_407 : i32
      %add3A_409 = arith.addi %mul3A_12, %mul3A_408 : i32
      %dma_start3A_410 = arith.constant 0 : i32
      %dma_start3A_411 = arith.constant 0 : i32
      %dma_start3A_412 = arith.constant 0 : i32
      %dma_start3A_413 = tpu.memref_slice %arg7[%dma_start3A_411, %dma_start3A_412] : memref<2x128xi32, #tpu.memory_space<vmem>> -> memref<1x128xi32, #tpu.memory_space<vmem>>
      %dma_start3A_414 = tpu.memref_squeeze %dma_start3A_413 : memref<1x128xi32, #tpu.memory_space<vmem>> -> memref<128xi32, #tpu.memory_space<vmem>>
      %dma_start3A_415 = tpu.memref_slice %arg3[%dma_start3A_410, %add3A_409] : memref<2x320000xi32, #tpu.memory_space<hbm>> -> memref<1x128xi32, #tpu.memory_space<hbm>>
      %dma_start3A_416 = tpu.memref_squeeze %dma_start3A_415 : memref<1x128xi32, #tpu.memory_space<hbm>> -> memref<128xi32, #tpu.memory_space<hbm>>
      %dma_start3A_417 = arith.constant 0 : i32
      %dma_start3A_418 = tpu.memref_slice %arg7[%dma_start3A_411, %dma_start3A_417] : memref<2x128xi32, #tpu.memory_space<vmem>> -> memref<1x128xi32, #tpu.memory_space<vmem>>
      %dma_start3A_419 = tpu.memref_squeeze %dma_start3A_418 : memref<1x128xi32, #tpu.memory_space<vmem>> -> memref<128xi32, #tpu.memory_space<vmem>>
      %dma_start3A_420 = tpu.memref_slice %arg3[%dma_start3A_410, %add3A_409] : memref<2x320000xi32, #tpu.memory_space<hbm>> -> memref<1x128xi32, #tpu.memory_space<hbm>>
      %dma_start3A_421 = tpu.memref_squeeze %dma_start3A_420 : memref<1x128xi32, #tpu.memory_space<hbm>> -> memref<128xi32, #tpu.memory_space<hbm>>
      tpu.enqueue_dma source(%dma_start3A_421 : memref<128xi32, #tpu.memory_space<hbm>>) target(%dma_start3A_419 : memref<128xi32, #tpu.memory_space<vmem>>) target_semaphore(%arg17 : memref<!tpu.dma_semaphore, #tpu.memory_space<semaphore_mem>>)
      %dma_start3A_422 = arith.constant 1 : i32
      %dma_start3A_423 = arith.constant 1 : i32
      %dma_start3A_424 = arith.constant 0 : i32
      %dma_start3A_425 = tpu.memref_slice %arg7[%dma_start3A_423, %dma_start3A_424] : memref<2x128xi32, #tpu.memory_space<vmem>> -> memref<1x128xi32, #tpu.memory_space<vmem>>
      %dma_start3A_426 = tpu.memref_squeeze %dma_start3A_425 : memref<1x128xi32, #tpu.memory_space<vmem>> -> memref<128xi32, #tpu.memory_space<vmem>>
      %dma_start3A_427 = tpu.memref_slice %arg3[%dma_start3A_422, %add3A_409] : memref<2x320000xi32, #tpu.memory_space<hbm>> -> memref<1x128xi32, #tpu.memory_space<hbm>>
      %dma_start3A_428 = tpu.memref_squeeze %dma_start3A_427 : memref<1x128xi32, #tpu.memory_space<hbm>> -> memref<128xi32, #tpu.memory_space<hbm>>
      %dma_start3A_429 = arith.constant 0 : i32
      %dma_start3A_430 = tpu.memref_slice %arg7[%dma_start3A_423, %dma_start3A_429] : memref<2x128xi32, #tpu.memory_space<vmem>> -> memref<1x128xi32, #tpu.memory_space<vmem>>
      %dma_start3A_431 = tpu.memref_squeeze %dma_start3A_430 : memref<1x128xi32, #tpu.memory_space<vmem>> -> memref<128xi32, #tpu.memory_space<vmem>>
      %dma_start3A_432 = tpu.memref_slice %arg3[%dma_start3A_422, %add3A_409] : memref<2x320000xi32, #tpu.memory_space<hbm>> -> memref<1x128xi32, #tpu.memory_space<hbm>>
      %dma_start3A_433 = tpu.memref_squeeze %dma_start3A_432 : memref<1x128xi32, #tpu.memory_space<hbm>> -> memref<128xi32, #tpu.memory_space<hbm>>
      tpu.enqueue_dma source(%dma_start3A_433 : memref<128xi32, #tpu.memory_space<hbm>>) target(%dma_start3A_431 : memref<128xi32, #tpu.memory_space<vmem>>) target_semaphore(%arg17 : memref<!tpu.dma_semaphore, #tpu.memory_space<semaphore_mem>>)
      %mul3A_434 = arith.constant 4 : i32
      %mul3A_435 = arith.muli %mul3A_434, %while3A_300 : i32
      %add3A_436 = arith.constant 2 : i32
      %add3A_437 = arith.addi %mul3A_435, %add3A_436 : i32
      %dma_wait3A_438 = arith.constant 0 : i32
      %dma_wait3A_439 = arith.constant 0 : i32
      %dma_wait3A_440 = tpu.memref_slice %arg9[%dma_wait3A_438, %dma_wait3A_439] : memref<2x128xi32, #tpu.memory_space<vmem>> -> memref<1x128xi32, #tpu.memory_space<vmem>>
      %dma_wait3A_441 = tpu.memref_squeeze %dma_wait3A_440 : memref<1x128xi32, #tpu.memory_space<vmem>> -> memref<128xi32, #tpu.memory_space<vmem>>
      %dma_wait3A_442 = arith.constant 0 : i32
      %dma_wait3A_443 = arith.constant 0 : i32
      %dma_wait3A_444 = tpu.memref_slice %arg2[%dma_wait3A_442, %dma_wait3A_443] : memref<10000x128xf32, #tpu.memory_space<hbm>> -> memref<10000x128xf32, #tpu.memory_space<hbm>>
      tpu.wait_indirect_dma semaphore(%arg16 : memref<!tpu.dma_semaphore, #tpu.memory_space<semaphore_mem>>) src(%dma_wait3A_444 : memref<10000x128xf32, #tpu.memory_space<hbm>>) dst(%arg11 : memref<128x128xf32, #tpu.memory_space<vmem>>)
      %ge3A_445 = arith.constant 1 : i32
      %ge3A_446 = arith.cmpi sge, %add3A_437, %ge3A_445 : i32
      %convert_element_type3A_447 = arith.extui %ge3A_446 : i1 to i32
      %cond3A_448 = arith.constant 0 : i32
      %cond3A_449 = arith.cmpi ne, %convert_element_type3A_447, %cond3A_448 : i32
      scf.if %cond3A_449 {
        %dma_wait3A_568 = arith.constant 1 : i32
        %dma_wait3A_569 = arith.constant 0 : i32
        %dma_wait3A_570 = tpu.memref_slice %arg8[%dma_wait3A_568, %dma_wait3A_569] : memref<2x128xi32, #tpu.memory_space<vmem>> -> memref<1x128xi32, #tpu.memory_space<vmem>>
        %dma_wait3A_571 = tpu.memref_squeeze %dma_wait3A_570 : memref<1x128xi32, #tpu.memory_space<vmem>> -> memref<128xi32, #tpu.memory_space<vmem>>
        %dma_wait3A_572 = arith.constant 0 : i32
        %dma_wait3A_573 = arith.constant 0 : i32
        %dma_wait3A_574 = tpu.memref_slice %arg14[%dma_wait3A_572, %dma_wait3A_573] : memref<10240x128xf32, #tpu.memory_space<vmem_shared>> -> memref<10240x128xf32, #tpu.memory_space<vmem_shared>>
        tpu.wait_indirect_dma semaphore(%arg18 : memref<!tpu.dma_semaphore, #tpu.memory_space<semaphore_mem>>) src(%arg12 : memref<128x128xf32, #tpu.memory_space<vmem>>) dst(%dma_wait3A_574 : memref<10240x128xf32, #tpu.memory_space<vmem_shared>>)
        %dma_wait3A_575 = arith.constant 1 : i32
        %dma_wait3A_576 = arith.constant 0 : i32
        %dma_wait3A_577 = tpu.memref_slice %arg8[%dma_wait3A_575, %dma_wait3A_576] : memref<2x128xi32, #tpu.memory_space<vmem>> -> memref<1x128xi32, #tpu.memory_space<vmem>>
        %dma_wait3A_578 = tpu.memref_squeeze %dma_wait3A_577 : memref<1x128xi32, #tpu.memory_space<vmem>> -> memref<128xi32, #tpu.memory_space<vmem>>
        %dma_wait3A_579 = arith.constant 0 : i32
        %dma_wait3A_580 = tpu.memref_slice %arg15[%dma_wait3A_579] : memref<10240xf32, #tpu.memory_space<vmem_shared>> -> memref<10240xf32, #tpu.memory_space<vmem_shared>>
        tpu.wait_indirect_dma semaphore(%arg18 : memref<!tpu.dma_semaphore, #tpu.memory_space<semaphore_mem>>) src(%arg13 : memref<128xf32, #tpu.memory_space<vmem>>) dst(%dma_wait3A_580 : memref<10240xf32, #tpu.memory_space<vmem_shared>>)
      } else {
      }
      %add3A_450 = arith.constant 1 : i32
      %add3A_451 = arith.addi %add3A_437, %add3A_450 : i32
      %lt3A_452 = arith.cmpi slt, %add3A_451, %add3A_4 : i32
      %convert_element_type3A_453 = arith.extui %lt3A_452 : i1 to i32
      %cond3A_454 = arith.constant 0 : i32
      %cond3A_455 = arith.cmpi ne, %convert_element_type3A_453, %cond3A_454 : i32
      scf.if %cond3A_455 {
        %dma_wait3A_568 = arith.constant 0 : i32
        %dma_wait3A_569 = arith.constant 0 : i32
        %dma_wait3A_570 = arith.constant 0 : i32
        %dma_wait3A_571 = tpu.memref_slice %arg10[%dma_wait3A_569, %dma_wait3A_570] : memref<2x128xi32, #tpu.memory_space<vmem>> -> memref<1x128xi32, #tpu.memory_space<vmem>>
        %dma_wait3A_572 = tpu.memref_squeeze %dma_wait3A_571 : memref<1x128xi32, #tpu.memory_space<vmem>> -> memref<128xi32, #tpu.memory_space<vmem>>
        %dma_wait3A_573 = arith.constant 0 : i32
        %dma_wait3A_574 = tpu.memref_slice %arg3[%dma_wait3A_568, %dma_wait3A_573] : memref<2x320000xi32, #tpu.memory_space<hbm>> -> memref<1x128xi32, #tpu.memory_space<hbm>>
        %dma_wait3A_575 = tpu.memref_squeeze %dma_wait3A_574 : memref<1x128xi32, #tpu.memory_space<hbm>> -> memref<128xi32, #tpu.memory_space<hbm>>
        %dma_wait3A_576 = arith.constant 0 : i32
        %dma_wait3A_577 = tpu.memref_slice %arg10[%dma_wait3A_569, %dma_wait3A_576] : memref<2x128xi32, #tpu.memory_space<vmem>> -> memref<1x128xi32, #tpu.memory_space<vmem>>
        %dma_wait3A_578 = tpu.memref_squeeze %dma_wait3A_577 : memref<1x128xi32, #tpu.memory_space<vmem>> -> memref<128xi32, #tpu.memory_space<vmem>>
        %dma_wait3A_579 = arith.constant 0 : i32
        %dma_wait3A_580 = tpu.memref_slice %arg3[%dma_wait3A_568, %dma_wait3A_579] : memref<2x320000xi32, #tpu.memory_space<hbm>> -> memref<1x128xi32, #tpu.memory_space<hbm>>
        %dma_wait3A_581 = tpu.memref_squeeze %dma_wait3A_580 : memref<1x128xi32, #tpu.memory_space<hbm>> -> memref<128xi32, #tpu.memory_space<hbm>>
        tpu.wait_dma2 semaphore(%arg17 : memref<!tpu.dma_semaphore, #tpu.memory_space<semaphore_mem>>) src(%dma_wait3A_581 : memref<128xi32, #tpu.memory_space<hbm>>) dst(%dma_wait3A_578 : memref<128xi32, #tpu.memory_space<vmem>>)
        %dma_wait3A_582 = arith.constant 1 : i32
        %dma_wait3A_583 = arith.constant 1 : i32
        %dma_wait3A_584 = arith.constant 0 : i32
        %dma_wait3A_585 = tpu.memref_slice %arg10[%dma_wait3A_583, %dma_wait3A_584] : memref<2x128xi32, #tpu.memory_space<vmem>> -> memref<1x128xi32, #tpu.memory_space<vmem>>
        %dma_wait3A_586 = tpu.memref_squeeze %dma_wait3A_585 : memref<1x128xi32, #tpu.memory_space<vmem>> -> memref<128xi32, #tpu.memory_space<vmem>>
        %dma_wait3A_587 = arith.constant 0 : i32
        %dma_wait3A_588 = tpu.memref_slice %arg3[%dma_wait3A_582, %dma_wait3A_587] : memref<2x320000xi32, #tpu.memory_space<hbm>> -> memref<1x128xi32, #tpu.memory_space<hbm>>
        %dma_wait3A_589 = tpu.memref_squeeze %dma_wait3A_588 : memref<1x128xi32, #tpu.memory_space<hbm>> -> memref<128xi32, #tpu.memory_space<hbm>>
        %dma_wait3A_590 = arith.constant 0 : i32
        %dma_wait3A_591 = tpu.memref_slice %arg10[%dma_wait3A_583, %dma_wait3A_590] : memref<2x128xi32, #tpu.memory_space<vmem>> -> memref<1x128xi32, #tpu.memory_space<vmem>>
        %dma_wait3A_592 = tpu.memref_squeeze %dma_wait3A_591 : memref<1x128xi32, #tpu.memory_space<vmem>> -> memref<128xi32, #tpu.memory_space<vmem>>
        %dma_wait3A_593 = arith.constant 0 : i32
        %dma_wait3A_594 = tpu.memref_slice %arg3[%dma_wait3A_582, %dma_wait3A_593] : memref<2x320000xi32, #tpu.memory_space<hbm>> -> memref<1x128xi32, #tpu.memory_space<hbm>>
        %dma_wait3A_595 = tpu.memref_squeeze %dma_wait3A_594 : memref<1x128xi32, #tpu.memory_space<hbm>> -> memref<128xi32, #tpu.memory_space<hbm>>
        tpu.wait_dma2 semaphore(%arg17 : memref<!tpu.dma_semaphore, #tpu.memory_space<semaphore_mem>>) src(%dma_wait3A_595 : memref<128xi32, #tpu.memory_space<hbm>>) dst(%dma_wait3A_592 : memref<128xi32, #tpu.memory_space<vmem>>)
        %dma_start3A_596 = arith.constant 0 : i32
        %dma_start3A_597 = arith.constant 0 : i32
        %dma_start3A_598 = tpu.memref_slice %arg10[%dma_start3A_596, %dma_start3A_597] : memref<2x128xi32, #tpu.memory_space<vmem>> -> memref<1x128xi32, #tpu.memory_space<vmem>>
        %dma_start3A_599 = tpu.memref_squeeze %dma_start3A_598 : memref<1x128xi32, #tpu.memory_space<vmem>> -> memref<128xi32, #tpu.memory_space<vmem>>
        %dma_start3A_600 = arith.constant 0 : i32
        %dma_start3A_601 = arith.constant 0 : i32
        %dma_start3A_602 = tpu.memref_slice %arg2[%dma_start3A_600, %dma_start3A_601] : memref<10000x128xf32, #tpu.memory_space<hbm>> -> memref<10000x128xf32, #tpu.memory_space<hbm>>
        tpu.enqueue_indirect_dma source(%dma_start3A_602 : memref<10000x128xf32, #tpu.memory_space<hbm>>) target(%arg12 : memref<128x128xf32, #tpu.memory_space<vmem>>) offsets(%dma_start3A_599 : memref<128xi32, #tpu.memory_space<vmem>>) semaphore(%arg16 : memref<!tpu.dma_semaphore, #tpu.memory_space<semaphore_mem>>)
      } else {
      }
      %dma_start3A_456 = arith.constant 1 : i32
      %dma_start3A_457 = arith.constant 0 : i32
      %dma_start3A_458 = tpu.memref_slice %arg9[%dma_start3A_456, %dma_start3A_457] : memref<2x128xi32, #tpu.memory_space<vmem>> -> memref<1x128xi32, #tpu.memory_space<vmem>>
      %dma_start3A_459 = tpu.memref_squeeze %dma_start3A_458 : memref<1x128xi32, #tpu.memory_space<vmem>> -> memref<128xi32, #tpu.memory_space<vmem>>
      %dma_start3A_460 = arith.constant 0 : i32
      %dma_start3A_461 = arith.constant 0 : i32
      %dma_start3A_462 = tpu.memref_slice %arg14[%dma_start3A_460, %dma_start3A_461] : memref<10240x128xf32, #tpu.memory_space<vmem_shared>> -> memref<10240x128xf32, #tpu.memory_space<vmem_shared>>
      tpu.enqueue_indirect_dma source(%arg11 : memref<128x128xf32, #tpu.memory_space<vmem>>) target(%dma_start3A_462 : memref<10240x128xf32, #tpu.memory_space<vmem_shared>>) offsets(%dma_start3A_459 : memref<128xi32, #tpu.memory_space<vmem>>) semaphore(%arg18 : memref<!tpu.dma_semaphore, #tpu.memory_space<semaphore_mem>>) {add = true}
      %dma_start3A_463 = arith.constant 1 : i32
      %dma_start3A_464 = arith.constant 0 : i32
      %dma_start3A_465 = tpu.memref_slice %arg9[%dma_start3A_463, %dma_start3A_464] : memref<2x128xi32, #tpu.memory_space<vmem>> -> memref<1x128xi32, #tpu.memory_space<vmem>>
      %dma_start3A_466 = tpu.memref_squeeze %dma_start3A_465 : memref<1x128xi32, #tpu.memory_space<vmem>> -> memref<128xi32, #tpu.memory_space<vmem>>
      %dma_start3A_467 = arith.constant 0 : i32
      %dma_start3A_468 = tpu.memref_slice %arg15[%dma_start3A_467] : memref<10240xf32, #tpu.memory_space<vmem_shared>> -> memref<10240xf32, #tpu.memory_space<vmem_shared>>
      tpu.enqueue_indirect_dma source(%arg13 : memref<128xf32, #tpu.memory_space<vmem>>) target(%dma_start3A_468 : memref<10240xf32, #tpu.memory_space<vmem_shared>>) offsets(%dma_start3A_466 : memref<128xi32, #tpu.memory_space<vmem>>) semaphore(%arg18 : memref<!tpu.dma_semaphore, #tpu.memory_space<semaphore_mem>>) {add = true}
      %add3A_469 = arith.constant 3 : i32
      %add3A_470 = arith.addi %add3A_437, %add3A_469 : i32
      %sub3A_471 = arith.constant 1 : i32
      %sub3A_472 = arith.subi %add3A_4, %sub3A_471 : i32
      %min3A_473 = arith.minsi %add3A_470, %sub3A_472 : i32
      %mul3A_474 = arith.constant 128 : i32
      %mul3A_475 = arith.muli %min3A_473, %mul3A_474 : i32
      %add3A_476 = arith.addi %mul3A_12, %mul3A_475 : i32
      %dma_start3A_477 = arith.constant 0 : i32
      %dma_start3A_478 = arith.constant 0 : i32
      %dma_start3A_479 = arith.constant 0 : i32
      %dma_start3A_480 = tpu.memref_slice %arg8[%dma_start3A_478, %dma_start3A_479] : memref<2x128xi32, #tpu.memory_space<vmem>> -> memref<1x128xi32, #tpu.memory_space<vmem>>
      %dma_start3A_481 = tpu.memref_squeeze %dma_start3A_480 : memref<1x128xi32, #tpu.memory_space<vmem>> -> memref<128xi32, #tpu.memory_space<vmem>>
      %dma_start3A_482 = tpu.memref_slice %arg3[%dma_start3A_477, %add3A_476] : memref<2x320000xi32, #tpu.memory_space<hbm>> -> memref<1x128xi32, #tpu.memory_space<hbm>>
      %dma_start3A_483 = tpu.memref_squeeze %dma_start3A_482 : memref<1x128xi32, #tpu.memory_space<hbm>> -> memref<128xi32, #tpu.memory_space<hbm>>
      %dma_start3A_484 = arith.constant 0 : i32
      %dma_start3A_485 = tpu.memref_slice %arg8[%dma_start3A_478, %dma_start3A_484] : memref<2x128xi32, #tpu.memory_space<vmem>> -> memref<1x128xi32, #tpu.memory_space<vmem>>
      %dma_start3A_486 = tpu.memref_squeeze %dma_start3A_485 : memref<1x128xi32, #tpu.memory_space<vmem>> -> memref<128xi32, #tpu.memory_space<vmem>>
      %dma_start3A_487 = tpu.memref_slice %arg3[%dma_start3A_477, %add3A_476] : memref<2x320000xi32, #tpu.memory_space<hbm>> -> memref<1x128xi32, #tpu.memory_space<hbm>>
      %dma_start3A_488 = tpu.memref_squeeze %dma_start3A_487 : memref<1x128xi32, #tpu.memory_space<hbm>> -> memref<128xi32, #tpu.memory_space<hbm>>
      tpu.enqueue_dma source(%dma_start3A_488 : memref<128xi32, #tpu.memory_space<hbm>>) target(%dma_start3A_486 : memref<128xi32, #tpu.memory_space<vmem>>) target_semaphore(%arg17 : memref<!tpu.dma_semaphore, #tpu.memory_space<semaphore_mem>>)
      %dma_start3A_489 = arith.constant 1 : i32
      %dma_start3A_490 = arith.constant 1 : i32
      %dma_start3A_491 = arith.constant 0 : i32
      %dma_start3A_492 = tpu.memref_slice %arg8[%dma_start3A_490, %dma_start3A_491] : memref<2x128xi32, #tpu.memory_space<vmem>> -> memref<1x128xi32, #tpu.memory_space<vmem>>
      %dma_start3A_493 = tpu.memref_squeeze %dma_start3A_492 : memref<1x128xi32, #tpu.memory_space<vmem>> -> memref<128xi32, #tpu.memory_space<vmem>>
      %dma_start3A_494 = tpu.memref_slice %arg3[%dma_start3A_489, %add3A_476] : memref<2x320000xi32, #tpu.memory_space<hbm>> -> memref<1x128xi32, #tpu.memory_space<hbm>>
      %dma_start3A_495 = tpu.memref_squeeze %dma_start3A_494 : memref<1x128xi32, #tpu.memory_space<hbm>> -> memref<128xi32, #tpu.memory_space<hbm>>
      %dma_start3A_496 = arith.constant 0 : i32
      %dma_start3A_497 = tpu.memref_slice %arg8[%dma_start3A_490, %dma_start3A_496] : memref<2x128xi32, #tpu.memory_space<vmem>> -> memref<1x128xi32, #tpu.memory_space<vmem>>
      %dma_start3A_498 = tpu.memref_squeeze %dma_start3A_497 : memref<1x128xi32, #tpu.memory_space<vmem>> -> memref<128xi32, #tpu.memory_space<vmem>>
      %dma_start3A_499 = tpu.memref_slice %arg3[%dma_start3A_489, %add3A_476] : memref<2x320000xi32, #tpu.memory_space<hbm>> -> memref<1x128xi32, #tpu.memory_space<hbm>>
      %dma_start3A_500 = tpu.memref_squeeze %dma_start3A_499 : memref<1x128xi32, #tpu.memory_space<hbm>> -> memref<128xi32, #tpu.memory_space<hbm>>
      tpu.enqueue_dma source(%dma_start3A_500 : memref<128xi32, #tpu.memory_space<hbm>>) target(%dma_start3A_498 : memref<128xi32, #tpu.memory_space<vmem>>) target_semaphore(%arg17 : memref<!tpu.dma_semaphore, #tpu.memory_space<semaphore_mem>>)
      %mul3A_501 = arith.constant 4 : i32
      %mul3A_502 = arith.muli %mul3A_501, %while3A_300 : i32
      %add3A_503 = arith.constant 3 : i32
      %add3A_504 = arith.addi %mul3A_502, %add3A_503 : i32
      %dma_wait3A_505 = arith.constant 0 : i32
      %dma_wait3A_506 = arith.constant 0 : i32
      %dma_wait3A_507 = tpu.memref_slice %arg10[%dma_wait3A_505, %dma_wait3A_506] : memref<2x128xi32, #tpu.memory_space<vmem>> -> memref<1x128xi32, #tpu.memory_space<vmem>>
      %dma_wait3A_508 = tpu.memref_squeeze %dma_wait3A_507 : memref<1x128xi32, #tpu.memory_space<vmem>> -> memref<128xi32, #tpu.memory_space<vmem>>
      %dma_wait3A_509 = arith.constant 0 : i32
      %dma_wait3A_510 = arith.constant 0 : i32
      %dma_wait3A_511 = tpu.memref_slice %arg2[%dma_wait3A_509, %dma_wait3A_510] : memref<10000x128xf32, #tpu.memory_space<hbm>> -> memref<10000x128xf32, #tpu.memory_space<hbm>>
      tpu.wait_indirect_dma semaphore(%arg16 : memref<!tpu.dma_semaphore, #tpu.memory_space<semaphore_mem>>) src(%dma_wait3A_511 : memref<10000x128xf32, #tpu.memory_space<hbm>>) dst(%arg12 : memref<128x128xf32, #tpu.memory_space<vmem>>)
      %ge3A_512 = arith.constant 1 : i32
      %ge3A_513 = arith.cmpi sge, %add3A_504, %ge3A_512 : i32
      %convert_element_type3A_514 = arith.extui %ge3A_513 : i1 to i32
      %cond3A_515 = arith.constant 0 : i32
      %cond3A_516 = arith.cmpi ne, %convert_element_type3A_514, %cond3A_515 : i32
      scf.if %cond3A_516 {
        %dma_wait3A_568 = arith.constant 1 : i32
        %dma_wait3A_569 = arith.constant 0 : i32
        %dma_wait3A_570 = tpu.memref_slice %arg9[%dma_wait3A_568, %dma_wait3A_569] : memref<2x128xi32, #tpu.memory_space<vmem>> -> memref<1x128xi32, #tpu.memory_space<vmem>>
        %dma_wait3A_571 = tpu.memref_squeeze %dma_wait3A_570 : memref<1x128xi32, #tpu.memory_space<vmem>> -> memref<128xi32, #tpu.memory_space<vmem>>
        %dma_wait3A_572 = arith.constant 0 : i32
        %dma_wait3A_573 = arith.constant 0 : i32
        %dma_wait3A_574 = tpu.memref_slice %arg14[%dma_wait3A_572, %dma_wait3A_573] : memref<10240x128xf32, #tpu.memory_space<vmem_shared>> -> memref<10240x128xf32, #tpu.memory_space<vmem_shared>>
        tpu.wait_indirect_dma semaphore(%arg18 : memref<!tpu.dma_semaphore, #tpu.memory_space<semaphore_mem>>) src(%arg11 : memref<128x128xf32, #tpu.memory_space<vmem>>) dst(%dma_wait3A_574 : memref<10240x128xf32, #tpu.memory_space<vmem_shared>>)
        %dma_wait3A_575 = arith.constant 1 : i32
        %dma_wait3A_576 = arith.constant 0 : i32
        %dma_wait3A_577 = tpu.memref_slice %arg9[%dma_wait3A_575, %dma_wait3A_576] : memref<2x128xi32, #tpu.memory_space<vmem>> -> memref<1x128xi32, #tpu.memory_space<vmem>>
        %dma_wait3A_578 = tpu.memref_squeeze %dma_wait3A_577 : memref<1x128xi32, #tpu.memory_space<vmem>> -> memref<128xi32, #tpu.memory_space<vmem>>
        %dma_wait3A_579 = arith.constant 0 : i32
        %dma_wait3A_580 = tpu.memref_slice %arg15[%dma_wait3A_579] : memref<10240xf32, #tpu.memory_space<vmem_shared>> -> memref<10240xf32, #tpu.memory_space<vmem_shared>>
        tpu.wait_indirect_dma semaphore(%arg18 : memref<!tpu.dma_semaphore, #tpu.memory_space<semaphore_mem>>) src(%arg13 : memref<128xf32, #tpu.memory_space<vmem>>) dst(%dma_wait3A_580 : memref<10240xf32, #tpu.memory_space<vmem_shared>>)
      } else {
      }
      %add3A_517 = arith.constant 1 : i32
      %add3A_518 = arith.addi %add3A_504, %add3A_517 : i32
      %lt3A_519 = arith.cmpi slt, %add3A_518, %add3A_4 : i32
      %convert_element_type3A_520 = arith.extui %lt3A_519 : i1 to i32
      %cond3A_521 = arith.constant 0 : i32
      %cond3A_522 = arith.cmpi ne, %convert_element_type3A_520, %cond3A_521 : i32
      scf.if %cond3A_522 {
        %dma_wait3A_568 = arith.constant 0 : i32
        %dma_wait3A_569 = arith.constant 0 : i32
        %dma_wait3A_570 = arith.constant 0 : i32
        %dma_wait3A_571 = tpu.memref_slice %arg7[%dma_wait3A_569, %dma_wait3A_570] : memref<2x128xi32, #tpu.memory_space<vmem>> -> memref<1x128xi32, #tpu.memory_space<vmem>>
        %dma_wait3A_572 = tpu.memref_squeeze %dma_wait3A_571 : memref<1x128xi32, #tpu.memory_space<vmem>> -> memref<128xi32, #tpu.memory_space<vmem>>
        %dma_wait3A_573 = arith.constant 0 : i32
        %dma_wait3A_574 = tpu.memref_slice %arg3[%dma_wait3A_568, %dma_wait3A_573] : memref<2x320000xi32, #tpu.memory_space<hbm>> -> memref<1x128xi32, #tpu.memory_space<hbm>>
        %dma_wait3A_575 = tpu.memref_squeeze %dma_wait3A_574 : memref<1x128xi32, #tpu.memory_space<hbm>> -> memref<128xi32, #tpu.memory_space<hbm>>
        %dma_wait3A_576 = arith.constant 0 : i32
        %dma_wait3A_577 = tpu.memref_slice %arg7[%dma_wait3A_569, %dma_wait3A_576] : memref<2x128xi32, #tpu.memory_space<vmem>> -> memref<1x128xi32, #tpu.memory_space<vmem>>
        %dma_wait3A_578 = tpu.memref_squeeze %dma_wait3A_577 : memref<1x128xi32, #tpu.memory_space<vmem>> -> memref<128xi32, #tpu.memory_space<vmem>>
        %dma_wait3A_579 = arith.constant 0 : i32
        %dma_wait3A_580 = tpu.memref_slice %arg3[%dma_wait3A_568, %dma_wait3A_579] : memref<2x320000xi32, #tpu.memory_space<hbm>> -> memref<1x128xi32, #tpu.memory_space<hbm>>
        %dma_wait3A_581 = tpu.memref_squeeze %dma_wait3A_580 : memref<1x128xi32, #tpu.memory_space<hbm>> -> memref<128xi32, #tpu.memory_space<hbm>>
        tpu.wait_dma2 semaphore(%arg17 : memref<!tpu.dma_semaphore, #tpu.memory_space<semaphore_mem>>) src(%dma_wait3A_581 : memref<128xi32, #tpu.memory_space<hbm>>) dst(%dma_wait3A_578 : memref<128xi32, #tpu.memory_space<vmem>>)
        %dma_wait3A_582 = arith.constant 1 : i32
        %dma_wait3A_583 = arith.constant 1 : i32
        %dma_wait3A_584 = arith.constant 0 : i32
        %dma_wait3A_585 = tpu.memref_slice %arg7[%dma_wait3A_583, %dma_wait3A_584] : memref<2x128xi32, #tpu.memory_space<vmem>> -> memref<1x128xi32, #tpu.memory_space<vmem>>
        %dma_wait3A_586 = tpu.memref_squeeze %dma_wait3A_585 : memref<1x128xi32, #tpu.memory_space<vmem>> -> memref<128xi32, #tpu.memory_space<vmem>>
        %dma_wait3A_587 = arith.constant 0 : i32
        %dma_wait3A_588 = tpu.memref_slice %arg3[%dma_wait3A_582, %dma_wait3A_587] : memref<2x320000xi32, #tpu.memory_space<hbm>> -> memref<1x128xi32, #tpu.memory_space<hbm>>
        %dma_wait3A_589 = tpu.memref_squeeze %dma_wait3A_588 : memref<1x128xi32, #tpu.memory_space<hbm>> -> memref<128xi32, #tpu.memory_space<hbm>>
        %dma_wait3A_590 = arith.constant 0 : i32
        %dma_wait3A_591 = tpu.memref_slice %arg7[%dma_wait3A_583, %dma_wait3A_590] : memref<2x128xi32, #tpu.memory_space<vmem>> -> memref<1x128xi32, #tpu.memory_space<vmem>>
        %dma_wait3A_592 = tpu.memref_squeeze %dma_wait3A_591 : memref<1x128xi32, #tpu.memory_space<vmem>> -> memref<128xi32, #tpu.memory_space<vmem>>
        %dma_wait3A_593 = arith.constant 0 : i32
        %dma_wait3A_594 = tpu.memref_slice %arg3[%dma_wait3A_582, %dma_wait3A_593] : memref<2x320000xi32, #tpu.memory_space<hbm>> -> memref<1x128xi32, #tpu.memory_space<hbm>>
        %dma_wait3A_595 = tpu.memref_squeeze %dma_wait3A_594 : memref<1x128xi32, #tpu.memory_space<hbm>> -> memref<128xi32, #tpu.memory_space<hbm>>
        tpu.wait_dma2 semaphore(%arg17 : memref<!tpu.dma_semaphore, #tpu.memory_space<semaphore_mem>>) src(%dma_wait3A_595 : memref<128xi32, #tpu.memory_space<hbm>>) dst(%dma_wait3A_592 : memref<128xi32, #tpu.memory_space<vmem>>)
        %dma_start3A_596 = arith.constant 0 : i32
        %dma_start3A_597 = arith.constant 0 : i32
        %dma_start3A_598 = tpu.memref_slice %arg7[%dma_start3A_596, %dma_start3A_597] : memref<2x128xi32, #tpu.memory_space<vmem>> -> memref<1x128xi32, #tpu.memory_space<vmem>>
        %dma_start3A_599 = tpu.memref_squeeze %dma_start3A_598 : memref<1x128xi32, #tpu.memory_space<vmem>> -> memref<128xi32, #tpu.memory_space<vmem>>
        %dma_start3A_600 = arith.constant 0 : i32
        %dma_start3A_601 = arith.constant 0 : i32
        %dma_start3A_602 = tpu.memref_slice %arg2[%dma_start3A_600, %dma_start3A_601] : memref<10000x128xf32, #tpu.memory_space<hbm>> -> memref<10000x128xf32, #tpu.memory_space<hbm>>
        tpu.enqueue_indirect_dma source(%dma_start3A_602 : memref<10000x128xf32, #tpu.memory_space<hbm>>) target(%arg11 : memref<128x128xf32, #tpu.memory_space<vmem>>) offsets(%dma_start3A_599 : memref<128xi32, #tpu.memory_space<vmem>>) semaphore(%arg16 : memref<!tpu.dma_semaphore, #tpu.memory_space<semaphore_mem>>)
      } else {
      }
      %dma_start3A_523 = arith.constant 1 : i32
      %dma_start3A_524 = arith.constant 0 : i32
      %dma_start3A_525 = tpu.memref_slice %arg10[%dma_start3A_523, %dma_start3A_524] : memref<2x128xi32, #tpu.memory_space<vmem>> -> memref<1x128xi32, #tpu.memory_space<vmem>>
      %dma_start3A_526 = tpu.memref_squeeze %dma_start3A_525 : memref<1x128xi32, #tpu.memory_space<vmem>> -> memref<128xi32, #tpu.memory_space<vmem>>
      %dma_start3A_527 = arith.constant 0 : i32
      %dma_start3A_528 = arith.constant 0 : i32
      %dma_start3A_529 = tpu.memref_slice %arg14[%dma_start3A_527, %dma_start3A_528] : memref<10240x128xf32, #tpu.memory_space<vmem_shared>> -> memref<10240x128xf32, #tpu.memory_space<vmem_shared>>
      tpu.enqueue_indirect_dma source(%arg12 : memref<128x128xf32, #tpu.memory_space<vmem>>) target(%dma_start3A_529 : memref<10240x128xf32, #tpu.memory_space<vmem_shared>>) offsets(%dma_start3A_526 : memref<128xi32, #tpu.memory_space<vmem>>) semaphore(%arg18 : memref<!tpu.dma_semaphore, #tpu.memory_space<semaphore_mem>>) {add = true}
      %dma_start3A_530 = arith.constant 1 : i32
      %dma_start3A_531 = arith.constant 0 : i32
      %dma_start3A_532 = tpu.memref_slice %arg10[%dma_start3A_530, %dma_start3A_531] : memref<2x128xi32, #tpu.memory_space<vmem>> -> memref<1x128xi32, #tpu.memory_space<vmem>>
      %dma_start3A_533 = tpu.memref_squeeze %dma_start3A_532 : memref<1x128xi32, #tpu.memory_space<vmem>> -> memref<128xi32, #tpu.memory_space<vmem>>
      %dma_start3A_534 = arith.constant 0 : i32
      %dma_start3A_535 = tpu.memref_slice %arg15[%dma_start3A_534] : memref<10240xf32, #tpu.memory_space<vmem_shared>> -> memref<10240xf32, #tpu.memory_space<vmem_shared>>
      tpu.enqueue_indirect_dma source(%arg13 : memref<128xf32, #tpu.memory_space<vmem>>) target(%dma_start3A_535 : memref<10240xf32, #tpu.memory_space<vmem_shared>>) offsets(%dma_start3A_533 : memref<128xi32, #tpu.memory_space<vmem>>) semaphore(%arg18 : memref<!tpu.dma_semaphore, #tpu.memory_space<semaphore_mem>>) {add = true}
      %add3A_536 = arith.constant 3 : i32
      %add3A_537 = arith.addi %add3A_504, %add3A_536 : i32
      %sub3A_538 = arith.constant 1 : i32
      %sub3A_539 = arith.subi %add3A_4, %sub3A_538 : i32
      %min3A_540 = arith.minsi %add3A_537, %sub3A_539 : i32
      %mul3A_541 = arith.constant 128 : i32
      %mul3A_542 = arith.muli %min3A_540, %mul3A_541 : i32
      %add3A_543 = arith.addi %mul3A_12, %mul3A_542 : i32
      %dma_start3A_544 = arith.constant 0 : i32
      %dma_start3A_545 = arith.constant 0 : i32
      %dma_start3A_546 = arith.constant 0 : i32
      %dma_start3A_547 = tpu.memref_slice %arg9[%dma_start3A_545, %dma_start3A_546] : memref<2x128xi32, #tpu.memory_space<vmem>> -> memref<1x128xi32, #tpu.memory_space<vmem>>
      %dma_start3A_548 = tpu.memref_squeeze %dma_start3A_547 : memref<1x128xi32, #tpu.memory_space<vmem>> -> memref<128xi32, #tpu.memory_space<vmem>>
      %dma_start3A_549 = tpu.memref_slice %arg3[%dma_start3A_544, %add3A_543] : memref<2x320000xi32, #tpu.memory_space<hbm>> -> memref<1x128xi32, #tpu.memory_space<hbm>>
      %dma_start3A_550 = tpu.memref_squeeze %dma_start3A_549 : memref<1x128xi32, #tpu.memory_space<hbm>> -> memref<128xi32, #tpu.memory_space<hbm>>
      %dma_start3A_551 = arith.constant 0 : i32
      %dma_start3A_552 = tpu.memref_slice %arg9[%dma_start3A_545, %dma_start3A_551] : memref<2x128xi32, #tpu.memory_space<vmem>> -> memref<1x128xi32, #tpu.memory_space<vmem>>
      %dma_start3A_553 = tpu.memref_squeeze %dma_start3A_552 : memref<1x128xi32, #tpu.memory_space<vmem>> -> memref<128xi32, #tpu.memory_space<vmem>>
      %dma_start3A_554 = tpu.memref_slice %arg3[%dma_start3A_544, %add3A_543] : memref<2x320000xi32, #tpu.memory_space<hbm>> -> memref<1x128xi32, #tpu.memory_space<hbm>>
      %dma_start3A_555 = tpu.memref_squeeze %dma_start3A_554 : memref<1x128xi32, #tpu.memory_space<hbm>> -> memref<128xi32, #tpu.memory_space<hbm>>
      tpu.enqueue_dma source(%dma_start3A_555 : memref<128xi32, #tpu.memory_space<hbm>>) target(%dma_start3A_553 : memref<128xi32, #tpu.memory_space<vmem>>) target_semaphore(%arg17 : memref<!tpu.dma_semaphore, #tpu.memory_space<semaphore_mem>>)
      %dma_start3A_556 = arith.constant 1 : i32
      %dma_start3A_557 = arith.constant 1 : i32
      %dma_start3A_558 = arith.constant 0 : i32
      %dma_start3A_559 = tpu.memref_slice %arg9[%dma_start3A_557, %dma_start3A_558] : memref<2x128xi32, #tpu.memory_space<vmem>> -> memref<1x128xi32, #tpu.memory_space<vmem>>
      %dma_start3A_560 = tpu.memref_squeeze %dma_start3A_559 : memref<1x128xi32, #tpu.memory_space<vmem>> -> memref<128xi32, #tpu.memory_space<vmem>>
      %dma_start3A_561 = tpu.memref_slice %arg3[%dma_start3A_556, %add3A_543] : memref<2x320000xi32, #tpu.memory_space<hbm>> -> memref<1x128xi32, #tpu.memory_space<hbm>>
      %dma_start3A_562 = tpu.memref_squeeze %dma_start3A_561 : memref<1x128xi32, #tpu.memory_space<hbm>> -> memref<128xi32, #tpu.memory_space<hbm>>
      %dma_start3A_563 = arith.constant 0 : i32
      %dma_start3A_564 = tpu.memref_slice %arg9[%dma_start3A_557, %dma_start3A_563] : memref<2x128xi32, #tpu.memory_space<vmem>> -> memref<1x128xi32, #tpu.memory_space<vmem>>
      %dma_start3A_565 = tpu.memref_squeeze %dma_start3A_564 : memref<1x128xi32, #tpu.memory_space<vmem>> -> memref<128xi32, #tpu.memory_space<vmem>>
      %dma_start3A_566 = tpu.memref_slice %arg3[%dma_start3A_556, %add3A_543] : memref<2x320000xi32, #tpu.memory_space<hbm>> -> memref<1x128xi32, #tpu.memory_space<hbm>>
      %dma_start3A_567 = tpu.memref_squeeze %dma_start3A_566 : memref<1x128xi32, #tpu.memory_space<hbm>> -> memref<128xi32, #tpu.memory_space<hbm>>
      tpu.enqueue_dma source(%dma_start3A_567 : memref<128xi32, #tpu.memory_space<hbm>>) target(%dma_start3A_565 : memref<128xi32, #tpu.memory_space<vmem>>) target_semaphore(%arg17 : memref<!tpu.dma_semaphore, #tpu.memory_space<semaphore_mem>>)
    }
    %dma_wait3A = arith.constant 1 : i32
    %dma_wait3A_191 = arith.constant 0 : i32
    %dma_wait3A_192 = tpu.memref_slice %arg10[%dma_wait3A, %dma_wait3A_191] : memref<2x128xi32, #tpu.memory_space<vmem>> -> memref<1x128xi32, #tpu.memory_space<vmem>>
    %dma_wait3A_193 = tpu.memref_squeeze %dma_wait3A_192 : memref<1x128xi32, #tpu.memory_space<vmem>> -> memref<128xi32, #tpu.memory_space<vmem>>
    %dma_wait3A_194 = arith.constant 0 : i32
    %dma_wait3A_195 = arith.constant 0 : i32
    %dma_wait3A_196 = tpu.memref_slice %arg14[%dma_wait3A_194, %dma_wait3A_195] : memref<10240x128xf32, #tpu.memory_space<vmem_shared>> -> memref<10240x128xf32, #tpu.memory_space<vmem_shared>>
    tpu.wait_indirect_dma semaphore(%arg18 : memref<!tpu.dma_semaphore, #tpu.memory_space<semaphore_mem>>) src(%arg12 : memref<128x128xf32, #tpu.memory_space<vmem>>) dst(%dma_wait3A_196 : memref<10240x128xf32, #tpu.memory_space<vmem_shared>>)
    %dma_wait3A_197 = arith.constant 1 : i32
    %dma_wait3A_198 = arith.constant 0 : i32
    %dma_wait3A_199 = tpu.memref_slice %arg10[%dma_wait3A_197, %dma_wait3A_198] : memref<2x128xi32, #tpu.memory_space<vmem>> -> memref<1x128xi32, #tpu.memory_space<vmem>>
    %dma_wait3A_200 = tpu.memref_squeeze %dma_wait3A_199 : memref<1x128xi32, #tpu.memory_space<vmem>> -> memref<128xi32, #tpu.memory_space<vmem>>
    %dma_wait3A_201 = arith.constant 0 : i32
    %dma_wait3A_202 = tpu.memref_slice %arg15[%dma_wait3A_201] : memref<10240xf32, #tpu.memory_space<vmem_shared>> -> memref<10240xf32, #tpu.memory_space<vmem_shared>>
    tpu.wait_indirect_dma semaphore(%arg18 : memref<!tpu.dma_semaphore, #tpu.memory_space<semaphore_mem>>) src(%arg13 : memref<128xf32, #tpu.memory_space<vmem>>) dst(%dma_wait3A_202 : memref<10240xf32, #tpu.memory_space<vmem_shared>>)
    %dma_wait3A_203 = arith.constant 0 : i32
    %dma_wait3A_204 = arith.constant 0 : i32
    %dma_wait3A_205 = arith.constant 0 : i32
    %dma_wait3A_206 = tpu.memref_slice %arg7[%dma_wait3A_204, %dma_wait3A_205] : memref<2x128xi32, #tpu.memory_space<vmem>> -> memref<1x128xi32, #tpu.memory_space<vmem>>
    %dma_wait3A_207 = tpu.memref_squeeze %dma_wait3A_206 : memref<1x128xi32, #tpu.memory_space<vmem>> -> memref<128xi32, #tpu.memory_space<vmem>>
    %dma_wait3A_208 = arith.constant 0 : i32
    %dma_wait3A_209 = tpu.memref_slice %arg3[%dma_wait3A_203, %dma_wait3A_208] : memref<2x320000xi32, #tpu.memory_space<hbm>> -> memref<1x128xi32, #tpu.memory_space<hbm>>
    %dma_wait3A_210 = tpu.memref_squeeze %dma_wait3A_209 : memref<1x128xi32, #tpu.memory_space<hbm>> -> memref<128xi32, #tpu.memory_space<hbm>>
    %dma_wait3A_211 = arith.constant 0 : i32
    %dma_wait3A_212 = tpu.memref_slice %arg7[%dma_wait3A_204, %dma_wait3A_211] : memref<2x128xi32, #tpu.memory_space<vmem>> -> memref<1x128xi32, #tpu.memory_space<vmem>>
    %dma_wait3A_213 = tpu.memref_squeeze %dma_wait3A_212 : memref<1x128xi32, #tpu.memory_space<vmem>> -> memref<128xi32, #tpu.memory_space<vmem>>
    %dma_wait3A_214 = arith.constant 0 : i32
    %dma_wait3A_215 = tpu.memref_slice %arg3[%dma_wait3A_203, %dma_wait3A_214] : memref<2x320000xi32, #tpu.memory_space<hbm>> -> memref<1x128xi32, #tpu.memory_space<hbm>>
    %dma_wait3A_216 = tpu.memref_squeeze %dma_wait3A_215 : memref<1x128xi32, #tpu.memory_space<hbm>> -> memref<128xi32, #tpu.memory_space<hbm>>
    tpu.wait_dma2 semaphore(%arg17 : memref<!tpu.dma_semaphore, #tpu.memory_space<semaphore_mem>>) src(%dma_wait3A_216 : memref<128xi32, #tpu.memory_space<hbm>>) dst(%dma_wait3A_213 : memref<128xi32, #tpu.memory_space<vmem>>)
    %dma_wait3A_217 = arith.constant 1 : i32
    %dma_wait3A_218 = arith.constant 1 : i32
    %dma_wait3A_219 = arith.constant 0 : i32
    %dma_wait3A_220 = tpu.memref_slice %arg7[%dma_wait3A_218, %dma_wait3A_219] : memref<2x128xi32, #tpu.memory_space<vmem>> -> memref<1x128xi32, #tpu.memory_space<vmem>>
    %dma_wait3A_221 = tpu.memref_squeeze %dma_wait3A_220 : memref<1x128xi32, #tpu.memory_space<vmem>> -> memref<128xi32, #tpu.memory_space<vmem>>
    %dma_wait3A_222 = arith.constant 0 : i32
    %dma_wait3A_223 = tpu.memref_slice %arg3[%dma_wait3A_217, %dma_wait3A_222] : memref<2x320000xi32, #tpu.memory_space<hbm>> -> memref<1x128xi32, #tpu.memory_space<hbm>>
    %dma_wait3A_224 = tpu.memref_squeeze %dma_wait3A_223 : memref<1x128xi32, #tpu.memory_space<hbm>> -> memref<128xi32, #tpu.memory_space<hbm>>
    %dma_wait3A_225 = arith.constant 0 : i32
    %dma_wait3A_226 = tpu.memref_slice %arg7[%dma_wait3A_218, %dma_wait3A_225] : memref<2x128xi32, #tpu.memory_space<vmem>> -> memref<1x128xi32, #tpu.memory_space<vmem>>
    %dma_wait3A_227 = tpu.memref_squeeze %dma_wait3A_226 : memref<1x128xi32, #tpu.memory_space<vmem>> -> memref<128xi32, #tpu.memory_space<vmem>>
    %dma_wait3A_228 = arith.constant 0 : i32
    %dma_wait3A_229 = tpu.memref_slice %arg3[%dma_wait3A_217, %dma_wait3A_228] : memref<2x320000xi32, #tpu.memory_space<hbm>> -> memref<1x128xi32, #tpu.memory_space<hbm>>
    %dma_wait3A_230 = tpu.memref_squeeze %dma_wait3A_229 : memref<1x128xi32, #tpu.memory_space<hbm>> -> memref<128xi32, #tpu.memory_space<hbm>>
    tpu.wait_dma2 semaphore(%arg17 : memref<!tpu.dma_semaphore, #tpu.memory_space<semaphore_mem>>) src(%dma_wait3A_230 : memref<128xi32, #tpu.memory_space<hbm>>) dst(%dma_wait3A_227 : memref<128xi32, #tpu.memory_space<vmem>>)
    %dma_wait3A_231 = arith.constant 0 : i32
    %dma_wait3A_232 = arith.constant 0 : i32
    %dma_wait3A_233 = arith.constant 0 : i32
    %dma_wait3A_234 = tpu.memref_slice %arg7[%dma_wait3A_232, %dma_wait3A_233] : memref<2x128xi32, #tpu.memory_space<vmem>> -> memref<1x128xi32, #tpu.memory_space<vmem>>
    %dma_wait3A_235 = tpu.memref_squeeze %dma_wait3A_234 : memref<1x128xi32, #tpu.memory_space<vmem>> -> memref<128xi32, #tpu.memory_space<vmem>>
    %dma_wait3A_236 = arith.constant 0 : i32
    %dma_wait3A_237 = tpu.memref_slice %arg3[%dma_wait3A_231, %dma_wait3A_236] : memref<2x320000xi32, #tpu.memory_space<hbm>> -> memref<1x128xi32, #tpu.memory_space<hbm>>
    %dma_wait3A_238 = tpu.memref_squeeze %dma_wait3A_237 : memref<1x128xi32, #tpu.memory_space<hbm>> -> memref<128xi32, #tpu.memory_space<hbm>>
    %dma_wait3A_239 = arith.constant 0 : i32
    %dma_wait3A_240 = tpu.memref_slice %arg7[%dma_wait3A_232, %dma_wait3A_239] : memref<2x128xi32, #tpu.memory_space<vmem>> -> memref<1x128xi32, #tpu.memory_space<vmem>>
    %dma_wait3A_241 = tpu.memref_squeeze %dma_wait3A_240 : memref<1x128xi32, #tpu.memory_space<vmem>> -> memref<128xi32, #tpu.memory_space<vmem>>
    %dma_wait3A_242 = arith.constant 0 : i32
    %dma_wait3A_243 = tpu.memref_slice %arg3[%dma_wait3A_231, %dma_wait3A_242] : memref<2x320000xi32, #tpu.memory_space<hbm>> -> memref<1x128xi32, #tpu.memory_space<hbm>>
    %dma_wait3A_244 = tpu.memref_squeeze %dma_wait3A_243 : memref<1x128xi32, #tpu.memory_space<hbm>> -> memref<128xi32, #tpu.memory_space<hbm>>
    tpu.wait_dma2 semaphore(%arg17 : memref<!tpu.dma_semaphore, #tpu.memory_space<semaphore_mem>>) src(%dma_wait3A_244 : memref<128xi32, #tpu.memory_space<hbm>>) dst(%dma_wait3A_241 : memref<128xi32, #tpu.memory_space<vmem>>)
    %dma_wait3A_245 = arith.constant 1 : i32
    %dma_wait3A_246 = arith.constant 1 : i32
    %dma_wait3A_247 = arith.constant 0 : i32
    %dma_wait3A_248 = tpu.memref_slice %arg7[%dma_wait3A_246, %dma_wait3A_247] : memref<2x128xi32, #tpu.memory_space<vmem>> -> memref<1x128xi32, #tpu.memory_space<vmem>>
    %dma_wait3A_249 = tpu.memref_squeeze %dma_wait3A_248 : memref<1x128xi32, #tpu.memory_space<vmem>> -> memref<128xi32, #tpu.memory_space<vmem>>
    %dma_wait3A_250 = arith.constant 0 : i32
    %dma_wait3A_251 = tpu.memref_slice %arg3[%dma_wait3A_245, %dma_wait3A_250] : memref<2x320000xi32, #tpu.memory_space<hbm>> -> memref<1x128xi32, #tpu.memory_space<hbm>>
    %dma_wait3A_252 = tpu.memref_squeeze %dma_wait3A_251 : memref<1x128xi32, #tpu.memory_space<hbm>> -> memref<128xi32, #tpu.memory_space<hbm>>
    %dma_wait3A_253 = arith.constant 0 : i32
    %dma_wait3A_254 = tpu.memref_slice %arg7[%dma_wait3A_246, %dma_wait3A_253] : memref<2x128xi32, #tpu.memory_space<vmem>> -> memref<1x128xi32, #tpu.memory_space<vmem>>
    %dma_wait3A_255 = tpu.memref_squeeze %dma_wait3A_254 : memref<1x128xi32, #tpu.memory_space<vmem>> -> memref<128xi32, #tpu.memory_space<vmem>>
    %dma_wait3A_256 = arith.constant 0 : i32
    %dma_wait3A_257 = tpu.memref_slice %arg3[%dma_wait3A_245, %dma_wait3A_256] : memref<2x320000xi32, #tpu.memory_space<hbm>> -> memref<1x128xi32, #tpu.memory_space<hbm>>
    %dma_wait3A_258 = tpu.memref_squeeze %dma_wait3A_257 : memref<1x128xi32, #tpu.memory_space<hbm>> -> memref<128xi32, #tpu.memory_space<hbm>>
    tpu.wait_dma2 semaphore(%arg17 : memref<!tpu.dma_semaphore, #tpu.memory_space<semaphore_mem>>) src(%dma_wait3A_258 : memref<128xi32, #tpu.memory_space<hbm>>) dst(%dma_wait3A_255 : memref<128xi32, #tpu.memory_space<vmem>>)
    %dma_wait3A_259 = arith.constant 0 : i32
    %dma_wait3A_260 = arith.constant 0 : i32
    %dma_wait3A_261 = arith.constant 0 : i32
    %dma_wait3A_262 = tpu.memref_slice %arg7[%dma_wait3A_260, %dma_wait3A_261] : memref<2x128xi32, #tpu.memory_space<vmem>> -> memref<1x128xi32, #tpu.memory_space<vmem>>
    %dma_wait3A_263 = tpu.memref_squeeze %dma_wait3A_262 : memref<1x128xi32, #tpu.memory_space<vmem>> -> memref<128xi32, #tpu.memory_space<vmem>>
    %dma_wait3A_264 = arith.constant 0 : i32
    %dma_wait3A_265 = tpu.memref_slice %arg3[%dma_wait3A_259, %dma_wait3A_264] : memref<2x320000xi32, #tpu.memory_space<hbm>> -> memref<1x128xi32, #tpu.memory_space<hbm>>
    %dma_wait3A_266 = tpu.memref_squeeze %dma_wait3A_265 : memref<1x128xi32, #tpu.memory_space<hbm>> -> memref<128xi32, #tpu.memory_space<hbm>>
    %dma_wait3A_267 = arith.constant 0 : i32
    %dma_wait3A_268 = tpu.memref_slice %arg7[%dma_wait3A_260, %dma_wait3A_267] : memref<2x128xi32, #tpu.memory_space<vmem>> -> memref<1x128xi32, #tpu.memory_space<vmem>>
    %dma_wait3A_269 = tpu.memref_squeeze %dma_wait3A_268 : memref<1x128xi32, #tpu.memory_space<vmem>> -> memref<128xi32, #tpu.memory_space<vmem>>
    %dma_wait3A_270 = arith.constant 0 : i32
    %dma_wait3A_271 = tpu.memref_slice %arg3[%dma_wait3A_259, %dma_wait3A_270] : memref<2x320000xi32, #tpu.memory_space<hbm>> -> memref<1x128xi32, #tpu.memory_space<hbm>>
    %dma_wait3A_272 = tpu.memref_squeeze %dma_wait3A_271 : memref<1x128xi32, #tpu.memory_space<hbm>> -> memref<128xi32, #tpu.memory_space<hbm>>
    tpu.wait_dma2 semaphore(%arg17 : memref<!tpu.dma_semaphore, #tpu.memory_space<semaphore_mem>>) src(%dma_wait3A_272 : memref<128xi32, #tpu.memory_space<hbm>>) dst(%dma_wait3A_269 : memref<128xi32, #tpu.memory_space<vmem>>)
    %dma_wait3A_273 = arith.constant 1 : i32
    %dma_wait3A_274 = arith.constant 1 : i32
    %dma_wait3A_275 = arith.constant 0 : i32
    %dma_wait3A_276 = tpu.memref_slice %arg7[%dma_wait3A_274, %dma_wait3A_275] : memref<2x128xi32, #tpu.memory_space<vmem>> -> memref<1x128xi32, #tpu.memory_space<vmem>>
    %dma_wait3A_277 = tpu.memref_squeeze %dma_wait3A_276 : memref<1x128xi32, #tpu.memory_space<vmem>> -> memref<128xi32, #tpu.memory_space<vmem>>
    %dma_wait3A_278 = arith.constant 0 : i32
    %dma_wait3A_279 = tpu.memref_slice %arg3[%dma_wait3A_273, %dma_wait3A_278] : memref<2x320000xi32, #tpu.memory_space<hbm>> -> memref<1x128xi32, #tpu.memory_space<hbm>>
    %dma_wait3A_280 = tpu.memref_squeeze %dma_wait3A_279 : memref<1x128xi32, #tpu.memory_space<hbm>> -> memref<128xi32, #tpu.memory_space<hbm>>
    %dma_wait3A_281 = arith.constant 0 : i32
    %dma_wait3A_282 = tpu.memref_slice %arg7[%dma_wait3A_274, %dma_wait3A_281] : memref<2x128xi32, #tpu.memory_space<vmem>> -> memref<1x128xi32, #tpu.memory_space<vmem>>
    %dma_wait3A_283 = tpu.memref_squeeze %dma_wait3A_282 : memref<1x128xi32, #tpu.memory_space<vmem>> -> memref<128xi32, #tpu.memory_space<vmem>>
    %dma_wait3A_284 = arith.constant 0 : i32
    %dma_wait3A_285 = tpu.memref_slice %arg3[%dma_wait3A_273, %dma_wait3A_284] : memref<2x320000xi32, #tpu.memory_space<hbm>> -> memref<1x128xi32, #tpu.memory_space<hbm>>
    %dma_wait3A_286 = tpu.memref_squeeze %dma_wait3A_285 : memref<1x128xi32, #tpu.memory_space<hbm>> -> memref<128xi32, #tpu.memory_space<hbm>>
    tpu.wait_dma2 semaphore(%arg17 : memref<!tpu.dma_semaphore, #tpu.memory_space<semaphore_mem>>) src(%dma_wait3A_286 : memref<128xi32, #tpu.memory_space<hbm>>) dst(%dma_wait3A_283 : memref<128xi32, #tpu.memory_space<vmem>>)
    %barrier3A_287 = arith.constant 0 : index
    tpu.barrier barrier_id(%barrier3A_287)
    %mul3A_288 = arith.constant 640 : i32
    %mul3A_289 = arith.muli %arg1, %mul3A_288 : i32
    %mul3A_290 = arith.constant 10240 : i32
    %mul3A_291 = arith.muli %arg0, %mul3A_290 : i32
    %mul3A_292 = arith.constant 640 : i32
    %mul3A_293 = arith.muli %arg1, %mul3A_292 : i32
    %add3A_294 = arith.addi %mul3A_291, %mul3A_293 : i32
    "tpu.region"() ({
      %run_scoped3A_300 = tpu.sem_alloc : memref<!tpu.dma_semaphore, #tpu.memory_space<semaphore_mem>>
      %dma_start3A_301 = arith.constant 0 : i32
      %dma_start3A_302 = tpu.memref_slice %arg5[%add3A_294, %dma_start3A_301] : memref<20480x128xf32, #tpu.memory_space<hbm>> -> memref<640x128xf32, #tpu.memory_space<hbm>>
      %dma_start3A_303 = arith.constant 0 : i32
      %dma_start3A_304 = tpu.memref_slice %arg14[%mul3A_289, %dma_start3A_303] : memref<10240x128xf32, #tpu.memory_space<vmem_shared>> -> memref<640x128xf32, #tpu.memory_space<vmem_shared>>
      tpu.enqueue_dma source(%dma_start3A_304 : memref<640x128xf32, #tpu.memory_space<vmem_shared>>) target(%dma_start3A_302 : memref<640x128xf32, #tpu.memory_space<hbm>>) target_semaphore(%run_scoped3A_300 : memref<!tpu.dma_semaphore, #tpu.memory_space<semaphore_mem>>)
      %dma_wait3A_305 = arith.constant 0 : i32
      %dma_wait3A_306 = tpu.memref_slice %arg5[%add3A_294, %dma_wait3A_305] : memref<20480x128xf32, #tpu.memory_space<hbm>> -> memref<640x128xf32, #tpu.memory_space<hbm>>
      %dma_wait3A_307 = arith.constant 0 : i32
      %dma_wait3A_308 = tpu.memref_slice %arg14[%mul3A_289, %dma_wait3A_307] : memref<10240x128xf32, #tpu.memory_space<vmem_shared>> -> memref<640x128xf32, #tpu.memory_space<vmem_shared>>
      tpu.wait_dma2 semaphore(%run_scoped3A_300 : memref<!tpu.dma_semaphore, #tpu.memory_space<semaphore_mem>>) src(%dma_wait3A_308 : memref<640x128xf32, #tpu.memory_space<vmem_shared>>) dst(%dma_wait3A_306 : memref<640x128xf32, #tpu.memory_space<hbm>>)
      tpu.yield
    }) : () -> ()
    %eq3A_295 = arith.constant 0 : i32
    %eq3A_296 = arith.cmpi eq, %arg1, %eq3A_295 : i32
    %convert_element_type3A_297 = arith.extui %eq3A_296 : i1 to i32
    %cond3A_298 = arith.constant 0 : i32
    %cond3A_299 = arith.cmpi ne, %convert_element_type3A_297, %cond3A_298 : i32
    scf.if %cond3A_299 {
      %mul3A_300 = arith.constant 10240 : i32
      %mul3A_301 = arith.muli %arg0, %mul3A_300 : i32
      "tpu.region"() ({
        %run_scoped3A_302 = tpu.sem_alloc : memref<!tpu.dma_semaphore, #tpu.memory_space<semaphore_mem>>
        %dma_start3A_303 = tpu.memref_slice %arg6[%mul3A_301] : memref<20480xf32, #tpu.memory_space<hbm>> -> memref<10240xf32, #tpu.memory_space<hbm>>
        tpu.enqueue_dma source(%arg15 : memref<10240xf32, #tpu.memory_space<vmem_shared>>) target(%dma_start3A_303 : memref<10240xf32, #tpu.memory_space<hbm>>) target_semaphore(%run_scoped3A_302 : memref<!tpu.dma_semaphore, #tpu.memory_space<semaphore_mem>>)
        %dma_wait3A_304 = tpu.memref_slice %arg6[%mul3A_301] : memref<20480xf32, #tpu.memory_space<hbm>> -> memref<10240xf32, #tpu.memory_space<hbm>>
        tpu.wait_dma2 semaphore(%run_scoped3A_302 : memref<!tpu.dma_semaphore, #tpu.memory_space<semaphore_mem>>) src(%arg15 : memref<10240xf32, #tpu.memory_space<vmem_shared>>) dst(%dma_wait3A_304 : memref<10240xf32, #tpu.memory_space<hbm>>)
        tpu.yield
      }) : () -> ()
    } else {
    }
    return
  }
}

module attributes {stable_mosaic.version = 14 : i64} {
  func.func @body(%arg0: i32, %arg1: memref<2x1024x128xf32, #tpu.memory_space<vmem>>, %arg2: memref<2x1024xf32, #tpu.memory_space<vmem>>, %arg3: memref<128x128xf32, #tpu.memory_space<vmem>>, %arg4: memref<1x128xf32, #tpu.memory_space<vmem>>, %arg5: memref<1024x128xf32, #tpu.memory_space<vmem>>) attributes {dimension_semantics = [#tpu.dimension_semantics<arbitrary>], iteration_bounds = array<i64: 10>, scalar_prefetch = 0 : i64, scratch_operands = 0 : i64, tpu.core_type = #tpu.core_type<tc>, window_params = [{transform_indices = @transform_0, window_bounds = array<i64: 2, 1024, 128>}, {transform_indices = @transform_1, window_bounds = array<i64: 2, 1024>}, {pipeline_mode = #tpu.pipeline_mode<synchronous>, transform_indices = @transform_2, window_bounds = array<i64: 128, 128>}, {pipeline_mode = #tpu.pipeline_mode<synchronous>, transform_indices = @transform_3, window_bounds = array<i64: 1, 128>}, {transform_indices = @transform_4, window_bounds = array<i64: 1024, 128>}]} {
    %get3A = arith.constant 0 : index
    %get3A_0 = arith.constant 0 : index
    %get3A_1 = arith.constant 0 : index
    %get3A_2 = vector.load %arg1[%get3A, %get3A_0, %get3A_1] : memref<2x1024x128xf32, #tpu.memory_space<vmem>>, vector<1x1024x128xf32>
    %get3A_3 = vector.shape_cast %get3A_2 : vector<1x1024x128xf32> to vector<1024x128xf32>
    %get3A_4 = arith.constant 1 : index
    %get3A_5 = arith.constant 0 : index
    %get3A_6 = arith.constant 0 : index
    %get3A_7 = vector.load %arg1[%get3A_4, %get3A_5, %get3A_6] : memref<2x1024x128xf32, #tpu.memory_space<vmem>>, vector<1x1024x128xf32>
    %get3A_8 = vector.shape_cast %get3A_7 : vector<1x1024x128xf32> to vector<1024x128xf32>
    %add3A = arith.addf %get3A_3, %get3A_8 : vector<1024x128xf32>
    %get3A_9 = arith.constant 0 : index
    %get3A_10 = arith.constant 0 : index
    %get3A_11 = vector.load %arg2[%get3A_9, %get3A_10] : memref<2x1024xf32, #tpu.memory_space<vmem>>, vector<1x1024xf32>
    %get3A_12 = vector.shape_cast %get3A_11 : vector<1x1024xf32> to vector<1024xf32>
    %get3A_13 = arith.constant 1 : index
    %get3A_14 = arith.constant 0 : index
    %get3A_15 = vector.load %arg2[%get3A_13, %get3A_14] : memref<2x1024xf32, #tpu.memory_space<vmem>>, vector<1x1024xf32>
    %get3A_16 = vector.shape_cast %get3A_15 : vector<1x1024xf32> to vector<1024xf32>
    %add3A_17 = arith.addf %get3A_12, %get3A_16 : vector<1024xf32>
    %get3A_18 = arith.constant 0 : index
    %get3A_19 = arith.constant 0 : index
    %get3A_20 = vector.load %arg3[%get3A_18, %get3A_19] : memref<128x128xf32, #tpu.memory_space<vmem>>, vector<128x128xf32>
    %dot_general3A = arith.constant dense<0.000000e+00> : vector<1024x128xf32>
    %dot_general3A_21 = tpu.matmul %add3A, %get3A_20, %dot_general3A {dimension_numbers = #tpu.dot_dimension_numbers<[1], [0], [0], [1], [0, 0, 1, 1], [], []>, transpose_lhs_hint = false} : vector<1024x128xf32>, vector<128x128xf32>, vector<1024x128xf32> -> vector<1024x128xf32>
    %broadcast_in_dim3A = vector.shape_cast %add3A_17 : vector<1024xf32> to vector<1024x1xf32>
    %get3A_22 = arith.constant 0 : index
    %get3A_23 = arith.constant 0 : index
    %get3A_24 = vector.load %arg4[%get3A_22, %get3A_23] : memref<1x128xf32, #tpu.memory_space<vmem>>, vector<1x128xf32>
    %mul3A = vector.broadcast %broadcast_in_dim3A : vector<1024x1xf32> to vector<1024x128xf32>
    %mul3A_25 = vector.broadcast %get3A_24 : vector<1x128xf32> to vector<1024x128xf32>
    %mul3A_26 = arith.mulf %mul3A, %mul3A_25 : vector<1024x128xf32>
    %add3A_27 = arith.addf %dot_general3A_21, %mul3A_26 : vector<1024x128xf32>
    %swap3A = arith.constant 0 : index
    %swap3A_28 = arith.constant 0 : index
    %swap3A_29 = vector.load %arg5[%swap3A, %swap3A_28] : memref<1024x128xf32, #tpu.memory_space<vmem>>, vector<1024x128xf32>
    tpu.vector_store %arg5[%swap3A, %swap3A_28], %add3A_27 {strides = array<i32>} : memref<1024x128xf32, #tpu.memory_space<vmem>>, vector<1024x128xf32>,
    return
  }
  func.func @transform_0(%arg0: i32) -> (i32, i32, i32) {
    %c0_i32 = arith.constant 0 : i32
    %c0_i32_0 = arith.constant 0 : i32
    %c0_i32_1 = arith.constant 0 : i32
    return %c0_i32, %arg0, %c0_i32_0 : i32, i32, i32
  }
  func.func @transform_1(%arg0: i32) -> (i32, i32) {
    %c0_i32 = arith.constant 0 : i32
    %c0_i32_0 = arith.constant 0 : i32
    return %c0_i32, %arg0 : i32, i32
  }
  func.func @transform_2(%arg0: i32) -> (i32, i32) {
    %c0_i32 = arith.constant 0 : i32
    %c0_i32_0 = arith.constant 0 : i32
    %c0_i32_1 = arith.constant 0 : i32
    return %c0_i32, %c0_i32_0 : i32, i32
  }
  func.func @transform_3(%arg0: i32) -> (i32, i32) {
    %c0_i32 = arith.constant 0 : i32
    %c0_i32_0 = arith.constant 0 : i32
    %c0_i32_1 = arith.constant 0 : i32
    return %c0_i32, %c0_i32_0 : i32, i32
  }
  func.func @transform_4(%arg0: i32) -> (i32, i32) {
    %c0_i32 = arith.constant 0 : i32
    %c0_i32_0 = arith.constant 0 : i32
    return %arg0, %c0_i32 : i32, i32
  }
}

</mosaic_0001>

<sc_bundles>
// kernel: kernel.4.cloned.1.call-start
scs
__scs_entry_jumppad:
0x0: {  	(pc) =	sbr.rel $0x88, $3  }
0x1: {  	(tag) =	ssettag $0x0;
	lr =	simm.s32 $0x1  }
0x2: {  	[smem:$0x3F9D] =	sst lr;
	_ =	strace $0xD0000000  }
0x3: {  	_ = 	snop  }
0x4: {  	_ = 	snop  }
0x5: {  	_ = 	snop  }
0x6: {  	_ = 	snop  }
0x7: {  	_ = 	snop  }
__scs_overlays_trampoline_lowered:
0x8: {  	[smem:$0x3FAC] =	sst s0  }
0x9: {  	[smem:$0x3FAD] =	sst s1  }
0xa: {  	[smem:$0x3FAE] =	sst s2  }
0xb: {  	[smem:$0x3FAF] =	sst s3  }
0xc: {  	[smem:$0x3FB0] =	sst s4  }
0xd: {  	[smem:$0x3FB1] =	sst s5  }
0xe: {  	[smem:$0x3FB2] =	sst s6  }
0xf: {  	[smem:$0x3FB3] =	sst s7  }
0x10: {  	[smem:$0x3FB4] =	sst s8  }
0x11: {  	[smem:$0x3FB5] =	sst s9;
	s0 =	simm.s32 @!p0 $0x0  }
0x12: {  	s1 =	sld [smem:$0x3F9B];
	s0 =	simm.s32 @p0 $0x1  }
0x13: {  	[smem:$0x3FB6] =	sst s0;
	s0 =	simm.s32 @!p1 $0x0  }
0x14: {  	s2 =	sld [smem:$0x3F9A];
	s0 =	simm.s32 @p1 $0x1  }
0x15: {  	[smem:$0x3FB7] =	sst s0;
	s0 =	simm.s32 @!p2 $0x0  }
0x16: {  	s3 =	sld [smem:$0x3FDB];
	s0 =	simm.s32 @p2 $0x1  }
0x17: {  	s4 =	simm.s32 $0x1BF5;
	[smem:$0x3FB9] =	sst s0  }
0x18: {  	s0 =	sld [smem:$0x3F9C];
	_ =	swait.ge [sflag:s4], $0x0  }
0x19: {  	s7 =	sld [smem:$0x3F9D]  }
0x1a: {  	s8 =	sadd.s32 $0xFFFFE003, lr  }
0x1b: {  	s9 =	sadd.s32 $0xFFFFFEF7, lr;
	s5 =	simm.s32 $0xFFFFFFFF;
	p2 =	slt.u32 s8, $0xFFFFF086  }
0x1c: {  	p1 =	slt.u32 s9, $0xF7A;
	s5 =	simm.s32 @!p2 $0x0  }
0x1d: {  	s5 =	simm.s32 @p1 $0x1;
	p0 =	seq.s32 s7, s2  }
0x1e: {  	s7 =	smul.u32 @!p0 $0xF7A, s2;
	p2 =	seq.s32 @!p0 s5, $0x0  }
0x1f: {  	s9 =	smul.u32 $0xF7A, s1;
	s8 =	simm.s32 @!p0 $0x1BF5;
	p2 =	por !p2, p0  }
0x20: {  	[sflag:s8] =	ssyncset.s32 @!p0 $0xFFFFF086;
	s6 =	sadd.s32 @!p0 s3, s7;
	s7 =	simm.s32 @!p0 $0x108  }
0x21: {  	s3 =	sadd.s32 s3, s9;
	s6 =	sadd.s32 @!p0 $0x88, s6;
	s7 =	simm.s32 @p2 $0x1082  }
0x22: {  	[simem:s7], [sflag:s8] =	dma.local @!p0 [hbm:s6], $0xF7A  }
0x23: {  	s9 =	sor.u32 $0xD0000000, s2;
	s6 =	simm.s32 $0x108;
	_ =	swait.ge @!p0 [sflag:s8], $0x0  }
0x24: {  	s3 =	sadd.s32 $0x88, s3;
	s6 =	simm.s32 @!p1 $0x1082;
	[sflag:s4] =	ssyncset.s32 $0xFFFFF086  }
0x25: {  	[simem:s6], [sflag:s4] =	dma.local [hbm:s3], $0xF7A  }
0x26: {  	[smem:$0x3F9D] =	sst s1;
	(tag) =	ssettag s2;
	_ =	strace s9  }
0x27: {  	s1 =	sld [smem:$0x3FAD]  }
0x28: {  	s2 =	sld [smem:$0x3FAE]  }
0x29: {  	s4 =	sld [smem:$0x3FB0]  }
0x2a: {  	p0 =	seq.s32 s5, $0x0;
	s5 =	sld [smem:$0x3FB1]  }
0x2b: {  	s6 =	sld [smem:$0x3FB2]  }
0x2c: {  	s7 =	sld [smem:$0x3FB3]  }
0x2d: {  	s3 =	simm.s32 $0x108;
	s8 =	sld [smem:$0x3FB4]  }
0x2e: {  	s3 =	simm.s32 @!p0 $0x1082;
	s9 =	sld [smem:$0x3FB5]  }
0x2f: {  	lr =	sadd.s32 s0, s3;
	s0 =	sld [smem:$0x3FAC]  }
0x30: {  	s3 =	sld [smem:$0x3FAF]  }
0x31: {  	[smem:$0x3FB8] =	sst s10  }
0x32: {  	s10 =	sld [smem:$0x3FB6];
	_ =	sdelay $0x3  }
0x33: {  	p0 =	seq.s32 s10, $0x1;
	s10 =	sld [smem:$0x3FB8];
	_ =	sdelay $0x3  }
0x34: {  	[smem:$0x3FB8] =	sst s10  }
0x35: {  	s10 =	sld [smem:$0x3FB7];
	_ =	sdelay $0x3  }
0x36: {  	p1 =	seq.s32 s10, $0x1;
	s10 =	sld [smem:$0x3FB8];
	_ =	sdelay $0x3  }
0x37: {  	[smem:$0x3FB8] =	sst s10  }
0x38: {  	s10 =	sld [smem:$0x3FB9]  }
0x39: {  	_ = 	snop;
	(pc) =	sbr.ind lr, $3  }
0x3a: {  	_ = 	snop  }
0x3b: {  	_ = 	snop  }
0x3c: {  	p2 =	seq.s32 s10, $0x1;
	s10 =	sld [smem:$0x3FB8]  }
0x3d: {  	_ =	shalt  }
0x3e: {  	_ =	shalt  }
0x3f: {  	_ =	shalt  }
0x40: {  	_ =	shalt  }
0x41: {  	_ =	shalt  }
0x42: {  	_ =	shalt  }
0x43: {  	_ =	shalt  }
0x44: {  	_ =	shalt  }
0x45: {  	_ =	shalt  }
0x46: {  	_ =	shalt  }
0x47: {  	_ =	shalt  }
0x48: {  	_ =	shalt  }
0x49: {  	_ =	shalt  }
0x4a: {  	_ =	shalt  }
0x4b: {  	_ =	shalt  }
0x4c: {  	_ =	shalt  }
0x4d: {  	_ =	shalt  }
0x4e: {  	_ =	shalt  }
0x4f: {  	_ =	shalt  }
0x50: {  	_ =	shalt  }
0x51: {  	_ =	shalt  }
0x52: {  	_ =	shalt  }
0x53: {  	_ =	shalt  }
0x54: {  	_ =	shalt  }
0x55: {  	_ =	shalt  }
0x56: {  	_ =	shalt  }
0x57: {  	_ =	shalt  }
0x58: {  	_ =	shalt  }
0x59: {  	_ =	shalt  }
0x5a: {  	_ =	shalt  }
0x5b: {  	_ =	shalt  }
0x5c: {  	_ =	shalt  }
0x5d: {  	_ =	shalt  }
0x5e: {  	_ =	shalt  }
0x5f: {  	_ =	shalt  }
0x60: {  	_ =	shalt  }
0x61: {  	_ =	shalt  }
0x62: {  	_ =	shalt  }
0x63: {  	_ =	shalt  }
0x64: {  	_ =	shalt  }
0x65: {  	_ =	shalt  }
0x66: {  	_ =	shalt  }
0x67: {  	_ =	shalt  }
0x68: {  	_ =	shalt  }
0x69: {  	_ =	shalt  }
0x6a: {  	_ =	shalt  }
0x6b: {  	_ =	shalt  }
0x6c: {  	_ =	shalt  }
0x6d: {  	_ =	shalt  }
0x6e: {  	_ =	shalt  }
0x6f: {  	_ =	shalt  }
0x70: {  	_ =	shalt  }
0x71: {  	_ =	shalt  }
0x72: {  	_ =	shalt  }
0x73: {  	_ =	shalt  }
0x74: {  	_ =	shalt  }
0x75: {  	_ =	shalt  }
0x76: {  	_ =	shalt  }
0x77: {  	_ =	shalt  }
0x78: {  	_ =	shalt  }
0x79: {  	_ =	shalt  }
0x7a: {  	_ =	shalt  }
0x7b: {  	_ =	shalt  }
0x7c: {  	_ =	shalt  }
0x7d: {  	_ =	shalt  }
0x7e: {  	_ =	shalt  }
0x7f: {  	_ =	shalt  }
0x80: {  	_ =	shalt  }
0x81: {  	_ =	shalt  }
0x82: {  	_ =	shalt  }
0x83: {  	_ =	shalt  }
0x84: {  	_ =	shalt  }
0x85: {  	_ =	shalt  }
0x86: {  	_ =	shalt  }
0x87: {  	_ =	shalt  }
.Lfunc_end0:
.L_simem_size_0:
called_computation_lowered:
.L_overlay_start_0:
0x88: {  	s2 =	sld [smem:$0x3FD9]  }
0x89: {  	s3 =	sld [smem:$0x3FFE];
	_ =	sdelay $0x1  }
0x8a: {  	s1 =	srdreg.scid  }
0x8b: {  	s0 =	sand.u32 $0x1, s1  }
0x8c: {  	s17 =	sshll.u32 s0, $0xA;
	s2 =	sadd.s32 s3, s2  }
0x8d: {  	s2 =	sadd.s32 s2, s17  }
0x8e: {  	[smem:$0x3FC4] =	sst s2  }
0x8f: {  	_ = 	snop  }
0x90: {  	s2 =	sld [smem:$0x3FC9]  }
0x91: {  	s18 =	sld [smem:$0x3FC8]  }
0x92: {  	s4 =	sld [smem:$0x3FD0];
	(tm) =	ssettm $0x1  }
0x93: {  	s5 =	sld [smem:$0x3FFB];
	_ =	sdelay $0x3  }
0x94: {  	_ =	strace s5  }
0x95: {  	s5 =	sld [smem:$0x3FFC];
	_ =	sdelay $0x3  }
0x96: {  	_ =	strace s5  }
0x97: {  	s5 =	sld [smem:$0x3FFD];
	_ =	sdelay $0x3  }
0x98: {  	_ =	strace s5  }
0x99: {  	_ =	strace $0x8FFFFFFF  }
0x9a: {  	s19 =	sld [smem:$0x3FDB];
	_ =	sdelay $0x1  }
0x9b: {  	s6 =	simm.s32 $_scs_section_size  }
0x9c: {  	s7 =	simm.s32 $_size__tile_overlayer_lowered;
	s8 =	simm.s32 $_tile_overlayer_lowered  }
0x9d: {  	s22 =	simm.s32 $0x1BFF;
	s21 =	sshll.u32 s8, $0x1;
	s5 =	sadd.s32 s6, s19  }
0x9e: {  	s9 =	simm.s32 $0x0;
	s20 =	sshll.u32 s7, $0x1;
	s7 =	sadd.s32 s21, s5  }
0x9f: {  	[timem:s9], [sflag:s22] =	dma.local [hbm:s7], s20  }
0xa0: {  	_ =	swait.ge [sflag:s22], s20  }
0xa1: {  	s6 =	ssub.s32 $0x0, s20;
	[sflag:s22] =	ssyncset.done $0x0  }
0xa2: {  	[sflag:s22] =	ssyncadd.s32 s6;
	_ =	sdelay $0x1  }
0xa3: {  	s23 =	simm.s32 $0x1B8B  }
0xa4: {  	_ =	swait.ge [sflag:s23], $0x1  }
0xa5: {  	[sflag:s23] =	ssyncset.done $0x0  }
0xa6: {  	s25 =	simm.s32 $0x1B8E;
	s24 =	sld [smem:$0x3FFE];
	[sflag:s23] =	ssyncadd.s32 $0xFFFFFFFF  }
0xa7: {  	s26 =	simm.s32 $execute0_lowered;
	[smem:$0x3FD2] =	sst s25  }
0xa8: {  	s7 =	sshll.u32 s26, $0x1;
	_ =	strace $0x80000046;
	[dreg:$0x1] =	wrdreg $0xFFFFFFFF  }
0xa9: {  	s28 =	simm.s32 $_size_execute0_lowered;
	s5 =	sadd.s32 s5, s7;
	[dreg:$0x0] =	wrdreg $0x0  }
0xaa: {  	s7 =	sshll.u32 s28, $0x1;
	[dreg:$0x2] =	wrdreg s5  }
0xab: {  	[dreg:$0x3] =	wrdreg s7  }
0xac: {  	[dreg:$0x4] =	wrdreg $0xC0  }
0xad: {  	_ =	task [dreg:s9], $0x5FFFF  }
0xae: {  	[dreg:$0x1] =	wrdreg $0xFFFFFFFF  }
0xaf: {  	[dreg:$0x0] =	wrdreg $0x60  }
0xb0: {  	[dreg:$0x2] =	wrdreg s2  }
0xb1: {  	[dreg:$0x3] =	wrdreg s18  }
0xb2: {  	[dreg:$0x4] =	wrdreg s24  }
0xb3: {  	[dreg:$0x5] =	wrdreg s4  }
0xb4: {  	[dreg:$0x6] =	wrdreg $0x84800  }
0xb5: {  	[dreg:$0x7] =	wrdreg $0x1C4800  }
0xb6: {  	[dreg:$0x8] =	wrdreg $0x9  }
0xb7: {  	_ =	task.clear_ibuf [dreg:s9], $0x9FFFF;
	_ =	strace $0x90000046  }
0xb8: {  	s29 =	simm.s32 $0x9;
	_ =	strace $0x80000048  }
0xb9: {  	_ =	swait.ge [sflag:s29], $0x1  }
0xba: {  	[sflag:s29] =	ssyncadd.s32 $0xFFFFFFFF  }
0xbb: {  	_ =	strace $0x90000048  }
0xbc: {  	_ =	sfence  }
0xbd: {  	s30 =	sld [smem:$0x0];
	_ =	sdelay $0x2  }
0xbe: {  	s31 =	sshll.u32 s1, $0xD;
	s1 =	sshrl.u32 s1, $0x2  }
0xbf: {  	s3 =	sand.u32 $0x4000, s31;
	s1 =	sadd.s32 s1, s30  }
0xc0: {  	s0 =	sor.u32 s3, s0;
	s1 =	sshll.u32 s1, $0x11  }
0xc1: {  	s0 =	sor.u32 s1, s0  }
0xc2: {  	s0 =	sadd.s32 $0x8F2B, s0  }
0xc3: {  	[sflag:s0] =	ssyncadd.remote.s32 $0x1  }
0xc4: {  	_ =	sfence.sel $0xFFFF  }
0xc5: {  	[dreg:$0x0] =	wrdreg $0xFFFFFFFF;
	(pc) =	sbr.abs _section_cstart, $3  }
0xc6: {  	[dreg:$0x1] =	wrdreg $0xFFFFFFFF  }
0xc7: {  	_ =	task.clear_ibuf [dreg:s9], $0x2FFFF;
	_ =	strace $0x9FFFFFFF  }
0xc8: {  	(tm) =	ssettm $0x7FFFFFFF  }
0xc9: {  	_ =	shalt  }
tec
execute0_lowered:
.L_overlay_start_1:
0x0: {  	(tag) =	ssettag $0x1  }
0x1: {  	s0 =	rddreg [dreg:$0x0]  }
0x2: {  	s1 =	rddreg [dreg:$0x1]  }
0x3: {  	s3 =	rddreg [dreg:$0x2]  }
0x4: {  	s4 =	rddreg [dreg:$0x3]  }
0x5: {  	s2 =	rddreg [dreg:$0x4];
	s6 =	srdreg.scid  }
0x6: {  	s14 =	stileid.u32;
	s5 =	rddreg [dreg:$0x5];
	s12 =	simm.s32 $0x4  }
0x7: {  	s23 =	simm.s32 $0x300;
	s29 =	simm.s32 $0x400;
	s30 =	simm.s32 $0x80  }
0x8: {  	s31 =	simm.s32 $0x100;
	s7 =	sand.u32 $0x1, s6;
	s8 =	smul.u32 $0x280, s14  }
0x9: {  	s6 =	simm.s32 $0x0;
	s10 =	sadd.s32 $0xE00, s3;
	s26 =	smul.u32 $0x50000, s14  }
0xa: {  	s9 =	smul.u32 $0x2800, s7;
	[smem:$0x7FF] =	sst s6;
	s24 =	ssub.s32 $0x2, s7  }
0xb: {  	s7 =	sshll.u32 s7, $0x4;
	_ =	strace $0x80000047;
	[dreg:$0x9] =	wrdreg s10  }
0xc: {  	s25 =	sshrl.u32 s24, $0x1;
	s7 =	sor.u32 s14, s7;
	s10 =	sshrl.u32 s26, $0x2  }
0xd: {  	[dreg:$0x8] =	wrdreg s23;
	s8 =	sadd.s32 s8, s9;
	s11 =	ssub.s32 s24, s25  }
0xe: {  	p0 =	slt.u32 s7, $0x11;
	s13 =	smin.u32 s7, $0x11;
	s7 =	smul.u32 $0x2600, s7  }
0xf: {  	s20 =	sadd.s32 s10, s2;
	s9 =	sshrl.u32 s9, $0x3;
	s8 =	sshll.u32 s8, $0x4  }
0x10: {  	s12 =	simm.s32 @!p0 $0x0;
	s13 =	sshll.u32 s13, $0x9;
	s28 =	sadd.s32 $0x4000, s20  }
0x11: {  	s15 =	sadd.s32 $0x8000, s20;
	s16 =	sadd.s32 $0xC000, s20;
	[dreg:$0xa] =	wrdreg s20  }
0x12: {  	s17 =	sadd.s32 $0x10000, s20;
	s4 =	sadd.s32 s4, s9;
	[dreg:$0xb] =	wrdreg s28  }
0x13: {  	s25 =	smax.u32 s11, $0x1;
	p0 =	sne.s32 s14, $0x0;
	[dreg:$0xc] =	wrdreg s15  }
0x14: {  	s11 =	simm.s32 $0x1;
	s14 =	simm.s32 $0x3;
	[dreg:$0xd] =	wrdreg s16  }
0x15: {  	s3 =	sadd.s32 s8, s3;
	s8 =	simm.s32 $0x4;
	[dreg:$0xe] =	wrdreg s17  }
0x16: {  	s10 =	sadd.s32 $0x4C, s12;
	s7 =	sadd.s32 s7, s13;
	[dreg:$0x13] =	wrdreg s4  }
0x17: {  	s19 =	sor.u32 $0x4B, s12;
	s12 =	sor.u32 $0x4A, s12;
	[dreg:$0x16] =	wrdreg s25  }
0x18: {  	s16 =	sadd.s32 $0x10, s1;
	[dreg:$0x7] =	wrdreg s12;
	s3 =	sadd.s32 $0x1400, s3  }
0x19: {  	s18 =	sshrl.u32 s7, $0x2;
	s28 =	sshrl.u32 s10, $0x2;
	[dreg:$0x15] =	wrdreg s3  }
0x1a: {  	s4 =	simm.s32 $0x200;
	s13 =	sadd.s32 s18, s16;
	[dreg:$0x18] =	wrdreg s28  }
0x1b: {  	s23 =	sshrl.u32 s7, $0x7;
	s15 =	sadd.s32 s1, s18;
	[dreg:$0x10] =	wrdreg s13  }
0x1c: {  	s7 =	simm.s32 $0x280;
	s21 =	sadd.s32 $0x20, s15;
	[dreg:$0xf] =	wrdreg s15  }
0x1d: {  	s12 =	simm.s32 $0x8400;
	s22 =	sadd.s32 $0x30, s15;
	[dreg:$0x11] =	wrdreg s21  }
0x1e: {  	s3 =	simm.s32 $0x180;
	s24 =	sadd.s32 $0x40, s15;
	[dreg:$0x12] =	wrdreg s22  }
0x1f: {  	s18 =	simm.s32 $0x4400;
	s26 =	sadd.s32 $0x50, s15;
	[dreg:$0x14] =	wrdreg s24  }
0x20: {  	v0 =	vimm.f32 $0.0e+00;
	v1 =	vimm.f32 $1.000000000e+00;
	s13 =	simm.s32 $0x380;
	s15 =	simm.s32 $0x0;
	[dreg:$0x17] =	wrdreg s26  }
.LBB2_1:
0x21: {  	[dreg:$0x19] =	wrdreg s15;
	s21 =	simm.s32 $0x0;
	s17 =	simm.s32 $0x200  }
.LBB2_2:
0x22: {  	p1 =	sne.s32 s17, $0xFE00;
	[tilespmem:s21+$0x470] =	vst v0  }
0x23: {  	[tilespmem:s21+$0x400] =	vst v0  }
0x24: {  	[tilespmem:s21+$0x410] =	vst v0  }
.Ltmp0:
0x25: {  	[tilespmem:s21+$0x420] =	vst v0;
	(pc) =	sbr.rel @p1 .LBB2_2-.Ltmp0, $4  }
0x26: {  	[tilespmem:s21+$0x430] =	vst v0  }
0x27: {  	[tilespmem:s21+$0x440] =	vst v0  }
0x28: {  	[tilespmem:s21+$0x450] =	vst v0  }
0x29: {  	[tilespmem:s21+$0x460] =	vst v0;
	s21 =	sshra.s32 s17, $0x2;
	s17 =	sadd.s32 $0x200, s17  }
0x2a: {  	[tilespmem:s21+$0x470] =	vst v0  }
0x2b: {  	[tilespmem:s21+$0x400] =	vst v0  }
0x2c: {  	[tilespmem:s21+$0x410] =	vst v0  }
0x2d: {  	[tilespmem:s21+$0x420] =	vst v0  }
0x2e: {  	[tilespmem:s21+$0x430] =	vst v0  }
0x2f: {  	[tilespmem:s21+$0x440] =	vst v0  }
0x30: {  	[tilespmem:s21+$0x450] =	vst v0  }
0x31: {  	[tilespmem:s21+$0x460] =	vst v0  }
0x32: {  	[spmem:s20] =	stream.linear.scatter [tilespmem:s29], [sflag:$0x4], $0x4000, $0x38;
	[tilespmem:$0x1C700] =	vst v63  }
0x33: {  	_ =	swait.ge [sflag:s8], $0x4000  }
0x34: {  	[sflag:s8] =	ssyncset.done $0x0  }
0x35: {  	s9 =	rddreg [dreg:$0xb];
	[sflag:s8] =	ssyncadd.s32 $0xFFFFC000  }
0x36: {  	[spmem:s9] =	stream.linear.scatter [tilespmem:s29], [sflag:$0x4], $0x4000, $0x38;
	[tilespmem:$0x1C700] =	vst v63  }
0x37: {  	_ =	swait.ge [sflag:s8], $0x4000  }
0x38: {  	[sflag:s8] =	ssyncset.done $0x0  }
0x39: {  	s21 =	rddreg [dreg:$0xc];
	[sflag:s8] =	ssyncadd.s32 $0xFFFFC000  }
0x3a: {  	[spmem:s21] =	stream.linear.scatter [tilespmem:s29], [sflag:$0x4], $0x4000, $0x38;
	[tilespmem:$0x1C700] =	vst v63  }
0x3b: {  	_ =	swait.ge [sflag:s8], $0x4000  }
0x3c: {  	[sflag:s8] =	ssyncset.done $0x0  }
0x3d: {  	s22 =	rddreg [dreg:$0xd];
	[sflag:s8] =	ssyncadd.s32 $0xFFFFC000  }
0x3e: {  	[spmem:s22] =	stream.linear.scatter [tilespmem:s29], [sflag:$0x4], $0x4000, $0x38;
	[tilespmem:$0x1C700] =	vst v63  }
0x3f: {  	_ =	swait.ge [sflag:s8], $0x4000  }
0x40: {  	[sflag:s8] =	ssyncset.done $0x0  }
0x41: {  	s24 =	rddreg [dreg:$0xe];
	[sflag:s8] =	ssyncadd.s32 $0xFFFFC000  }
0x42: {  	[spmem:s24] =	stream.linear.scatter [tilespmem:s29], [sflag:$0x4], $0x4000, $0x38;
	[tilespmem:$0x1C700] =	vst v63  }
0x43: {  	s17 =	sshrl.u32 @!p0 s5, $0x3;
	_ =	swait.ge [sflag:s8], $0x4000  }
0x44: {  	[dreg:$0x1a] =	wrdreg s17;
	[sflag:s8] =	ssyncset.done $0x0  }
0x45: {  	s9 =	simm.s32 @!p0 $0x1C04;
	s15 =	rddreg [dreg:$0x9];
	[sflag:s8] =	ssyncadd.s32 $0xFFFFC000  }
0x46: {  	[spmem:s17], [sflag:s9] =	dma.local @!p0 [hbm:s15], $0x500  }
0x47: {  	s9 =	simm.s32 @!p0 $0x4  }
0x48: {  	_ =	swait.ge @!p0 [sflag:s9], $0x500  }
0x49: {  	[sflag:s9] =	ssyncset.done @!p0 $0x0  }
0x4a: {  	[sflag:s9] =	ssyncadd.s32 @!p0 $0xFFFFFB00  }
0x4b: {  	[tilespmem:$0x8400] =	vst v1  }
0x4c: {  	[tilespmem:$0x8410] =	vst v1  }
0x4d: {  	[tilespmem:$0x8420] =	vst v1  }
0x4e: {  	[tilespmem:$0x8430] =	vst v1  }
0x4f: {  	[tilespmem:$0x8440] =	vst v1  }
0x50: {  	[tilespmem:$0x8450] =	vst v1  }
0x51: {  	[tilespmem:$0x8460] =	vst v1  }
0x52: {  	[tilespmem:$0x8470] =	vst v1  }
0x53: {  	[bflag:$0x0] =	sbarrier.arrive $0xFFFF  }
0x54: {  	s25 =	simm.s32 $0x0;
	s26 =	rddreg [dreg:$0xf]  }
0x55: {  	[tilespmem:s25], [sflag:$0x4] =	stream.linear.gather [hbm4b:s26+s25], $0x80, $0x38;
	[tilespmem:$0x1C700] =	vst v63  }
0x56: {  	_ =	swait.ge [sflag:s8], $0x80  }
0x57: {  	[sflag:s8] =	ssyncset.done $0x0  }
0x58: {  	s17 =	rddreg [dreg:$0x10];
	[sflag:s8] =	ssyncadd.s32 $0xFFFFFF80  }
0x59: {  	[tilespmem:s30], [sflag:$0x4] =	stream.linear.gather [hbm4b:s17+s25], $0x80, $0x38;
	[tilespmem:$0x1C700] =	vst v63  }
0x5a: {  	_ =	swait.ge [sflag:s8], $0x80  }
0x5b: {  	[sflag:s8] =	ssyncset.done $0x0  }
0x5c: {  	s20 =	rddreg [dreg:$0x11];
	[sflag:s8] =	ssyncadd.s32 $0xFFFFFF80  }
0x5d: {  	[tilespmem:s31], [sflag:$0x2] =	stream.linear.gather [hbm4b:s20+s25], $0x80, $0x38;
	[tilespmem:$0x1C700] =	vst v63  }
0x5e: {  	s21 =	rddreg [dreg:$0x12]  }
0x5f: {  	[tilespmem:s3], [sflag:$0x2] =	stream.linear.gather [hbm4b:s21+s25], $0x80, $0x38;
	[tilespmem:$0x1C700] =	vst v63  }
0x60: {  	s22 =	rddreg [dreg:$0x14]  }
0x61: {  	[tilespmem:s4], [sflag:$0x2] =	stream.linear.gather [hbm4b:s22+s25], $0x80, $0x38;
	[tilespmem:$0x1C700] =	vst v63  }
0x62: {  	s24 =	rddreg [dreg:$0x17]  }
0x63: {  	[tilespmem:s7], [sflag:$0x2] =	stream.linear.gather [hbm4b:s24+s25], $0x80, $0x38;
	[tilespmem:$0x1C700] =	vst v63  }
0x64: {  	_ = 	snop  }
0x65: {  	[tilespmem:s29], [sflag:$0x1] =	stream.indirect.gather [hbm4b:s0+s30], $0x80, s25, s30, $0xb8;
	[tilespmem:$0x1C700] =	vst v63  }
0x66: {  	_ =	swait.ge [sflag:s11], $0x4000  }
0x67: {  	p2 =	por $0x1, $0x1;
	[sflag:s11] =	ssyncset.done $0x0  }
0x68: {  	s9 =	simm.s32 @!p2 $0x3;
	[sflag:s11] =	ssyncadd.s32 $0xFFFFC000  }
0x69: {  	_ =	swait.ge @!p2 [sflag:s9], $0x4000  }
0x6a: {  	[sflag:s9] =	ssyncset.done @!p2 $0x0  }
0x6b: {  	[sflag:s9] =	ssyncadd.s32 @!p2 $0xFFFFC000  }
0x6c: {  	_ =	swait.ge @!p2 [sflag:s9], $0x80  }
0x6d: {  	p1 =	sle.u32 s19, $0x0;
	[sflag:s9] =	ssyncset.done @!p2 $0x0  }
0x6e: {  	s17 =	simm.s32 @!p1 $0x2;
	[sflag:s9] =	ssyncadd.s32 @!p2 $0xFFFFFF80  }
0x6f: {  	_ =	swait.ge @!p1 [sflag:s17], $0x80  }
0x70: {  	[sflag:s17] =	ssyncset.done @!p1 $0x0  }
0x71: {  	s26 =	simm.s32 @!p1 $0x80;
	s24 =	simm.s32 $0x3;
	[sflag:s17] =	ssyncadd.s32 @!p1 $0xFFFFFF80  }
0x72: {  	s25 =	smov.u32 s19;
	p2 =	sgt.s32 s19, $0x3;
	_ =	swait.ge @!p1 [sflag:s17], $0x80  }
0x73: {  	s9 =	simm.s32 @!p1 $0x4400;
	s25 =	smov.u32 @p2 s24;
	[sflag:s17] =	ssyncset.done @!p1 $0x0  }
0x74: {  	s24 =	simm.s32 @!p1 $0x100;
	s25 =	sadd.s32 s23, s25;
	[sflag:s17] =	ssyncadd.s32 @!p1 $0xFFFFFF80  }
0x75: {  	[tilespmem:s9], [sflag:$0x1] =	stream.indirect.gather @!p1 [hbm4b:s0+s26], $0x80, s24, s26, $0xb8;
	[tilespmem:$0x1C700] =	vst v63  }
0x76: {  	s25 =	sshll.u32 s25, $0x5  }
0x77: {  	[spmem:s2] =	stream.indirect.scatter.add.f32 [tilespmem:s29], [sflag:$0x3], $0x80, s30, s30, $0xb8;
	[tilespmem:$0x1C700] =	vst v63  }
0x78: {  	s9 =	sand.u32 $0x1FFFFFE0, s25  }
0x79: {  	[spmem:s5] =	stream.indirect.scatter.add.f32 [tilespmem:s12], [sflag:$0x3], $0x1, s30, s30, $0xb8;
	[tilespmem:$0x1C700] =	vst v63  }
0x7a: {  	s26 =	rddreg [dreg:$0x8];
	s15 =	sadd.s32 s1, s9  }
0x7b: {  	[tilespmem:s26], [sflag:$0x2] =	stream.linear.gather [hbm4b:s15+s6], $0x80, $0x38;
	[tilespmem:$0x1C700] =	vst v63  }
0x7c: {  	s9 =	sadd.s32 s9, s16  }
0x7d: {  	[tilespmem:s13], [sflag:$0x2] =	stream.linear.gather [hbm4b:s9+s6], $0x80, $0x38;
	[tilespmem:$0x1C700] =	vst v63  }
0x7e: {  	_ =	swait.ge [sflag:s11], $0x4000  }
0x7f: {  	[sflag:s11] =	ssyncset.done $0x0  }
0x80: {  	[sflag:s11] =	ssyncadd.s32 $0xFFFFC000  }
0x81: {  	_ =	swait.ge [sflag:s14], $0x4000  }
0x82: {  	[sflag:s14] =	ssyncset.done $0x0  }
0x83: {  	[sflag:s14] =	ssyncadd.s32 $0xFFFFC000  }
0x84: {  	_ =	swait.ge [sflag:s14], $0x80  }
0x85: {  	s17 =	rddreg [dreg:$0x7]  }
0x86: {  	[sflag:s14] =	ssyncset.done $0x0;
	p1 =	sle.u32 s17, $0x0  }
0x87: {  	[sflag:s14] =	ssyncadd.s32 $0xFFFFFF80;
	s9 =	simm.s32 @!p1 $0x2  }
0x88: {  	_ =	swait.ge @!p1 [sflag:s9], $0x80  }
0x89: {  	p2 =	sgt.s32 s19, $0x4;
	[sflag:s9] =	ssyncset.done @!p1 $0x0  }
0x8a: {  	s24 =	simm.s32 $0x4;
	s25 =	smov.u32 s19;
	[sflag:s9] =	ssyncadd.s32 @!p1 $0xFFFFFF80  }
0x8b: {  	s25 =	smov.u32 @p2 s24;
	_ =	swait.ge @!p1 [sflag:s9], $0x80  }
0x8c: {  	s25 =	sadd.s32 s23, s25;
	s17 =	simm.s32 @!p1 $0x80;
	[sflag:s9] =	ssyncset.done @!p1 $0x0  }
0x8d: {  	s26 =	simm.s32 @!p1 $0x200;
	[sflag:s9] =	ssyncadd.s32 @!p1 $0xFFFFFF80;
	s9 =	simm.s32 @!p1 $0x400  }
0x8e: {  	[tilespmem:s9], [sflag:$0x1] =	stream.indirect.gather @!p1 [hbm4b:s0+s17], $0x80, s26, s17, $0xb8;
	[tilespmem:$0x1C700] =	vst v63  }
0x8f: {  	s20 =	sshll.u32 s25, $0x5  }
0x90: {  	[spmem:s2] =	stream.indirect.scatter.add.f32 [tilespmem:s18], [sflag:$0x3], $0x80, s3, s30, $0xb8;
	[tilespmem:$0x1C700] =	vst v63  }
0x91: {  	s9 =	sand.u32 $0x1FFFFFE0, s20  }
0x92: {  	[spmem:s5] =	stream.indirect.scatter.add.f32 [tilespmem:s12], [sflag:$0x3], $0x1, s3, s30, $0xb8;
	[tilespmem:$0x1C700] =	vst v63  }
0x93: {  	s21 =	sadd.s32 s1, s9  }
0x94: {  	[tilespmem:s6], [sflag:$0x2] =	stream.linear.gather [hbm4b:s21+s6], $0x80, $0x38;
	[tilespmem:$0x1C700] =	vst v63  }
0x95: {  	s9 =	sadd.s32 s9, s16  }
0x96: {  	[tilespmem:s30], [sflag:$0x2] =	stream.linear.gather [hbm4b:s9+s6], $0x80, $0x38;
	[tilespmem:$0x1C700] =	vst v63  }
0x97: {  	_ =	swait.ge [sflag:s11], $0x4000  }
0x98: {  	[sflag:s11] =	ssyncset.done $0x0  }
0x99: {  	[sflag:s11] =	ssyncadd.s32 $0xFFFFC000  }
0x9a: {  	_ =	swait.ge [sflag:s14], $0x4000  }
0x9b: {  	[sflag:s14] =	ssyncset.done $0x0  }
0x9c: {  	[sflag:s14] =	ssyncadd.s32 $0xFFFFC000  }
0x9d: {  	_ =	swait.ge [sflag:s14], $0x80  }
0x9e: {  	p1 =	sle.u32 s10, $0x3;
	[sflag:s14] =	ssyncset.done $0x0  }
0x9f: {  	s9 =	simm.s32 @!p1 $0x2;
	[sflag:s14] =	ssyncadd.s32 $0xFFFFFF80  }
0xa0: {  	_ =	swait.ge @!p1 [sflag:s9], $0x80  }
0xa1: {  	[sflag:s9] =	ssyncset.done @!p1 $0x0  }
0xa2: {  	p2 =	sgt.s32 s19, $0x5;
	s25 =	simm.s32 $0x5;
	[sflag:s9] =	ssyncadd.s32 @!p1 $0xFFFFFF80  }
0xa3: {  	s26 =	smov.u32 s19;
	s17 =	simm.s32 @!p1 $0x4400;
	_ =	swait.ge @!p1 [sflag:s9], $0x80  }
0xa4: {  	s28 =	simm.s32 @!p1 $0x80;
	s26 =	smov.u32 @p2 s25;
	[sflag:s9] =	ssyncset.done @!p1 $0x0  }
0xa5: {  	s25 =	simm.s32 @!p1 $0x300;
	s26 =	sadd.s32 s23, s26;
	[sflag:s9] =	ssyncadd.s32 @!p1 $0xFFFFFF80  }
0xa6: {  	[tilespmem:s17], [sflag:$0x1] =	stream.indirect.gather @!p1 [hbm4b:s0+s28], $0x80, s25, s28, $0xb8;
	[tilespmem:$0x1C700] =	vst v63  }
0xa7: {  	s22 =	sshll.u32 s26, $0x5  }
0xa8: {  	[spmem:s2] =	stream.indirect.scatter.add.f32 [tilespmem:s29], [sflag:$0x3], $0x80, s7, s30, $0xb8;
	[tilespmem:$0x1C700] =	vst v63  }
0xa9: {  	s9 =	sand.u32 $0x1FFFFFE0, s22  }
0xaa: {  	[spmem:s5] =	stream.indirect.scatter.add.f32 [tilespmem:s12], [sflag:$0x3], $0x1, s7, s30, $0xb8;
	[tilespmem:$0x1C700] =	vst v63  }
0xab: {  	s25 =	sadd.s32 s1, s9  }
0xac: {  	[tilespmem:s31], [sflag:$0x2] =	stream.linear.gather [hbm4b:s25+s6], $0x80, $0x38;
	[tilespmem:$0x1C700] =	vst v63  }
0xad: {  	s9 =	sadd.s32 s9, s16  }
0xae: {  	[tilespmem:s3], [sflag:$0x2] =	stream.linear.gather [hbm4b:s9+s6], $0x80, $0x38;
	[tilespmem:$0x1C700] =	vst v63  }
0xaf: {  	_ =	swait.ge [sflag:s11], $0x4000  }
0xb0: {  	[sflag:s11] =	ssyncset.done $0x0  }
0xb1: {  	[sflag:s11] =	ssyncadd.s32 $0xFFFFC000  }
0xb2: {  	_ =	swait.ge [sflag:s14], $0x4000  }
0xb3: {  	[sflag:s14] =	ssyncset.done $0x0  }
0xb4: {  	[sflag:s14] =	ssyncadd.s32 $0xFFFFC000  }
0xb5: {  	_ =	swait.ge [sflag:s14], $0x80  }
0xb6: {  	p2 =	sle.u32 s10, $0x4;
	[sflag:s14] =	ssyncset.done $0x0  }
0xb7: {  	s9 =	simm.s32 @!p2 $0x2;
	[sflag:s14] =	ssyncadd.s32 $0xFFFFFF80  }
0xb8: {  	_ =	swait.ge @!p2 [sflag:s9], $0x80  }
0xb9: {  	s26 =	rddreg [dreg:$0x18]  }
0xba: {  	s25 =	sadd.s32 $0xFFFFFFFF, s26  }
0xbb: {  	p1 =	sne.s32 s25, $0x0  }
.Ltmp1:
0xbc: {  	[sflag:s9] =	ssyncset.done @!p2 $0x0;
	(pc) =	sbr.rel @!p1 .LBB2_5-.Ltmp1, $4  }
0xbd: {  	p3 =	sgt.s32 s19, $0x6;
	[sflag:s9] =	ssyncadd.s32 @!p2 $0xFFFFFF80  }
0xbe: {  	s22 =	simm.s32 $0x6;
	s28 =	simm.s32 @!p2 $0x80;
	_ =	swait.ge @!p2 [sflag:s9], $0x80  }
0xbf: {  	s17 =	simm.s32 @!p2 $0x0;
	s26 =	smov.u32 s19;
	[sflag:s9] =	ssyncset.done @!p2 $0x0  }
0xc0: {  	s26 =	smov.u32 @p3 s22;
	[sflag:s9] =	ssyncadd.s32 @!p2 $0xFFFFFF80;
	s9 =	simm.s32 @!p2 $0x400  }
.LBB2_4:
0xc1: {  	[tilespmem:s9], [sflag:$0x1] =	stream.indirect.gather @!p2 [hbm4b:s0+s28], $0x80, s17, s28, $0xb8;
	[tilespmem:$0x1C700] =	vst v63  }
0xc2: {  	s17 =	sadd.s32 s23, s26  }
0xc3: {  	s9 =	sshll.u32 s17, $0x5  }
0xc4: {  	[spmem:s2] =	stream.indirect.scatter.add.f32 [tilespmem:s18], [sflag:$0x3], $0x80, s13, s30, $0xb8;
	[tilespmem:$0x1C700] =	vst v63  }
0xc5: {  	s9 =	sand.u32 $0x1FFFFFE0, s9  }
0xc6: {  	[spmem:s5] =	stream.indirect.scatter.add.f32 [tilespmem:s12], [sflag:$0x3], $0x1, s13, s30, $0xb8;
	[tilespmem:$0x1C700] =	vst v63  }
0xc7: {  	s20 =	sadd.s32 s1, s9  }
0xc8: {  	[tilespmem:s4], [sflag:$0x2] =	stream.linear.gather [hbm4b:s20+s6], $0x80, $0x38;
	[tilespmem:$0x1C700] =	vst v63  }
0xc9: {  	s9 =	sadd.s32 s9, s16  }
0xca: {  	[tilespmem:s7], [sflag:$0x2] =	stream.linear.gather [hbm4b:s9+s6], $0x80, $0x38;
	[tilespmem:$0x1C700] =	vst v63  }
0xcb: {  	_ =	swait.ge [sflag:s11], $0x4000  }
0xcc: {  	p3 =	seq.s32 s24, $0x0;
	[sflag:s11] =	ssyncset.done $0x0  }
0xcd: {  	s17 =	simm.s32 @!p3 $0x3;
	[sflag:s11] =	ssyncadd.s32 $0xFFFFC000  }
0xce: {  	_ =	swait.ge @!p3 [sflag:s17], $0x4000  }
0xcf: {  	[sflag:s17] =	ssyncset.done @!p3 $0x0  }
0xd0: {  	[sflag:s17] =	ssyncadd.s32 @!p3 $0xFFFFC000  }
0xd1: {  	_ =	swait.ge @!p3 [sflag:s17], $0x80  }
0xd2: {  	p2 =	sge.u32 s24, s19;
	[sflag:s17] =	ssyncset.done @!p3 $0x0  }
0xd3: {  	s9 =	simm.s32 @!p2 $0x2;
	[sflag:s17] =	ssyncadd.s32 @!p3 $0xFFFFFF80  }
0xd4: {  	_ =	swait.ge @!p2 [sflag:s9], $0x80  }
0xd5: {  	[sflag:s9] =	ssyncset.done @!p2 $0x0  }
0xd6: {  	s28 =	sadd.s32 $0x3, s24;
	s15 =	smov.u32 s19;
	[sflag:s9] =	ssyncadd.s32 @!p2 $0xFFFFFF80  }
0xd7: {  	s22 =	simm.s32 @!p2 $0x4400;
	p4 =	slt.s32 s28, s19;
	_ =	swait.ge @!p2 [sflag:s9], $0x80  }
0xd8: {  	s21 =	simm.s32 @!p2 $0x80;
	s15 =	smov.u32 @p4 s28;
	[sflag:s9] =	ssyncset.done @!p2 $0x0  }
0xd9: {  	s15 =	sadd.s32 s23, s15;
	s20 =	simm.s32 @!p2 $0x100;
	[sflag:s9] =	ssyncadd.s32 @!p2 $0xFFFFFF80  }
0xda: {  	[tilespmem:s22], [sflag:$0x1] =	stream.indirect.gather @!p2 [hbm4b:s0+s21], $0x80, s20, s21, $0xb8;
	[tilespmem:$0x1C700] =	vst v63  }
0xdb: {  	s15 =	sshll.u32 s15, $0x5  }
0xdc: {  	[spmem:s2] =	stream.indirect.scatter.add.f32 [tilespmem:s29], [sflag:$0x3], $0x80, s30, s30, $0xb8;
	[tilespmem:$0x1C700] =	vst v63  }
0xdd: {  	s15 =	sand.u32 $0x1FFFFFE0, s15  }
0xde: {  	[spmem:s5] =	stream.indirect.scatter.add.f32 [tilespmem:s12], [sflag:$0x3], $0x1, s30, s30, $0xb8;
	[tilespmem:$0x1C700] =	vst v63  }
0xdf: {  	s21 =	rddreg [dreg:$0x8];
	s22 =	sadd.s32 s1, s15  }
0xe0: {  	[tilespmem:s21], [sflag:$0x2] =	stream.linear.gather [hbm4b:s22+s6], $0x80, $0x38;
	[tilespmem:$0x1C700] =	vst v63  }
0xe1: {  	s20 =	sadd.s32 s15, s16  }
0xe2: {  	[tilespmem:s13], [sflag:$0x2] =	stream.linear.gather [hbm4b:s20+s6], $0x80, $0x38;
	[tilespmem:$0x1C700] =	vst v63  }
0xe3: {  	_ =	swait.ge [sflag:s11], $0x4000  }
0xe4: {  	[sflag:s11] =	ssyncset.done $0x0  }
0xe5: {  	[sflag:s11] =	ssyncadd.s32 $0xFFFFC000  }
0xe6: {  	_ =	swait.ge [sflag:s14], $0x4000  }
0xe7: {  	[sflag:s14] =	ssyncset.done $0x0  }
0xe8: {  	[sflag:s14] =	ssyncadd.s32 $0xFFFFC000  }
0xe9: {  	_ =	swait.ge [sflag:s14], $0x80  }
0xea: {  	s26 =	smov.u32 s24;
	s21 =	rddreg [dreg:$0x7]  }
0xeb: {  	[sflag:s14] =	ssyncset.done $0x0;
	p2 =	sge.u32 s26, s21  }
0xec: {  	[sflag:s14] =	ssyncadd.s32 $0xFFFFFF80;
	s9 =	simm.s32 @!p2 $0x2  }
0xed: {  	_ =	swait.ge @!p2 [sflag:s9], $0x80  }
0xee: {  	s24 =	sadd.s32 $0x4, s24;
	[sflag:s9] =	ssyncset.done @!p2 $0x0  }
0xef: {  	p3 =	slt.s32 s24, s19;
	s20 =	smov.u32 s19;
	[sflag:s9] =	ssyncadd.s32 @!p2 $0xFFFFFF80  }
0xf0: {  	s20 =	smov.u32 @p3 s24;
	_ =	swait.ge @!p2 [sflag:s9], $0x80  }
0xf1: {  	s20 =	sadd.s32 s23, s20;
	s15 =	simm.s32 @!p2 $0x80;
	[sflag:s9] =	ssyncset.done @!p2 $0x0  }
0xf2: {  	s17 =	simm.s32 @!p2 $0x200;
	[sflag:s9] =	ssyncadd.s32 @!p2 $0xFFFFFF80;
	s9 =	simm.s32 @!p2 $0x400  }
0xf3: {  	[tilespmem:s9], [sflag:$0x1] =	stream.indirect.gather @!p2 [hbm4b:s0+s15], $0x80, s17, s15, $0xb8;
	[tilespmem:$0x1C700] =	vst v63  }
0xf4: {  	s20 =	sshll.u32 s20, $0x5  }
0xf5: {  	[spmem:s2] =	stream.indirect.scatter.add.f32 [tilespmem:s18], [sflag:$0x3], $0x80, s3, s30, $0xb8;
	[tilespmem:$0x1C700] =	vst v63  }
0xf6: {  	s20 =	sand.u32 $0x1FFFFFE0, s20  }
0xf7: {  	[spmem:s5] =	stream.indirect.scatter.add.f32 [tilespmem:s12], [sflag:$0x3], $0x1, s3, s30, $0xb8;
	[tilespmem:$0x1C700] =	vst v63  }
0xf8: {  	s22 =	sadd.s32 s1, s20  }
0xf9: {  	[tilespmem:s6], [sflag:$0x2] =	stream.linear.gather [hbm4b:s22+s6], $0x80, $0x38;
	[tilespmem:$0x1C700] =	vst v63  }
0xfa: {  	s15 =	sadd.s32 s20, s16  }
0xfb: {  	[tilespmem:s30], [sflag:$0x2] =	stream.linear.gather [hbm4b:s15+s6], $0x80, $0x38;
	[tilespmem:$0x1C700] =	vst v63  }
0xfc: {  	_ =	swait.ge [sflag:s11], $0x4000  }
0xfd: {  	[sflag:s11] =	ssyncset.done $0x0  }
0xfe: {  	[sflag:s11] =	ssyncadd.s32 $0xFFFFC000  }
0xff: {  	_ =	swait.ge [sflag:s14], $0x4000  }
0x100: {  	[sflag:s14] =	ssyncset.done $0x0  }
0x101: {  	[sflag:s14] =	ssyncadd.s32 $0xFFFFC000  }
0x102: {  	_ =	swait.ge [sflag:s14], $0x80  }
0x103: {  	p2 =	sge.u32 s28, s10;
	[sflag:s14] =	ssyncset.done $0x0  }
0x104: {  	s9 =	simm.s32 @!p2 $0x2;
	[sflag:s14] =	ssyncadd.s32 $0xFFFFFF80  }
0x105: {  	_ =	swait.ge @!p2 [sflag:s9], $0x80  }
0x106: {  	[sflag:s9] =	ssyncset.done @!p2 $0x0  }
0x107: {  	s17 =	sadd.s32 $0x5, s26;
	s20 =	simm.s32 @!p2 $0x80;
	[sflag:s9] =	ssyncadd.s32 @!p2 $0xFFFFFF80  }
0x108: {  	p3 =	slt.s32 s17, s19;
	s22 =	smov.u32 s19;
	_ =	swait.ge @!p2 [sflag:s9], $0x80  }
0x109: {  	s21 =	simm.s32 @!p2 $0x300;
	s22 =	smov.u32 @p3 s17;
	[sflag:s9] =	ssyncset.done @!p2 $0x0  }
0x10a: {  	s15 =	simm.s32 @!p2 $0x4400;
	s17 =	sadd.s32 s23, s22;
	[sflag:s9] =	ssyncadd.s32 @!p2 $0xFFFFFF80  }
0x10b: {  	[tilespmem:s15], [sflag:$0x1] =	stream.indirect.gather @!p2 [hbm4b:s0+s20], $0x80, s21, s20, $0xb8;
	[tilespmem:$0x1C700] =	vst v63  }
0x10c: {  	s17 =	sshll.u32 s17, $0x5  }
0x10d: {  	[spmem:s2] =	stream.indirect.scatter.add.f32 [tilespmem:s29], [sflag:$0x3], $0x80, s7, s30, $0xb8;
	[tilespmem:$0x1C700] =	vst v63  }
0x10e: {  	s17 =	sand.u32 $0x1FFFFFE0, s17  }
0x10f: {  	[spmem:s5] =	stream.indirect.scatter.add.f32 [tilespmem:s12], [sflag:$0x3], $0x1, s7, s30, $0xb8;
	[tilespmem:$0x1C700] =	vst v63  }
0x110: {  	s22 =	sadd.s32 s1, s17  }
0x111: {  	[tilespmem:s31], [sflag:$0x2] =	stream.linear.gather [hbm4b:s22+s6], $0x80, $0x38;
	[tilespmem:$0x1C700] =	vst v63  }
0x112: {  	s9 =	sadd.s32 s17, s16  }
0x113: {  	[tilespmem:s3], [sflag:$0x2] =	stream.linear.gather [hbm4b:s9+s6], $0x80, $0x38;
	[tilespmem:$0x1C700] =	vst v63  }
0x114: {  	_ =	swait.ge [sflag:s11], $0x4000  }
0x115: {  	[sflag:s11] =	ssyncset.done $0x0  }
0x116: {  	[sflag:s11] =	ssyncadd.s32 $0xFFFFC000  }
0x117: {  	_ =	swait.ge [sflag:s14], $0x4000  }
0x118: {  	[sflag:s14] =	ssyncset.done $0x0  }
0x119: {  	[sflag:s14] =	ssyncadd.s32 $0xFFFFC000  }
0x11a: {  	_ =	swait.ge [sflag:s14], $0x80  }
0x11b: {  	p2 =	sge.u32 s24, s10;
	[sflag:s14] =	ssyncset.done $0x0  }
0x11c: {  	s25 =	sadd.s32 $0xFFFFFFFF, s25;
	s15 =	simm.s32 @!p2 $0x2;
	[sflag:s14] =	ssyncadd.s32 $0xFFFFFF80  }
0x11d: {  	p1 =	sne.s32 s25, $0x0;
	_ =	swait.ge @!p2 [sflag:s15], $0x80  }
.Ltmp2:
0x11e: {  	[sflag:s15] =	ssyncset.done @!p2 $0x0;
	(pc) =	sbr.rel @p1 .LBB2_4-.Ltmp2, $4  }
0x11f: {  	s20 =	sadd.s32 $0x6, s26;
	[sflag:s15] =	ssyncadd.s32 @!p2 $0xFFFFFF80  }
0x120: {  	s26 =	smov.u32 s19;
	s28 =	simm.s32 @!p2 $0x80;
	_ =	swait.ge @!p2 [sflag:s15], $0x80  }
0x121: {  	s17 =	simm.s32 @!p2 $0x0;
	p3 =	slt.s32 s20, s19;
	[sflag:s15] =	ssyncset.done @!p2 $0x0  }
0x122: {  	s26 =	smov.u32 @p3 s20;
	s9 =	simm.s32 @!p2 $0x400;
	[sflag:s15] =	ssyncadd.s32 @!p2 $0xFFFFFF80  }
.LBB2_5:
0x123: {  	[tilespmem:s9], [sflag:$0x1] =	stream.indirect.gather @!p2 [hbm4b:s0+s28], $0x80, s17, s28, $0xb8;
	[tilespmem:$0x1C700] =	vst v63  }
0x124: {  	s20 =	sadd.s32 s23, s26  }
0x125: {  	s9 =	sshll.u32 s20, $0x5  }
0x126: {  	[spmem:s2] =	stream.indirect.scatter.add.f32 [tilespmem:s18], [sflag:$0x3], $0x80, s13, s30, $0xb8;
	[tilespmem:$0x1C700] =	vst v63  }
0x127: {  	s9 =	sand.u32 $0x1FFFFFE0, s9  }
0x128: {  	[spmem:s5] =	stream.indirect.scatter.add.f32 [tilespmem:s12], [sflag:$0x3], $0x1, s13, s30, $0xb8;
	[tilespmem:$0x1C700] =	vst v63  }
0x129: {  	s15 =	sadd.s32 s1, s9  }
0x12a: {  	[tilespmem:s4], [sflag:$0x2] =	stream.linear.gather [hbm4b:s15+s6], $0x80, $0x38;
	[tilespmem:$0x1C700] =	vst v63  }
0x12b: {  	s9 =	sadd.s32 s9, s16  }
0x12c: {  	[tilespmem:s7], [sflag:$0x2] =	stream.linear.gather [hbm4b:s9+s6], $0x80, $0x38;
	[tilespmem:$0x1C700] =	vst v63  }
0x12d: {  	_ =	swait.ge [sflag:s14], $0x4000  }
0x12e: {  	[sflag:s14] =	ssyncset.done $0x0  }
0x12f: {  	[sflag:s14] =	ssyncadd.s32 $0xFFFFC000  }
0x130: {  	_ =	swait.ge [sflag:s14], $0x80  }
0x131: {  	[sflag:s14] =	ssyncset.done $0x0  }
0x132: {  	s21 =	simm.s32 $0x2;
	[sflag:s14] =	ssyncadd.s32 $0xFFFFFF80  }
0x133: {  	_ =	swait.ge [sflag:s21], $0x80  }
0x134: {  	[sflag:s21] =	ssyncset.done $0x0  }
0x135: {  	[sflag:s21] =	ssyncadd.s32 $0xFFFFFF80  }
0x136: {  	_ =	swait.ge [sflag:s21], $0x80  }
0x137: {  	[sflag:s21] =	ssyncset.done $0x0  }
0x138: {  	[sflag:s21] =	ssyncadd.s32 $0xFFFFFF80  }
0x139: {  	_ =	swait.ge [sflag:s21], $0x80  }
0x13a: {  	[sflag:s21] =	ssyncset.done $0x0  }
0x13b: {  	[sflag:s21] =	ssyncadd.s32 $0xFFFFFF80  }
0x13c: {  	_ =	swait.ge [sflag:s21], $0x80  }
0x13d: {  	[sflag:s21] =	ssyncset.done $0x0  }
0x13e: {  	[sflag:s21] =	ssyncadd.s32 $0xFFFFFF80  }
0x13f: {  	_ =	swait.ge [sflag:s21], $0x80  }
0x140: {  	[sflag:s21] =	ssyncset.done $0x0  }
0x141: {  	[sflag:s21] =	ssyncadd.s32 $0xFFFFFF80  }
0x142: {  	_ =	swait.ge [sflag:s21], $0x80  }
0x143: {  	[sflag:s21] =	ssyncset.done $0x0  }
0x144: {  	[sflag:s21] =	ssyncadd.s32 $0xFFFFFF80  }
0x145: {  	s22 =	stileid.u32;
	[bflag:$0x0] =	sbarrier.arrive $0xFFFF  }
0x146: {  	s9 =	sshll.u32 s22, $0x6;
	s20 =	rddreg [dreg:$0xa]  }
0x147: {  	s9 =	sor.u32 $0x1C04, s9;
	s25 =	rddreg [dreg:$0x15];
	s24 =	sshrl.u32 s20, $0x3  }
0x148: {  	[hbm:s25], [sflag:s9] =	dma.local [spmem:s24], $0x2800  }
0x149: {  	_ =	swait.ge [sflag:s8], $0x2800  }
0x14a: {  	[sflag:s8] =	ssyncset.done $0x0;
	s15 =	rddreg [dreg:$0x13]  }
0x14b: {  	s17 =	rddreg [dreg:$0x1a];
	[sflag:s8] =	ssyncadd.s32 $0xFFFFD800  }
0x14c: {  	[hbm:s15], [sflag:s9] =	dma.local @!p0 [spmem:s17], $0x500  }
0x14d: {  	s17 =	simm.s32 @!p0 $0x4  }
0x14e: {  	_ =	swait.ge @!p0 [sflag:s17], $0x500  }
0x14f: {  	s26 =	rddreg [dreg:$0x19]  }
0x150: {  	s28 =	rddreg [dreg:$0x16];
	s15 =	sadd.s32 $0x1, s26  }
0x151: {  	p1 =	sne.s32 s15, s28  }
.Ltmp3:
0x152: {  	_ = 	snop;
	(pc) =	sbr.rel @p1 .LBB2_1-.Ltmp3, $3  }
0x153: {  	_ =	sdelay $0x1  }
0x154: {  	[sflag:s17] =	ssyncset.done @!p0 $0x0  }
0x155: {  	[sflag:s17] =	ssyncadd.s32 @!p0 $0xFFFFFB00  }
0x156: {  	_ =	sfence.sel $0x180000  }
0x157: {  	[bflag:$0x0] =	sbarrier.arrive $0xFFFF  }
0x158: {  	_ =	strace $0x90000047  }
0x159: {  	[bflag:$0x2] =	sbarrier.arrive $0xFFFF  }
0x15a: {  	s0 =	rddreg [dreg:$0x6]  }
0x15b: {  	s0 =	sadd.s32 @!p0 $0x100000, s0  }
0x15c: {  	[sflag:s0] =	ssyncadd.tile.s32 @!p0 $0x1;
	_ =	shalt  }
.Lfunc_end2:
_tile_overlayer_lowered:
.L_overlay_start_2:
0x15d: {  	(tag) =	ssettag $0x2  }
0x15e: {  	s0 =	rddreg [dreg:$0x0];
	s2 =	stileid.u32  }
0x15f: {  	s1 =	rddreg [dreg:$0x1];
	p0 =	sne.s32 s2, $0x0  }
0x160: {  	s3 =	rddreg [dreg:$0x2];
	[bflag:$0x3] =	sbarrier.arrive $0xFFFF;
	s2 =	simm.s32 @!p0 $0x1C04  }
0x161: {  	[timem:s3], [sflag:s2] =	dma.local @!p0 [hbm:s0], s1  }
0x162: {  	s0 =	simm.s32 @!p0 $0x4  }
0x163: {  	_ =	swait.ge @!p0 [sflag:s0], s1  }
0x164: {  	s1 =	ssub.s32 @!p0 $0x0, s1;
	[sflag:s0] =	ssyncset.done @!p0 $0x0  }
0x165: {  	[sflag:s0] =	ssyncadd.s32 @!p0 s1  }
0x166: {  	[bflag:$0x3] =	sbarrier.arrive $0xFFFF  }
0x167: {  	_ =	shalt  }

</sc_bundles>
